<compile_context>
chip_gen: v7x
topology: tpu7x:2x2x1
jax: 0.10.2.dev20260603
libtpu: 0.0.44.dev20260713+nightly
codegen_flags: <defaults>
</compile_context>

<pallas_src>
import functools

import jax
import jax.numpy as jnp
from jax import lax
from jax.experimental import pallas as pl
from jax.experimental.pallas import tpu as pltpu
from jax.experimental.pallas import tpu_sc as plsc

B = 4096
L = 200
D = 32
NC = 2
NS = 16
NW = NC * NS
LT = L // 8
HROWS = 4 * 128


def _sc_embed_body(x4_hbm, table_hbm, out5_hbm, idx_v, rows_v, out_v,
                   gsem0, gsem1, wsem0, wsem1):
    w = lax.axis_index("s") * NC + lax.axis_index("c")

    def idx_cp(lt):
        return pltpu.make_async_copy(x4_hbm.at[lt, w], idx_v.at[lt], wsem0)

    def idx_fire(lt, carry):
        idx_cp(lt).start()
        return carry

    def idx_drain(lt, carry):
        idx_cp(lt).wait()
        return carry

    lax.fori_loop(0, LT, idx_fire, 0)
    lax.fori_loop(0, LT, idx_drain, 0)

    lane = lax.iota(jnp.int32, 16)
    lane_hi = lane + 16
    gsems = (gsem0, gsem1)
    wsems = (wsem0, wsem1)

    def gather_cps(lt, h):
        return [
            pltpu.make_async_copy(
                table_hbm.at[idx_v.at[lt, 4 * h + k]],
                rows_v.at[h].at[pl.ds(k * 128, 128)],
                gsems[h],
            )
            for k in range(4)
        ]

    def write_cp(lt, j):
        return pltpu.make_async_copy(
            out_v.at[j, :, pl.ds(0, 1024)], out5_hbm.at[:, lt, w], wsems[j]
        )

    def transpose_half(h, j):
        def tbody(r4, rfv):
            r0 = r4 * 4
            vs = [
                (rows_v[h, r0 + k, pl.ds(0, 16)],
                 rows_v[h, r0 + k, pl.ds(16, 16)])
                for k in range(4)
            ]
            for k, (v0, v1) in enumerate(vs):
                rf = rfv + k
                plsc.store_scatter(out_v.at[j], [lane, rf], v0)
                plsc.store_scatter(out_v.at[j], [lane_hi, rf], v1)
            return rfv + 4

        lax.fori_loop(
            0, HROWS // 4, tbody, jnp.full((16,), 512 * h, jnp.int32),
            unroll=4,
        )

    for cp in gather_cps(0, 0) + gather_cps(0, 1):
        cp.start()

    def lt_body(lt, carry):
        for j in (0, 1):

            @pl.when((lt >= 2) & (lt % 2 == j))
            def _():
                write_cp(lt - 2, j).wait()

        for h in (0, 1):
            for cp in gather_cps(lt, h):
                cp.wait()

            for j in (0, 1):

                @pl.when(lt % 2 == j)
                def _():
                    transpose_half(h, j)

            @pl.when(lt + 1 < LT)
            def _():
                for cp in gather_cps(lt + 1, h):
                    cp.start()

        for j in (0, 1):

            @pl.when(lt % 2 == j)
            def _():
                write_cp(lt, j).start()

        return carry

    lax.fori_loop(0, LT, lt_body, 0)
    write_cp(LT - 2, LT % 2).wait()
    write_cp(LT - 1, (LT - 1) % 2).wait()


@jax.jit
def _embed(x4, table):
    mesh = plsc.VectorSubcoreMesh(
        core_axis_name="c", subcore_axis_name="s", num_cores=NC, num_subcores=NS
    )
    return pl.kernel(
        _sc_embed_body,
        out_type=jax.ShapeDtypeStruct((D, LT, NW, 1024), jnp.float32),
        mesh=mesh,
        scratch_types=[
            pltpu.VMEM((LT, 8, 128), jnp.int32),
            pltpu.VMEM((2, HROWS, D), jnp.float32),
            pltpu.VMEM((2, D, 1025), jnp.float32),
            pltpu.SemaphoreType.DMA,
            pltpu.SemaphoreType.DMA,
            pltpu.SemaphoreType.DMA,
            pltpu.SemaphoreType.DMA,
        ],
        compiler_params=pltpu.CompilerParams(
            needs_layout_passes=False, use_tc_tiling_on_sc=False
        ),
    )(x4, table)


def kernel(x, table):
    x4 = x.astype(jnp.int32).T.reshape(LT, 8, NW, 128).transpose(0, 2, 1, 3)
    out5 = _embed(x4, table)
    return (
        out5.reshape(D, LT, NW, 8, 128)
        .transpose(2, 4, 0, 1, 3)
        .reshape(B, D, L)
    )

# --- scband reference (transcript-rebuilt; emitter-appended) ---
"""Pipeline reference for scband-conv-format-embedding-23304492548210 (READ-ONLY COPY).

The authoritative reference and input builder live on the scoring server;
editing this copy changes nothing except your own understanding.
"""

import jax, jax.numpy as jnp
import numpy as np

NUM_EMBEDDINGS = 1000000
EMBED_DIM = 32
BATCH = 4096
SEQ = 200

def setup_inputs(seed: int = 0) -> dict:
    key = jax.random.key(seed)
    k1, k2 = jax.random.split(key)
    x = jax.random.randint(k1, (BATCH, SEQ), 0, NUM_EMBEDDINGS, dtype=jnp.int64) if jax.config.jax_enable_x64 else jax.random.randint(k1, (BATCH, SEQ), 0, NUM_EMBEDDINGS, dtype=jnp.int32)
    table = jax.random.normal(k2, (NUM_EMBEDDINGS, EMBED_DIM), dtype=jnp.float32)
    return {"x": x, "table": table}

def reference(x, table):
    # y = emb(x): gather rows of the embedding table -> [B, L, D]
    y = jnp.take(table, x, axis=0)
    # permute(0, 2, 1) -> [B, D, L]
    return jnp.transpose(y, (0, 2, 1))

if __name__ == "__main__":
    import jax
    _d = setup_inputs()
    print(jax.jit(kernel)(*tuple(_d.values())))

</pallas_src>

<mosaic_0001>
#map = affine_map<(d0, d1) -> (0, 0, 0, 0)>
#map1 = affine_map<(d0, d1) -> (0, 0)>
module attributes {stable_mosaic.version = 14 : i64} {
  func.func @_sc_embed_body(%arg0: i32, %arg1: i32, %arg2: memref<25x32x8x128xi32, #tpu.memory_space<hbm>>, %arg3: memref<1000000x32xf32, #tpu.memory_space<hbm>>, %arg4: memref<32x25x32x1024xf32, #tpu.memory_space<hbm>>, %arg5: memref<25x8x128xi32, #tpu.memory_space<vmem>>, %arg6: memref<2x512x32xf32, #tpu.memory_space<vmem>>, %arg7: memref<2x32x1025xf32, #tpu.memory_space<vmem>>, %arg8: memref<!tpu.dma_semaphore, #tpu.memory_space<semaphore_mem>>, %arg9: memref<!tpu.dma_semaphore, #tpu.memory_space<semaphore_mem>>, %arg10: memref<!tpu.dma_semaphore, #tpu.memory_space<semaphore_mem>>, %arg11: memref<!tpu.dma_semaphore, #tpu.memory_space<semaphore_mem>>) attributes {dimension_semantics = [#tpu.dimension_semantics<core_parallel>, #tpu.dimension_semantics<subcore_parallel>], iteration_bounds = array<i64: 2, 16>, scalar_prefetch = 0 : i64, scratch_operands = 7 : i64, tpu.core_type = #tpu.core_type<sc_vector_subcore>, window_params = [{transform_indices = #map}, {transform_indices = #map1}, {transform_indices = #map}]} {
    %mul3A = arith.constant 2 : i32
    %mul3A_0 = arith.muli %arg1, %mul3A : i32
    %add3A = arith.addi %mul3A_0, %arg0 : i32
    %scan3A = arith.constant 0 : i32
    %scan3A_1 = arith.constant 0 : i32
    %scan3A_2 = arith.constant 25 : i32
    %scan3A_3 = arith.addi %scan3A_1, %scan3A_2 : i32
    %scan3A_4 = arith.constant 1 : i32
    scf.for %scan3A_183 = %scan3A_1 to %scan3A_3 step %scan3A_4  : i32 {
      %dma_start3A_184 = arith.constant 0 : i32
      %dma_start3A_185 = arith.constant 0 : i32
      %dma_start3A_186 = tpu.memref_slice %arg5[%scan3A_183, %dma_start3A_184, %dma_start3A_185] : memref<25x8x128xi32, #tpu.memory_space<vmem>> -> memref<1x8x128xi32, #tpu.memory_space<vmem>>
      %dma_start3A_187 = tpu.memref_squeeze %dma_start3A_186 : memref<1x8x128xi32, #tpu.memory_space<vmem>> -> memref<8x128xi32, #tpu.memory_space<vmem>>
      %dma_start3A_188 = arith.constant 0 : i32
      %dma_start3A_189 = arith.constant 0 : i32
      %dma_start3A_190 = tpu.memref_slice %arg2[%scan3A_183, %add3A, %dma_start3A_188, %dma_start3A_189] : memref<25x32x8x128xi32, #tpu.memory_space<hbm>> -> memref<1x1x8x128xi32, #tpu.memory_space<hbm>>
      %dma_start3A_191 = tpu.memref_squeeze %dma_start3A_190 : memref<1x1x8x128xi32, #tpu.memory_space<hbm>> -> memref<8x128xi32, #tpu.memory_space<hbm>>
      %dma_start3A_192 = arith.constant 0 : i32
      %dma_start3A_193 = arith.constant 0 : i32
      %dma_start3A_194 = tpu.memref_slice %arg5[%scan3A_183, %dma_start3A_192, %dma_start3A_193] : memref<25x8x128xi32, #tpu.memory_space<vmem>> -> memref<1x8x128xi32, #tpu.memory_space<vmem>>
      %dma_start3A_195 = tpu.memref_squeeze %dma_start3A_194 : memref<1x8x128xi32, #tpu.memory_space<vmem>> -> memref<8x128xi32, #tpu.memory_space<vmem>>
      %dma_start3A_196 = arith.constant 0 : i32
      %dma_start3A_197 = arith.constant 0 : i32
      %dma_start3A_198 = tpu.memref_slice %arg2[%scan3A_183, %add3A, %dma_start3A_196, %dma_start3A_197] : memref<25x32x8x128xi32, #tpu.memory_space<hbm>> -> memref<1x1x8x128xi32, #tpu.memory_space<hbm>>
      %dma_start3A_199 = tpu.memref_squeeze %dma_start3A_198 : memref<1x1x8x128xi32, #tpu.memory_space<hbm>> -> memref<8x128xi32, #tpu.memory_space<hbm>>
      tpu.enqueue_dma source(%dma_start3A_199 : memref<8x128xi32, #tpu.memory_space<hbm>>) target(%dma_start3A_195 : memref<8x128xi32, #tpu.memory_space<vmem>>) target_semaphore(%arg10 : memref<!tpu.dma_semaphore, #tpu.memory_space<semaphore_mem>>)
    }
    %scan3A_5 = arith.constant 25 : i32
    %scan3A_6 = arith.constant 0 : i32
    %scan3A_7 = arith.constant 0 : i32
    %scan3A_8 = arith.constant 25 : i32
    %scan3A_9 = arith.addi %scan3A_7, %scan3A_8 : i32
    %scan3A_10 = arith.constant 1 : i32
    scf.for %scan3A_183 = %scan3A_7 to %scan3A_9 step %scan3A_10  : i32 {
      %dma_wait3A_184 = arith.constant 0 : i32
      %dma_wait3A_185 = arith.constant 0 : i32
      %dma_wait3A_186 = tpu.memref_slice %arg5[%scan3A_183, %dma_wait3A_184, %dma_wait3A_185] : memref<25x8x128xi32, #tpu.memory_space<vmem>> -> memref<1x8x128xi32, #tpu.memory_space<vmem>>
      %dma_wait3A_187 = tpu.memref_squeeze %dma_wait3A_186 : memref<1x8x128xi32, #tpu.memory_space<vmem>> -> memref<8x128xi32, #tpu.memory_space<vmem>>
      %dma_wait3A_188 = arith.constant 0 : i32
      %dma_wait3A_189 = arith.constant 0 : i32
      %dma_wait3A_190 = tpu.memref_slice %arg2[%scan3A_183, %add3A, %dma_wait3A_188, %dma_wait3A_189] : memref<25x32x8x128xi32, #tpu.memory_space<hbm>> -> memref<1x1x8x128xi32, #tpu.memory_space<hbm>>
      %dma_wait3A_191 = tpu.memref_squeeze %dma_wait3A_190 : memref<1x1x8x128xi32, #tpu.memory_space<hbm>> -> memref<8x128xi32, #tpu.memory_space<hbm>>
      %dma_wait3A_192 = arith.constant 0 : i32
      %dma_wait3A_193 = arith.constant 0 : i32
      %dma_wait3A_194 = tpu.memref_slice %arg5[%scan3A_183, %dma_wait3A_192, %dma_wait3A_193] : memref<25x8x128xi32, #tpu.memory_space<vmem>> -> memref<1x8x128xi32, #tpu.memory_space<vmem>>
      %dma_wait3A_195 = tpu.memref_squeeze %dma_wait3A_194 : memref<1x8x128xi32, #tpu.memory_space<vmem>> -> memref<8x128xi32, #tpu.memory_space<vmem>>
      %dma_wait3A_196 = arith.constant 0 : i32
      %dma_wait3A_197 = arith.constant 0 : i32
      %dma_wait3A_198 = tpu.memref_slice %arg2[%scan3A_183, %add3A, %dma_wait3A_196, %dma_wait3A_197] : memref<25x32x8x128xi32, #tpu.memory_space<hbm>> -> memref<1x1x8x128xi32, #tpu.memory_space<hbm>>
      %dma_wait3A_199 = tpu.memref_squeeze %dma_wait3A_198 : memref<1x1x8x128xi32, #tpu.memory_space<hbm>> -> memref<8x128xi32, #tpu.memory_space<hbm>>
      tpu.wait_dma2 semaphore(%arg10 : memref<!tpu.dma_semaphore, #tpu.memory_space<semaphore_mem>>) src(%dma_wait3A_199 : memref<8x128xi32, #tpu.memory_space<hbm>>) dst(%dma_wait3A_195 : memref<8x128xi32, #tpu.memory_space<vmem>>)
    }
    %scan3A_11 = arith.constant 25 : i32
    %iota3A = tpu.iota {dimensions = array<i32: 0>} : vector<16xi32>
    %add3A_12 = arith.constant 16 : i32
    %add3A_13 = vector.broadcast %add3A_12 : i32 to vector<16xi32>
    %add3A_14 = arith.addi %iota3A, %add3A_13 : vector<16xi32>
    %dma_start3A = arith.constant 0 : i32
    %dma_start3A_15 = arith.constant 0 : i32
    %dma_start3A_16 = arith.constant 0 : i32
    %dma_start3A_17 = arith.constant 0 : i32
    %dma_start3A_18 = arith.constant 0 : i32
    %dma_start3A_19 = tpu.memref_slice %arg6[%dma_start3A_16, %dma_start3A_17, %dma_start3A_18] : memref<2x512x32xf32, #tpu.memory_space<vmem>> -> memref<1x512x32xf32, #tpu.memory_space<vmem>>
    %dma_start3A_20 = tpu.memref_squeeze %dma_start3A_19 : memref<1x512x32xf32, #tpu.memory_space<vmem>> -> memref<512x32xf32, #tpu.memory_space<vmem>>
    %dma_start3A_21 = arith.constant 0 : i32
    %dma_start3A_22 = arith.constant 0 : i32
    %dma_start3A_23 = tpu.memref_slice %dma_start3A_20[%dma_start3A_21, %dma_start3A_22] : memref<512x32xf32, #tpu.memory_space<vmem>> -> memref<128x32xf32, #tpu.memory_space<vmem>>
    %dma_start3A_24 = arith.constant 0 : i32
    %dma_start3A_25 = tpu.memref_slice %arg5[%dma_start3A, %dma_start3A_15, %dma_start3A_24] : memref<25x8x128xi32, #tpu.memory_space<vmem>> -> memref<1x1x128xi32, #tpu.memory_space<vmem>>
    %dma_start3A_26 = tpu.memref_squeeze %dma_start3A_25 : memref<1x1x128xi32, #tpu.memory_space<vmem>> -> memref<128xi32, #tpu.memory_space<vmem>>
    %dma_start3A_27 = arith.constant 0 : i32
    %dma_start3A_28 = arith.constant 0 : i32
    %dma_start3A_29 = tpu.memref_slice %arg3[%dma_start3A_27, %dma_start3A_28] : memref<1000000x32xf32, #tpu.memory_space<hbm>> -> memref<1000000x32xf32, #tpu.memory_space<hbm>>
    tpu.enqueue_indirect_dma source(%dma_start3A_29 : memref<1000000x32xf32, #tpu.memory_space<hbm>>) target(%dma_start3A_23 : memref<128x32xf32, #tpu.memory_space<vmem>>) offsets(%dma_start3A_26 : memref<128xi32, #tpu.memory_space<vmem>>) semaphore(%arg8 : memref<!tpu.dma_semaphore, #tpu.memory_space<semaphore_mem>>)
    %dma_start3A_30 = arith.constant 0 : i32
    %dma_start3A_31 = arith.constant 1 : i32
    %dma_start3A_32 = arith.constant 0 : i32
    %dma_start3A_33 = arith.constant 0 : i32
    %dma_start3A_34 = arith.constant 0 : i32
    %dma_start3A_35 = tpu.memref_slice %arg6[%dma_start3A_32, %dma_start3A_33, %dma_start3A_34] : memref<2x512x32xf32, #tpu.memory_space<vmem>> -> memref<1x512x32xf32, #tpu.memory_space<vmem>>
    %dma_start3A_36 = tpu.memref_squeeze %dma_start3A_35 : memref<1x512x32xf32, #tpu.memory_space<vmem>> -> memref<512x32xf32, #tpu.memory_space<vmem>>
    %dma_start3A_37 = arith.constant 128 : i32
    %dma_start3A_38 = arith.constant 0 : i32
    %dma_start3A_39 = tpu.memref_slice %dma_start3A_36[%dma_start3A_37, %dma_start3A_38] : memref<512x32xf32, #tpu.memory_space<vmem>> -> memref<128x32xf32, #tpu.memory_space<vmem>>
    %dma_start3A_40 = arith.constant 0 : i32
    %dma_start3A_41 = tpu.memref_slice %arg5[%dma_start3A_30, %dma_start3A_31, %dma_start3A_40] : memref<25x8x128xi32, #tpu.memory_space<vmem>> -> memref<1x1x128xi32, #tpu.memory_space<vmem>>
    %dma_start3A_42 = tpu.memref_squeeze %dma_start3A_41 : memref<1x1x128xi32, #tpu.memory_space<vmem>> -> memref<128xi32, #tpu.memory_space<vmem>>
    %dma_start3A_43 = arith.constant 0 : i32
    %dma_start3A_44 = arith.constant 0 : i32
    %dma_start3A_45 = tpu.memref_slice %arg3[%dma_start3A_43, %dma_start3A_44] : memref<1000000x32xf32, #tpu.memory_space<hbm>> -> memref<1000000x32xf32, #tpu.memory_space<hbm>>
    tpu.enqueue_indirect_dma source(%dma_start3A_45 : memref<1000000x32xf32, #tpu.memory_space<hbm>>) target(%dma_start3A_39 : memref<128x32xf32, #tpu.memory_space<vmem>>) offsets(%dma_start3A_42 : memref<128xi32, #tpu.memory_space<vmem>>) semaphore(%arg8 : memref<!tpu.dma_semaphore, #tpu.memory_space<semaphore_mem>>)
    %dma_start3A_46 = arith.constant 0 : i32
    %dma_start3A_47 = arith.constant 2 : i32
    %dma_start3A_48 = arith.constant 0 : i32
    %dma_start3A_49 = arith.constant 0 : i32
    %dma_start3A_50 = arith.constant 0 : i32
    %dma_start3A_51 = tpu.memref_slice %arg6[%dma_start3A_48, %dma_start3A_49, %dma_start3A_50] : memref<2x512x32xf32, #tpu.memory_space<vmem>> -> memref<1x512x32xf32, #tpu.memory_space<vmem>>
    %dma_start3A_52 = tpu.memref_squeeze %dma_start3A_51 : memref<1x512x32xf32, #tpu.memory_space<vmem>> -> memref<512x32xf32, #tpu.memory_space<vmem>>
    %dma_start3A_53 = arith.constant 256 : i32
    %dma_start3A_54 = arith.constant 0 : i32
    %dma_start3A_55 = tpu.memref_slice %dma_start3A_52[%dma_start3A_53, %dma_start3A_54] : memref<512x32xf32, #tpu.memory_space<vmem>> -> memref<128x32xf32, #tpu.memory_space<vmem>>
    %dma_start3A_56 = arith.constant 0 : i32
    %dma_start3A_57 = tpu.memref_slice %arg5[%dma_start3A_46, %dma_start3A_47, %dma_start3A_56] : memref<25x8x128xi32, #tpu.memory_space<vmem>> -> memref<1x1x128xi32, #tpu.memory_space<vmem>>
    %dma_start3A_58 = tpu.memref_squeeze %dma_start3A_57 : memref<1x1x128xi32, #tpu.memory_space<vmem>> -> memref<128xi32, #tpu.memory_space<vmem>>
    %dma_start3A_59 = arith.constant 0 : i32
    %dma_start3A_60 = arith.constant 0 : i32
    %dma_start3A_61 = tpu.memref_slice %arg3[%dma_start3A_59, %dma_start3A_60] : memref<1000000x32xf32, #tpu.memory_space<hbm>> -> memref<1000000x32xf32, #tpu.memory_space<hbm>>
    tpu.enqueue_indirect_dma source(%dma_start3A_61 : memref<1000000x32xf32, #tpu.memory_space<hbm>>) target(%dma_start3A_55 : memref<128x32xf32, #tpu.memory_space<vmem>>) offsets(%dma_start3A_58 : memref<128xi32, #tpu.memory_space<vmem>>) semaphore(%arg8 : memref<!tpu.dma_semaphore, #tpu.memory_space<semaphore_mem>>)
    %dma_start3A_62 = arith.constant 0 : i32
    %dma_start3A_63 = arith.constant 3 : i32
    %dma_start3A_64 = arith.constant 0 : i32
    %dma_start3A_65 = arith.constant 0 : i32
    %dma_start3A_66 = arith.constant 0 : i32
    %dma_start3A_67 = tpu.memref_slice %arg6[%dma_start3A_64, %dma_start3A_65, %dma_start3A_66] : memref<2x512x32xf32, #tpu.memory_space<vmem>> -> memref<1x512x32xf32, #tpu.memory_space<vmem>>
    %dma_start3A_68 = tpu.memref_squeeze %dma_start3A_67 : memref<1x512x32xf32, #tpu.memory_space<vmem>> -> memref<512x32xf32, #tpu.memory_space<vmem>>
    %dma_start3A_69 = arith.constant 384 : i32
    %dma_start3A_70 = arith.constant 0 : i32
    %dma_start3A_71 = tpu.memref_slice %dma_start3A_68[%dma_start3A_69, %dma_start3A_70] : memref<512x32xf32, #tpu.memory_space<vmem>> -> memref<128x32xf32, #tpu.memory_space<vmem>>
    %dma_start3A_72 = arith.constant 0 : i32
    %dma_start3A_73 = tpu.memref_slice %arg5[%dma_start3A_62, %dma_start3A_63, %dma_start3A_72] : memref<25x8x128xi32, #tpu.memory_space<vmem>> -> memref<1x1x128xi32, #tpu.memory_space<vmem>>
    %dma_start3A_74 = tpu.memref_squeeze %dma_start3A_73 : memref<1x1x128xi32, #tpu.memory_space<vmem>> -> memref<128xi32, #tpu.memory_space<vmem>>
    %dma_start3A_75 = arith.constant 0 : i32
    %dma_start3A_76 = arith.constant 0 : i32
    %dma_start3A_77 = tpu.memref_slice %arg3[%dma_start3A_75, %dma_start3A_76] : memref<1000000x32xf32, #tpu.memory_space<hbm>> -> memref<1000000x32xf32, #tpu.memory_space<hbm>>
    tpu.enqueue_indirect_dma source(%dma_start3A_77 : memref<1000000x32xf32, #tpu.memory_space<hbm>>) target(%dma_start3A_71 : memref<128x32xf32, #tpu.memory_space<vmem>>) offsets(%dma_start3A_74 : memref<128xi32, #tpu.memory_space<vmem>>) semaphore(%arg8 : memref<!tpu.dma_semaphore, #tpu.memory_space<semaphore_mem>>)
    %dma_start3A_78 = arith.constant 0 : i32
    %dma_start3A_79 = arith.constant 4 : i32
    %dma_start3A_80 = arith.constant 1 : i32
    %dma_start3A_81 = arith.constant 0 : i32
    %dma_start3A_82 = arith.constant 0 : i32
    %dma_start3A_83 = tpu.memref_slice %arg6[%dma_start3A_80, %dma_start3A_81, %dma_start3A_82] : memref<2x512x32xf32, #tpu.memory_space<vmem>> -> memref<1x512x32xf32, #tpu.memory_space<vmem>>
    %dma_start3A_84 = tpu.memref_squeeze %dma_start3A_83 : memref<1x512x32xf32, #tpu.memory_space<vmem>> -> memref<512x32xf32, #tpu.memory_space<vmem>>
    %dma_start3A_85 = arith.constant 0 : i32
    %dma_start3A_86 = arith.constant 0 : i32
    %dma_start3A_87 = tpu.memref_slice %dma_start3A_84[%dma_start3A_85, %dma_start3A_86] : memref<512x32xf32, #tpu.memory_space<vmem>> -> memref<128x32xf32, #tpu.memory_space<vmem>>
    %dma_start3A_88 = arith.constant 0 : i32
    %dma_start3A_89 = tpu.memref_slice %arg5[%dma_start3A_78, %dma_start3A_79, %dma_start3A_88] : memref<25x8x128xi32, #tpu.memory_space<vmem>> -> memref<1x1x128xi32, #tpu.memory_space<vmem>>
    %dma_start3A_90 = tpu.memref_squeeze %dma_start3A_89 : memref<1x1x128xi32, #tpu.memory_space<vmem>> -> memref<128xi32, #tpu.memory_space<vmem>>
    %dma_start3A_91 = arith.constant 0 : i32
    %dma_start3A_92 = arith.constant 0 : i32
    %dma_start3A_93 = tpu.memref_slice %arg3[%dma_start3A_91, %dma_start3A_92] : memref<1000000x32xf32, #tpu.memory_space<hbm>> -> memref<1000000x32xf32, #tpu.memory_space<hbm>>
    tpu.enqueue_indirect_dma source(%dma_start3A_93 : memref<1000000x32xf32, #tpu.memory_space<hbm>>) target(%dma_start3A_87 : memref<128x32xf32, #tpu.memory_space<vmem>>) offsets(%dma_start3A_90 : memref<128xi32, #tpu.memory_space<vmem>>) semaphore(%arg9 : memref<!tpu.dma_semaphore, #tpu.memory_space<semaphore_mem>>)
    %dma_start3A_94 = arith.constant 0 : i32
    %dma_start3A_95 = arith.constant 5 : i32
    %dma_start3A_96 = arith.constant 1 : i32
    %dma_start3A_97 = arith.constant 0 : i32
    %dma_start3A_98 = arith.constant 0 : i32
    %dma_start3A_99 = tpu.memref_slice %arg6[%dma_start3A_96, %dma_start3A_97, %dma_start3A_98] : memref<2x512x32xf32, #tpu.memory_space<vmem>> -> memref<1x512x32xf32, #tpu.memory_space<vmem>>
    %dma_start3A_100 = tpu.memref_squeeze %dma_start3A_99 : memref<1x512x32xf32, #tpu.memory_space<vmem>> -> memref<512x32xf32, #tpu.memory_space<vmem>>
    %dma_start3A_101 = arith.constant 128 : i32
    %dma_start3A_102 = arith.constant 0 : i32
    %dma_start3A_103 = tpu.memref_slice %dma_start3A_100[%dma_start3A_101, %dma_start3A_102] : memref<512x32xf32, #tpu.memory_space<vmem>> -> memref<128x32xf32, #tpu.memory_space<vmem>>
    %dma_start3A_104 = arith.constant 0 : i32
    %dma_start3A_105 = tpu.memref_slice %arg5[%dma_start3A_94, %dma_start3A_95, %dma_start3A_104] : memref<25x8x128xi32, #tpu.memory_space<vmem>> -> memref<1x1x128xi32, #tpu.memory_space<vmem>>
    %dma_start3A_106 = tpu.memref_squeeze %dma_start3A_105 : memref<1x1x128xi32, #tpu.memory_space<vmem>> -> memref<128xi32, #tpu.memory_space<vmem>>
    %dma_start3A_107 = arith.constant 0 : i32
    %dma_start3A_108 = arith.constant 0 : i32
    %dma_start3A_109 = tpu.memref_slice %arg3[%dma_start3A_107, %dma_start3A_108] : memref<1000000x32xf32, #tpu.memory_space<hbm>> -> memref<1000000x32xf32, #tpu.memory_space<hbm>>
    tpu.enqueue_indirect_dma source(%dma_start3A_109 : memref<1000000x32xf32, #tpu.memory_space<hbm>>) target(%dma_start3A_103 : memref<128x32xf32, #tpu.memory_space<vmem>>) offsets(%dma_start3A_106 : memref<128xi32, #tpu.memory_space<vmem>>) semaphore(%arg9 : memref<!tpu.dma_semaphore, #tpu.memory_space<semaphore_mem>>)
    %dma_start3A_110 = arith.constant 0 : i32
    %dma_start3A_111 = arith.constant 6 : i32
    %dma_start3A_112 = arith.constant 1 : i32
    %dma_start3A_113 = arith.constant 0 : i32
    %dma_start3A_114 = arith.constant 0 : i32
    %dma_start3A_115 = tpu.memref_slice %arg6[%dma_start3A_112, %dma_start3A_113, %dma_start3A_114] : memref<2x512x32xf32, #tpu.memory_space<vmem>> -> memref<1x512x32xf32, #tpu.memory_space<vmem>>
    %dma_start3A_116 = tpu.memref_squeeze %dma_start3A_115 : memref<1x512x32xf32, #tpu.memory_space<vmem>> -> memref<512x32xf32, #tpu.memory_space<vmem>>
    %dma_start3A_117 = arith.constant 256 : i32
    %dma_start3A_118 = arith.constant 0 : i32
    %dma_start3A_119 = tpu.memref_slice %dma_start3A_116[%dma_start3A_117, %dma_start3A_118] : memref<512x32xf32, #tpu.memory_space<vmem>> -> memref<128x32xf32, #tpu.memory_space<vmem>>
    %dma_start3A_120 = arith.constant 0 : i32
    %dma_start3A_121 = tpu.memref_slice %arg5[%dma_start3A_110, %dma_start3A_111, %dma_start3A_120] : memref<25x8x128xi32, #tpu.memory_space<vmem>> -> memref<1x1x128xi32, #tpu.memory_space<vmem>>
    %dma_start3A_122 = tpu.memref_squeeze %dma_start3A_121 : memref<1x1x128xi32, #tpu.memory_space<vmem>> -> memref<128xi32, #tpu.memory_space<vmem>>
    %dma_start3A_123 = arith.constant 0 : i32
    %dma_start3A_124 = arith.constant 0 : i32
    %dma_start3A_125 = tpu.memref_slice %arg3[%dma_start3A_123, %dma_start3A_124] : memref<1000000x32xf32, #tpu.memory_space<hbm>> -> memref<1000000x32xf32, #tpu.memory_space<hbm>>
    tpu.enqueue_indirect_dma source(%dma_start3A_125 : memref<1000000x32xf32, #tpu.memory_space<hbm>>) target(%dma_start3A_119 : memref<128x32xf32, #tpu.memory_space<vmem>>) offsets(%dma_start3A_122 : memref<128xi32, #tpu.memory_space<vmem>>) semaphore(%arg9 : memref<!tpu.dma_semaphore, #tpu.memory_space<semaphore_mem>>)
    %dma_start3A_126 = arith.constant 0 : i32
    %dma_start3A_127 = arith.constant 7 : i32
    %dma_start3A_128 = arith.constant 1 : i32
    %dma_start3A_129 = arith.constant 0 : i32
    %dma_start3A_130 = arith.constant 0 : i32
    %dma_start3A_131 = tpu.memref_slice %arg6[%dma_start3A_128, %dma_start3A_129, %dma_start3A_130] : memref<2x512x32xf32, #tpu.memory_space<vmem>> -> memref<1x512x32xf32, #tpu.memory_space<vmem>>
    %dma_start3A_132 = tpu.memref_squeeze %dma_start3A_131 : memref<1x512x32xf32, #tpu.memory_space<vmem>> -> memref<512x32xf32, #tpu.memory_space<vmem>>
    %dma_start3A_133 = arith.constant 384 : i32
    %dma_start3A_134 = arith.constant 0 : i32
    %dma_start3A_135 = tpu.memref_slice %dma_start3A_132[%dma_start3A_133, %dma_start3A_134] : memref<512x32xf32, #tpu.memory_space<vmem>> -> memref<128x32xf32, #tpu.memory_space<vmem>>
    %dma_start3A_136 = arith.constant 0 : i32
    %dma_start3A_137 = tpu.memref_slice %arg5[%dma_start3A_126, %dma_start3A_127, %dma_start3A_136] : memref<25x8x128xi32, #tpu.memory_space<vmem>> -> memref<1x1x128xi32, #tpu.memory_space<vmem>>
    %dma_start3A_138 = tpu.memref_squeeze %dma_start3A_137 : memref<1x1x128xi32, #tpu.memory_space<vmem>> -> memref<128xi32, #tpu.memory_space<vmem>>
    %dma_start3A_139 = arith.constant 0 : i32
    %dma_start3A_140 = arith.constant 0 : i32
    %dma_start3A_141 = tpu.memref_slice %arg3[%dma_start3A_139, %dma_start3A_140] : memref<1000000x32xf32, #tpu.memory_space<hbm>> -> memref<1000000x32xf32, #tpu.memory_space<hbm>>
    tpu.enqueue_indirect_dma source(%dma_start3A_141 : memref<1000000x32xf32, #tpu.memory_space<hbm>>) target(%dma_start3A_135 : memref<128x32xf32, #tpu.memory_space<vmem>>) offsets(%dma_start3A_138 : memref<128xi32, #tpu.memory_space<vmem>>) semaphore(%arg9 : memref<!tpu.dma_semaphore, #tpu.memory_space<semaphore_mem>>)
    %scan3A_142 = arith.constant 0 : i32
    %scan3A_143 = arith.constant 0 : i32
    %scan3A_144 = arith.constant 25 : i32
    %scan3A_145 = arith.addi %scan3A_143, %scan3A_144 : i32
    %scan3A_146 = arith.constant 1 : i32
    scf.for %scan3A_183 = %scan3A_143 to %scan3A_145 step %scan3A_146  : i32 {
      %ge3A = arith.constant 2 : i32
      %ge3A_184 = arith.cmpi sge, %scan3A_183, %ge3A : i32
      %jit3A = arith.constant 2 : i32
      %eq3A = arith.constant 0 : i32
      %eq3A_185 = arith.cmpi eq, %jit3A, %eq3A : i32
      %jit3A_186 = arith.constant 1 : i32
      %select_n3A = arith.select %eq3A_185, %jit3A_186, %jit3A : i32
      %rem3A = arith.remsi %scan3A_183, %select_n3A : i32
      %ne3A = arith.constant 0 : i32
      %ne3A_187 = arith.cmpi ne, %rem3A, %ne3A : i32
      %lt3A = arith.constant 0 : i32
      %lt3A_188 = arith.cmpi slt, %rem3A, %lt3A : i32
      %lt3A_189 = arith.constant 0 : i32
      %lt3A_190 = arith.cmpi slt, %select_n3A, %lt3A_189 : i32
      %ne3A_191 = arith.xori %lt3A_188, %lt3A_190 : i1
      %and3A = arith.andi %ne3A_191, %ne3A_187 : i1
      %add3A_192 = arith.addi %rem3A, %select_n3A : i32
      %select_n3A_193 = arith.select %and3A, %add3A_192, %rem3A : i32
      %eq3A_194 = arith.constant 0 : i32
      %eq3A_195 = arith.cmpi eq, %select_n3A_193, %eq3A_194 : i32
      %and3A_196 = arith.andi %ge3A_184, %eq3A_195 : i1
      %convert_element_type3A = arith.extui %and3A_196 : i1 to i32
      %cond3A = arith.constant 0 : i32
      %cond3A_197 = arith.cmpi ne, %convert_element_type3A, %cond3A : i32
      scf.if %cond3A_197 {
        %sub3A = arith.constant 2 : i32
        %sub3A_482 = arith.subi %scan3A_183, %sub3A : i32
        %dma_wait3A_483 = arith.constant 0 : i32
        %dma_wait3A_484 = arith.constant 0 : i32
        %dma_wait3A_485 = arith.constant 0 : i32
        %dma_wait3A_486 = tpu.memref_slice %arg7[%dma_wait3A_483, %dma_wait3A_484, %dma_wait3A_485] : memref<2x32x1025xf32, #tpu.memory_space<vmem>> -> memref<1x32x1024xf32, #tpu.memory_space<vmem>>
        %dma_wait3A_487 = tpu.memref_squeeze %dma_wait3A_486 : memref<1x32x1024xf32, #tpu.memory_space<vmem>> -> memref<32x1024xf32, #tpu.memory_space<vmem>>
        %dma_wait3A_488 = arith.constant 0 : i32
        %dma_wait3A_489 = arith.constant 0 : i32
        %dma_wait3A_490 = tpu.memref_slice %arg4[%dma_wait3A_488, %sub3A_482, %add3A, %dma_wait3A_489] : memref<32x25x32x1024xf32, #tpu.memory_space<hbm>> -> memref<32x1x1x1024xf32, #tpu.memory_space<hbm>>
        %dma_wait3A_491 = tpu.memref_squeeze %dma_wait3A_490 : memref<32x1x1x1024xf32, #tpu.memory_space<hbm>> -> memref<32x1024xf32, #tpu.memory_space<hbm>>
        %dma_wait3A_492 = arith.constant 0 : i32
        %dma_wait3A_493 = arith.constant 0 : i32
        %dma_wait3A_494 = tpu.memref_slice %arg4[%dma_wait3A_492, %sub3A_482, %add3A, %dma_wait3A_493] : memref<32x25x32x1024xf32, #tpu.memory_space<hbm>> -> memref<32x1x1x1024xf32, #tpu.memory_space<hbm>>
        %dma_wait3A_495 = tpu.memref_squeeze %dma_wait3A_494 : memref<32x1x1x1024xf32, #tpu.memory_space<hbm>> -> memref<32x1024xf32, #tpu.memory_space<hbm>>
        %dma_wait3A_496 = arith.constant 0 : i32
        %dma_wait3A_497 = arith.constant 0 : i32
        %dma_wait3A_498 = tpu.memref_slice %arg7[%dma_wait3A_483, %dma_wait3A_496, %dma_wait3A_497] : memref<2x32x1025xf32, #tpu.memory_space<vmem>> -> memref<1x32x1024xf32, #tpu.memory_space<vmem>>
        %dma_wait3A_499 = tpu.memref_squeeze %dma_wait3A_498 : memref<1x32x1024xf32, #tpu.memory_space<vmem>> -> memref<32x1024xf32, #tpu.memory_space<vmem>>
        tpu.wait_dma2 semaphore(%arg10 : memref<!tpu.dma_semaphore, #tpu.memory_space<semaphore_mem>>) src(%dma_wait3A_499 : memref<32x1024xf32, #tpu.memory_space<vmem>>) dst(%dma_wait3A_495 : memref<32x1024xf32, #tpu.memory_space<hbm>>)
      } else {
      }
      %ge3A_198 = arith.constant 2 : i32
      %ge3A_199 = arith.cmpi sge, %scan3A_183, %ge3A_198 : i32
      %jit3A_200 = arith.constant 2 : i32
      %eq3A_201 = arith.constant 0 : i32
      %eq3A_202 = arith.cmpi eq, %jit3A_200, %eq3A_201 : i32
      %jit3A_203 = arith.constant 1 : i32
      %select_n3A_204 = arith.select %eq3A_202, %jit3A_203, %jit3A_200 : i32
      %rem3A_205 = arith.remsi %scan3A_183, %select_n3A_204 : i32
      %ne3A_206 = arith.constant 0 : i32
      %ne3A_207 = arith.cmpi ne, %rem3A_205, %ne3A_206 : i32
      %lt3A_208 = arith.constant 0 : i32
      %lt3A_209 = arith.cmpi slt, %rem3A_205, %lt3A_208 : i32
      %lt3A_210 = arith.constant 0 : i32
      %lt3A_211 = arith.cmpi slt, %select_n3A_204, %lt3A_210 : i32
      %ne3A_212 = arith.xori %lt3A_209, %lt3A_211 : i1
      %and3A_213 = arith.andi %ne3A_212, %ne3A_207 : i1
      %add3A_214 = arith.addi %rem3A_205, %select_n3A_204 : i32
      %select_n3A_215 = arith.select %and3A_213, %add3A_214, %rem3A_205 : i32
      %eq3A_216 = arith.constant 1 : i32
      %eq3A_217 = arith.cmpi eq, %select_n3A_215, %eq3A_216 : i32
      %and3A_218 = arith.andi %ge3A_199, %eq3A_217 : i1
      %convert_element_type3A_219 = arith.extui %and3A_218 : i1 to i32
      %cond3A_220 = arith.constant 0 : i32
      %cond3A_221 = arith.cmpi ne, %convert_element_type3A_219, %cond3A_220 : i32
      scf.if %cond3A_221 {
        %sub3A = arith.constant 2 : i32
        %sub3A_482 = arith.subi %scan3A_183, %sub3A : i32
        %dma_wait3A_483 = arith.constant 1 : i32
        %dma_wait3A_484 = arith.constant 0 : i32
        %dma_wait3A_485 = arith.constant 0 : i32
        %dma_wait3A_486 = tpu.memref_slice %arg7[%dma_wait3A_483, %dma_wait3A_484, %dma_wait3A_485] : memref<2x32x1025xf32, #tpu.memory_space<vmem>> -> memref<1x32x1024xf32, #tpu.memory_space<vmem>>
        %dma_wait3A_487 = tpu.memref_squeeze %dma_wait3A_486 : memref<1x32x1024xf32, #tpu.memory_space<vmem>> -> memref<32x1024xf32, #tpu.memory_space<vmem>>
        %dma_wait3A_488 = arith.constant 0 : i32
        %dma_wait3A_489 = arith.constant 0 : i32
        %dma_wait3A_490 = tpu.memref_slice %arg4[%dma_wait3A_488, %sub3A_482, %add3A, %dma_wait3A_489] : memref<32x25x32x1024xf32, #tpu.memory_space<hbm>> -> memref<32x1x1x1024xf32, #tpu.memory_space<hbm>>
        %dma_wait3A_491 = tpu.memref_squeeze %dma_wait3A_490 : memref<32x1x1x1024xf32, #tpu.memory_space<hbm>> -> memref<32x1024xf32, #tpu.memory_space<hbm>>
        %dma_wait3A_492 = arith.constant 0 : i32
        %dma_wait3A_493 = arith.constant 0 : i32
        %dma_wait3A_494 = tpu.memref_slice %arg4[%dma_wait3A_492, %sub3A_482, %add3A, %dma_wait3A_493] : memref<32x25x32x1024xf32, #tpu.memory_space<hbm>> -> memref<32x1x1x1024xf32, #tpu.memory_space<hbm>>
        %dma_wait3A_495 = tpu.memref_squeeze %dma_wait3A_494 : memref<32x1x1x1024xf32, #tpu.memory_space<hbm>> -> memref<32x1024xf32, #tpu.memory_space<hbm>>
        %dma_wait3A_496 = arith.constant 0 : i32
        %dma_wait3A_497 = arith.constant 0 : i32
        %dma_wait3A_498 = tpu.memref_slice %arg7[%dma_wait3A_483, %dma_wait3A_496, %dma_wait3A_497] : memref<2x32x1025xf32, #tpu.memory_space<vmem>> -> memref<1x32x1024xf32, #tpu.memory_space<vmem>>
        %dma_wait3A_499 = tpu.memref_squeeze %dma_wait3A_498 : memref<1x32x1024xf32, #tpu.memory_space<vmem>> -> memref<32x1024xf32, #tpu.memory_space<vmem>>
        tpu.wait_dma2 semaphore(%arg11 : memref<!tpu.dma_semaphore, #tpu.memory_space<semaphore_mem>>) src(%dma_wait3A_499 : memref<32x1024xf32, #tpu.memory_space<vmem>>) dst(%dma_wait3A_495 : memref<32x1024xf32, #tpu.memory_space<hbm>>)
      } else {
      }
      %dma_wait3A_222 = arith.constant 0 : i32
      %dma_wait3A_223 = arith.constant 0 : i32
      %dma_wait3A_224 = arith.constant 0 : i32
      %dma_wait3A_225 = arith.constant 0 : i32
      %dma_wait3A_226 = tpu.memref_slice %arg6[%dma_wait3A_223, %dma_wait3A_224, %dma_wait3A_225] : memref<2x512x32xf32, #tpu.memory_space<vmem>> -> memref<1x512x32xf32, #tpu.memory_space<vmem>>
      %dma_wait3A_227 = tpu.memref_squeeze %dma_wait3A_226 : memref<1x512x32xf32, #tpu.memory_space<vmem>> -> memref<512x32xf32, #tpu.memory_space<vmem>>
      %dma_wait3A_228 = arith.constant 0 : i32
      %dma_wait3A_229 = arith.constant 0 : i32
      %dma_wait3A_230 = tpu.memref_slice %dma_wait3A_227[%dma_wait3A_228, %dma_wait3A_229] : memref<512x32xf32, #tpu.memory_space<vmem>> -> memref<128x32xf32, #tpu.memory_space<vmem>>
      %dma_wait3A_231 = arith.constant 0 : i32
      %dma_wait3A_232 = tpu.memref_slice %arg5[%scan3A_183, %dma_wait3A_222, %dma_wait3A_231] : memref<25x8x128xi32, #tpu.memory_space<vmem>> -> memref<1x1x128xi32, #tpu.memory_space<vmem>>
      %dma_wait3A_233 = tpu.memref_squeeze %dma_wait3A_232 : memref<1x1x128xi32, #tpu.memory_space<vmem>> -> memref<128xi32, #tpu.memory_space<vmem>>
      %dma_wait3A_234 = arith.constant 0 : i32
      %dma_wait3A_235 = arith.constant 0 : i32
      %dma_wait3A_236 = tpu.memref_slice %arg3[%dma_wait3A_234, %dma_wait3A_235] : memref<1000000x32xf32, #tpu.memory_space<hbm>> -> memref<1000000x32xf32, #tpu.memory_space<hbm>>
      tpu.wait_indirect_dma semaphore(%arg8 : memref<!tpu.dma_semaphore, #tpu.memory_space<semaphore_mem>>) src(%dma_wait3A_236 : memref<1000000x32xf32, #tpu.memory_space<hbm>>) dst(%dma_wait3A_230 : memref<128x32xf32, #tpu.memory_space<vmem>>)
      %dma_wait3A_237 = arith.constant 1 : i32
      %dma_wait3A_238 = arith.constant 0 : i32
      %dma_wait3A_239 = arith.constant 0 : i32
      %dma_wait3A_240 = arith.constant 0 : i32
      %dma_wait3A_241 = tpu.memref_slice %arg6[%dma_wait3A_238, %dma_wait3A_239, %dma_wait3A_240] : memref<2x512x32xf32, #tpu.memory_space<vmem>> -> memref<1x512x32xf32, #tpu.memory_space<vmem>>
      %dma_wait3A_242 = tpu.memref_squeeze %dma_wait3A_241 : memref<1x512x32xf32, #tpu.memory_space<vmem>> -> memref<512x32xf32, #tpu.memory_space<vmem>>
      %dma_wait3A_243 = arith.constant 128 : i32
      %dma_wait3A_244 = arith.constant 0 : i32
      %dma_wait3A_245 = tpu.memref_slice %dma_wait3A_242[%dma_wait3A_243, %dma_wait3A_244] : memref<512x32xf32, #tpu.memory_space<vmem>> -> memref<128x32xf32, #tpu.memory_space<vmem>>
      %dma_wait3A_246 = arith.constant 0 : i32
      %dma_wait3A_247 = tpu.memref_slice %arg5[%scan3A_183, %dma_wait3A_237, %dma_wait3A_246] : memref<25x8x128xi32, #tpu.memory_space<vmem>> -> memref<1x1x128xi32, #tpu.memory_space<vmem>>
      %dma_wait3A_248 = tpu.memref_squeeze %dma_wait3A_247 : memref<1x1x128xi32, #tpu.memory_space<vmem>> -> memref<128xi32, #tpu.memory_space<vmem>>
      %dma_wait3A_249 = arith.constant 0 : i32
      %dma_wait3A_250 = arith.constant 0 : i32
      %dma_wait3A_251 = tpu.memref_slice %arg3[%dma_wait3A_249, %dma_wait3A_250] : memref<1000000x32xf32, #tpu.memory_space<hbm>> -> memref<1000000x32xf32, #tpu.memory_space<hbm>>
      tpu.wait_indirect_dma semaphore(%arg8 : memref<!tpu.dma_semaphore, #tpu.memory_space<semaphore_mem>>) src(%dma_wait3A_251 : memref<1000000x32xf32, #tpu.memory_space<hbm>>) dst(%dma_wait3A_245 : memref<128x32xf32, #tpu.memory_space<vmem>>)
      %dma_wait3A_252 = arith.constant 2 : i32
      %dma_wait3A_253 = arith.constant 0 : i32
      %dma_wait3A_254 = arith.constant 0 : i32
      %dma_wait3A_255 = arith.constant 0 : i32
      %dma_wait3A_256 = tpu.memref_slice %arg6[%dma_wait3A_253, %dma_wait3A_254, %dma_wait3A_255] : memref<2x512x32xf32, #tpu.memory_space<vmem>> -> memref<1x512x32xf32, #tpu.memory_space<vmem>>
      %dma_wait3A_257 = tpu.memref_squeeze %dma_wait3A_256 : memref<1x512x32xf32, #tpu.memory_space<vmem>> -> memref<512x32xf32, #tpu.memory_space<vmem>>
      %dma_wait3A_258 = arith.constant 256 : i32
      %dma_wait3A_259 = arith.constant 0 : i32
      %dma_wait3A_260 = tpu.memref_slice %dma_wait3A_257[%dma_wait3A_258, %dma_wait3A_259] : memref<512x32xf32, #tpu.memory_space<vmem>> -> memref<128x32xf32, #tpu.memory_space<vmem>>
      %dma_wait3A_261 = arith.constant 0 : i32
      %dma_wait3A_262 = tpu.memref_slice %arg5[%scan3A_183, %dma_wait3A_252, %dma_wait3A_261] : memref<25x8x128xi32, #tpu.memory_space<vmem>> -> memref<1x1x128xi32, #tpu.memory_space<vmem>>
      %dma_wait3A_263 = tpu.memref_squeeze %dma_wait3A_262 : memref<1x1x128xi32, #tpu.memory_space<vmem>> -> memref<128xi32, #tpu.memory_space<vmem>>
      %dma_wait3A_264 = arith.constant 0 : i32
      %dma_wait3A_265 = arith.constant 0 : i32
      %dma_wait3A_266 = tpu.memref_slice %arg3[%dma_wait3A_264, %dma_wait3A_265] : memref<1000000x32xf32, #tpu.memory_space<hbm>> -> memref<1000000x32xf32, #tpu.memory_space<hbm>>
      tpu.wait_indirect_dma semaphore(%arg8 : memref<!tpu.dma_semaphore, #tpu.memory_space<semaphore_mem>>) src(%dma_wait3A_266 : memref<1000000x32xf32, #tpu.memory_space<hbm>>) dst(%dma_wait3A_260 : memref<128x32xf32, #tpu.memory_space<vmem>>)
      %dma_wait3A_267 = arith.constant 3 : i32
      %dma_wait3A_268 = arith.constant 0 : i32
      %dma_wait3A_269 = arith.constant 0 : i32
      %dma_wait3A_270 = arith.constant 0 : i32
      %dma_wait3A_271 = tpu.memref_slice %arg6[%dma_wait3A_268, %dma_wait3A_269, %dma_wait3A_270] : memref<2x512x32xf32, #tpu.memory_space<vmem>> -> memref<1x512x32xf32, #tpu.memory_space<vmem>>
      %dma_wait3A_272 = tpu.memref_squeeze %dma_wait3A_271 : memref<1x512x32xf32, #tpu.memory_space<vmem>> -> memref<512x32xf32, #tpu.memory_space<vmem>>
      %dma_wait3A_273 = arith.constant 384 : i32
      %dma_wait3A_274 = arith.constant 0 : i32
      %dma_wait3A_275 = tpu.memref_slice %dma_wait3A_272[%dma_wait3A_273, %dma_wait3A_274] : memref<512x32xf32, #tpu.memory_space<vmem>> -> memref<128x32xf32, #tpu.memory_space<vmem>>
      %dma_wait3A_276 = arith.constant 0 : i32
      %dma_wait3A_277 = tpu.memref_slice %arg5[%scan3A_183, %dma_wait3A_267, %dma_wait3A_276] : memref<25x8x128xi32, #tpu.memory_space<vmem>> -> memref<1x1x128xi32, #tpu.memory_space<vmem>>
      %dma_wait3A_278 = tpu.memref_squeeze %dma_wait3A_277 : memref<1x1x128xi32, #tpu.memory_space<vmem>> -> memref<128xi32, #tpu.memory_space<vmem>>
      %dma_wait3A_279 = arith.constant 0 : i32
      %dma_wait3A_280 = arith.constant 0 : i32
      %dma_wait3A_281 = tpu.memref_slice %arg3[%dma_wait3A_279, %dma_wait3A_280] : memref<1000000x32xf32, #tpu.memory_space<hbm>> -> memref<1000000x32xf32, #tpu.memory_space<hbm>>
      tpu.wait_indirect_dma semaphore(%arg8 : memref<!tpu.dma_semaphore, #tpu.memory_space<semaphore_mem>>) src(%dma_wait3A_281 : memref<1000000x32xf32, #tpu.memory_space<hbm>>) dst(%dma_wait3A_275 : memref<128x32xf32, #tpu.memory_space<vmem>>)
      %jit3A_282 = arith.constant 2 : i32
      %eq3A_283 = arith.constant 0 : i32
      %eq3A_284 = arith.cmpi eq, %jit3A_282, %eq3A_283 : i32
      %jit3A_285 = arith.constant 1 : i32
      %select_n3A_286 = arith.select %eq3A_284, %jit3A_285, %jit3A_282 : i32
      %rem3A_287 = arith.remsi %scan3A_183, %select_n3A_286 : i32
      %ne3A_288 = arith.constant 0 : i32
      %ne3A_289 = arith.cmpi ne, %rem3A_287, %ne3A_288 : i32
      %lt3A_290 = arith.constant 0 : i32
      %lt3A_291 = arith.cmpi slt, %rem3A_287, %lt3A_290 : i32
      %lt3A_292 = arith.constant 0 : i32
      %lt3A_293 = arith.cmpi slt, %select_n3A_286, %lt3A_292 : i32
      %ne3A_294 = arith.xori %lt3A_291, %lt3A_293 : i1
      %and3A_295 = arith.andi %ne3A_294, %ne3A_289 : i1
      %add3A_296 = arith.addi %rem3A_287, %select_n3A_286 : i32
      %select_n3A_297 = arith.select %and3A_295, %add3A_296, %rem3A_287 : i32
      %eq3A_298 = arith.constant 0 : i32
      %eq3A_299 = arith.cmpi eq, %select_n3A_297, %eq3A_298 : i32
      %convert_element_type3A_300 = arith.extui %eq3A_299 : i1 to i32
      %cond3A_301 = arith.constant 0 : i32
      %cond3A_302 = arith.cmpi ne, %convert_element_type3A_300, %cond3A_301 : i32
      scf.if %cond3A_302 {
        %broadcast_in_dim3A = arith.constant 0 : i32
        %broadcast_in_dim3A_482 = vector.broadcast %broadcast_in_dim3A : i32 to vector<16xi32>
        %scan3A_483 = arith.constant 0 : i32
        %scan3A_484 = arith.constant 128 : i32
        %scan3A_485 = arith.addi %scan3A_483, %scan3A_484 : i32
        %scan3A_486 = arith.constant 4 : i32
        %scan3A_487 = scf.for %scan3A_489 = %scan3A_483 to %scan3A_485 step %scan3A_486 iter_args(%scan3A_490 = %broadcast_in_dim3A_482) -> (vector<16xi32>)  : i32 {
          %mul3A_491 = arith.constant 4 : i32
          %mul3A_492 = arith.muli %scan3A_489, %mul3A_491 : i32
          %add3A_493 = arith.constant 0 : i32
          %add3A_494 = arith.addi %mul3A_492, %add3A_493 : i32
          %get3A = arith.constant 0 : i32
          %get3A_495 = arith.index_cast %get3A : i32 to index
          %get3A_496 = arith.index_cast %add3A_494 : i32 to index
          %get3A_497 = arith.constant 0 : index
          %get3A_498 = tpu.vector_load %arg6[%get3A_495, %get3A_496, %get3A_497] {strides = array<i32>} : memref<2x512x32xf32, #tpu.memory_space<vmem>>, vector<16xf32>,
          %add3A_499 = arith.constant 0 : i32
          %add3A_500 = arith.addi %mul3A_492, %add3A_499 : i32
          %get3A_501 = arith.constant 0 : i32
          %get3A_502 = arith.index_cast %get3A_501 : i32 to index
          %get3A_503 = arith.index_cast %add3A_500 : i32 to index
          %get3A_504 = arith.constant 16 : index
          %get3A_505 = tpu.vector_load %arg6[%get3A_502, %get3A_503, %get3A_504] {strides = array<i32>} : memref<2x512x32xf32, #tpu.memory_space<vmem>>, vector<16xf32>,
          %add3A_506 = arith.constant 1 : i32
          %add3A_507 = arith.addi %mul3A_492, %add3A_506 : i32
          %get3A_508 = arith.constant 0 : i32
          %get3A_509 = arith.index_cast %get3A_508 : i32 to index
          %get3A_510 = arith.index_cast %add3A_507 : i32 to index
          %get3A_511 = arith.constant 0 : index
          %get3A_512 = tpu.vector_load %arg6[%get3A_509, %get3A_510, %get3A_511] {strides = array<i32>} : memref<2x512x32xf32, #tpu.memory_space<vmem>>, vector<16xf32>,
          %add3A_513 = arith.constant 1 : i32
          %add3A_514 = arith.addi %mul3A_492, %add3A_513 : i32
          %get3A_515 = arith.constant 0 : i32
          %get3A_516 = arith.index_cast %get3A_515 : i32 to index
          %get3A_517 = arith.index_cast %add3A_514 : i32 to index
          %get3A_518 = arith.constant 16 : index
          %get3A_519 = tpu.vector_load %arg6[%get3A_516, %get3A_517, %get3A_518] {strides = array<i32>} : memref<2x512x32xf32, #tpu.memory_space<vmem>>, vector<16xf32>,
          %add3A_520 = arith.constant 2 : i32
          %add3A_521 = arith.addi %mul3A_492, %add3A_520 : i32
          %get3A_522 = arith.constant 0 : i32
          %get3A_523 = arith.index_cast %get3A_522 : i32 to index
          %get3A_524 = arith.index_cast %add3A_521 : i32 to index
          %get3A_525 = arith.constant 0 : index
          %get3A_526 = tpu.vector_load %arg6[%get3A_523, %get3A_524, %get3A_525] {strides = array<i32>} : memref<2x512x32xf32, #tpu.memory_space<vmem>>, vector<16xf32>,
          %add3A_527 = arith.constant 2 : i32
          %add3A_528 = arith.addi %mul3A_492, %add3A_527 : i32
          %get3A_529 = arith.constant 0 : i32
          %get3A_530 = arith.index_cast %get3A_529 : i32 to index
          %get3A_531 = arith.index_cast %add3A_528 : i32 to index
          %get3A_532 = arith.constant 16 : index
          %get3A_533 = tpu.vector_load %arg6[%get3A_530, %get3A_531, %get3A_532] {strides = array<i32>} : memref<2x512x32xf32, #tpu.memory_space<vmem>>, vector<16xf32>,
          %add3A_534 = arith.constant 3 : i32
          %add3A_535 = arith.addi %mul3A_492, %add3A_534 : i32
          %get3A_536 = arith.constant 0 : i32
          %get3A_537 = arith.index_cast %get3A_536 : i32 to index
          %get3A_538 = arith.index_cast %add3A_535 : i32 to index
          %get3A_539 = arith.constant 0 : index
          %get3A_540 = tpu.vector_load %arg6[%get3A_537, %get3A_538, %get3A_539] {strides = array<i32>} : memref<2x512x32xf32, #tpu.memory_space<vmem>>, vector<16xf32>,
          %add3A_541 = arith.constant 3 : i32
          %add3A_542 = arith.addi %mul3A_492, %add3A_541 : i32
          %get3A_543 = arith.constant 0 : i32
          %get3A_544 = arith.index_cast %get3A_543 : i32 to index
          %get3A_545 = arith.index_cast %add3A_542 : i32 to index
          %get3A_546 = arith.constant 16 : index
          %get3A_547 = tpu.vector_load %arg6[%get3A_544, %get3A_545, %get3A_546] {strides = array<i32>} : memref<2x512x32xf32, #tpu.memory_space<vmem>>, vector<16xf32>,
          %add3A_548 = arith.constant 0 : i32
          %add3A_549 = vector.broadcast %add3A_548 : i32 to vector<16xi32>
          %add3A_550 = arith.addi %scan3A_490, %add3A_549 : vector<16xi32>
          %scatter3A = arith.constant 0 : i32
          %scatter3A_551 = arith.constant 0 : i32
          %scatter3A_552 = arith.constant 0 : i32
          %scatter3A_553 = tpu.memref_slice %arg7[%scatter3A, %scatter3A_551, %scatter3A_552] : memref<2x32x1025xf32, #tpu.memory_space<vmem>> -> memref<1x32x1025xf32, #tpu.memory_space<vmem>>
          %scatter3A_554 = tpu.memref_squeeze %scatter3A_553 : memref<1x32x1025xf32, #tpu.memory_space<vmem>> -> memref<32x1025xf32, #tpu.memory_space<vmem>>
          tpu.vector_store_idx %scatter3A_554[%iota3A, %add3A_550], %get3A_498 : memref<32x1025xf32, #tpu.memory_space<vmem>>[vector<16xi32>, vector<16xi32>], vector<16xf32>,
          %scatter3A_555 = arith.constant 0 : i32
          %scatter3A_556 = arith.constant 0 : i32
          %scatter3A_557 = arith.constant 0 : i32
          %scatter3A_558 = tpu.memref_slice %arg7[%scatter3A_555, %scatter3A_556, %scatter3A_557] : memref<2x32x1025xf32, #tpu.memory_space<vmem>> -> memref<1x32x1025xf32, #tpu.memory_space<vmem>>
          %scatter3A_559 = tpu.memref_squeeze %scatter3A_558 : memref<1x32x1025xf32, #tpu.memory_space<vmem>> -> memref<32x1025xf32, #tpu.memory_space<vmem>>
          tpu.vector_store_idx %scatter3A_559[%add3A_14, %add3A_550], %get3A_505 : memref<32x1025xf32, #tpu.memory_space<vmem>>[vector<16xi32>, vector<16xi32>], vector<16xf32>,
          %add3A_560 = arith.constant 1 : i32
          %add3A_561 = vector.broadcast %add3A_560 : i32 to vector<16xi32>
          %add3A_562 = arith.addi %scan3A_490, %add3A_561 : vector<16xi32>
          %scatter3A_563 = arith.constant 0 : i32
          %scatter3A_564 = arith.constant 0 : i32
          %scatter3A_565 = arith.constant 0 : i32
          %scatter3A_566 = tpu.memref_slice %arg7[%scatter3A_563, %scatter3A_564, %scatter3A_565] : memref<2x32x1025xf32, #tpu.memory_space<vmem>> -> memref<1x32x1025xf32, #tpu.memory_space<vmem>>
          %scatter3A_567 = tpu.memref_squeeze %scatter3A_566 : memref<1x32x1025xf32, #tpu.memory_space<vmem>> -> memref<32x1025xf32, #tpu.memory_space<vmem>>
          tpu.vector_store_idx %scatter3A_567[%iota3A, %add3A_562], %get3A_512 : memref<32x1025xf32, #tpu.memory_space<vmem>>[vector<16xi32>, vector<16xi32>], vector<16xf32>,
          %scatter3A_568 = arith.constant 0 : i32
          %scatter3A_569 = arith.constant 0 : i32
          %scatter3A_570 = arith.constant 0 : i32
          %scatter3A_571 = tpu.memref_slice %arg7[%scatter3A_568, %scatter3A_569, %scatter3A_570] : memref<2x32x1025xf32, #tpu.memory_space<vmem>> -> memref<1x32x1025xf32, #tpu.memory_space<vmem>>
          %scatter3A_572 = tpu.memref_squeeze %scatter3A_571 : memref<1x32x1025xf32, #tpu.memory_space<vmem>> -> memref<32x1025xf32, #tpu.memory_space<vmem>>
          tpu.vector_store_idx %scatter3A_572[%add3A_14, %add3A_562], %get3A_519 : memref<32x1025xf32, #tpu.memory_space<vmem>>[vector<16xi32>, vector<16xi32>], vector<16xf32>,
          %add3A_573 = arith.constant 2 : i32
          %add3A_574 = vector.broadcast %add3A_573 : i32 to vector<16xi32>
          %add3A_575 = arith.addi %scan3A_490, %add3A_574 : vector<16xi32>
          %scatter3A_576 = arith.constant 0 : i32
          %scatter3A_577 = arith.constant 0 : i32
          %scatter3A_578 = arith.constant 0 : i32
          %scatter3A_579 = tpu.memref_slice %arg7[%scatter3A_576, %scatter3A_577, %scatter3A_578] : memref<2x32x1025xf32, #tpu.memory_space<vmem>> -> memref<1x32x1025xf32, #tpu.memory_space<vmem>>
          %scatter3A_580 = tpu.memref_squeeze %scatter3A_579 : memref<1x32x1025xf32, #tpu.memory_space<vmem>> -> memref<32x1025xf32, #tpu.memory_space<vmem>>
          tpu.vector_store_idx %scatter3A_580[%iota3A, %add3A_575], %get3A_526 : memref<32x1025xf32, #tpu.memory_space<vmem>>[vector<16xi32>, vector<16xi32>], vector<16xf32>,
          %scatter3A_581 = arith.constant 0 : i32
          %scatter3A_582 = arith.constant 0 : i32
          %scatter3A_583 = arith.constant 0 : i32
          %scatter3A_584 = tpu.memref_slice %arg7[%scatter3A_581, %scatter3A_582, %scatter3A_583] : memref<2x32x1025xf32, #tpu.memory_space<vmem>> -> memref<1x32x1025xf32, #tpu.memory_space<vmem>>
          %scatter3A_585 = tpu.memref_squeeze %scatter3A_584 : memref<1x32x1025xf32, #tpu.memory_space<vmem>> -> memref<32x1025xf32, #tpu.memory_space<vmem>>
          tpu.vector_store_idx %scatter3A_585[%add3A_14, %add3A_575], %get3A_533 : memref<32x1025xf32, #tpu.memory_space<vmem>>[vector<16xi32>, vector<16xi32>], vector<16xf32>,
          %add3A_586 = arith.constant 3 : i32
          %add3A_587 = vector.broadcast %add3A_586 : i32 to vector<16xi32>
          %add3A_588 = arith.addi %scan3A_490, %add3A_587 : vector<16xi32>
          %scatter3A_589 = arith.constant 0 : i32
          %scatter3A_590 = arith.constant 0 : i32
          %scatter3A_591 = arith.constant 0 : i32
          %scatter3A_592 = tpu.memref_slice %arg7[%scatter3A_589, %scatter3A_590, %scatter3A_591] : memref<2x32x1025xf32, #tpu.memory_space<vmem>> -> memref<1x32x1025xf32, #tpu.memory_space<vmem>>
          %scatter3A_593 = tpu.memref_squeeze %scatter3A_592 : memref<1x32x1025xf32, #tpu.memory_space<vmem>> -> memref<32x1025xf32, #tpu.memory_space<vmem>>
          tpu.vector_store_idx %scatter3A_593[%iota3A, %add3A_588], %get3A_540 : memref<32x1025xf32, #tpu.memory_space<vmem>>[vector<16xi32>, vector<16xi32>], vector<16xf32>,
          %scatter3A_594 = arith.constant 0 : i32
          %scatter3A_595 = arith.constant 0 : i32
          %scatter3A_596 = arith.constant 0 : i32
          %scatter3A_597 = tpu.memref_slice %arg7[%scatter3A_594, %scatter3A_595, %scatter3A_596] : memref<2x32x1025xf32, #tpu.memory_space<vmem>> -> memref<1x32x1025xf32, #tpu.memory_space<vmem>>
          %scatter3A_598 = tpu.memref_squeeze %scatter3A_597 : memref<1x32x1025xf32, #tpu.memory_space<vmem>> -> memref<32x1025xf32, #tpu.memory_space<vmem>>
          tpu.vector_store_idx %scatter3A_598[%add3A_14, %add3A_588], %get3A_547 : memref<32x1025xf32, #tpu.memory_space<vmem>>[vector<16xi32>, vector<16xi32>], vector<16xf32>,
          %add3A_599 = arith.constant 4 : i32
          %add3A_600 = vector.broadcast %add3A_599 : i32 to vector<16xi32>
          %add3A_601 = arith.addi %scan3A_490, %add3A_600 : vector<16xi32>
          %scan3A_602 = arith.constant 1 : i32
          %scan3A_603 = arith.addi %scan3A_489, %scan3A_602 : i32
          %mul3A_604 = arith.constant 4 : i32
          %mul3A_605 = arith.muli %scan3A_603, %mul3A_604 : i32
          %add3A_606 = arith.constant 0 : i32
          %add3A_607 = arith.addi %mul3A_605, %add3A_606 : i32
          %get3A_608 = arith.constant 0 : i32
          %get3A_609 = arith.index_cast %get3A_608 : i32 to index
          %get3A_610 = arith.index_cast %add3A_607 : i32 to index
          %get3A_611 = arith.constant 0 : index
          %get3A_612 = tpu.vector_load %arg6[%get3A_609, %get3A_610, %get3A_611] {strides = array<i32>} : memref<2x512x32xf32, #tpu.memory_space<vmem>>, vector<16xf32>,
          %add3A_613 = arith.constant 0 : i32
          %add3A_614 = arith.addi %mul3A_605, %add3A_613 : i32
          %get3A_615 = arith.constant 0 : i32
          %get3A_616 = arith.index_cast %get3A_615 : i32 to index
          %get3A_617 = arith.index_cast %add3A_614 : i32 to index
          %get3A_618 = arith.constant 16 : index
          %get3A_619 = tpu.vector_load %arg6[%get3A_616, %get3A_617, %get3A_618] {strides = array<i32>} : memref<2x512x32xf32, #tpu.memory_space<vmem>>, vector<16xf32>,
          %add3A_620 = arith.constant 1 : i32
          %add3A_621 = arith.addi %mul3A_605, %add3A_620 : i32
          %get3A_622 = arith.constant 0 : i32
          %get3A_623 = arith.index_cast %get3A_622 : i32 to index
          %get3A_624 = arith.index_cast %add3A_621 : i32 to index
          %get3A_625 = arith.constant 0 : index
          %get3A_626 = tpu.vector_load %arg6[%get3A_623, %get3A_624, %get3A_625] {strides = array<i32>} : memref<2x512x32xf32, #tpu.memory_space<vmem>>, vector<16xf32>,
          %add3A_627 = arith.constant 1 : i32
          %add3A_628 = arith.addi %mul3A_605, %add3A_627 : i32
          %get3A_629 = arith.constant 0 : i32
          %get3A_630 = arith.index_cast %get3A_629 : i32 to index
          %get3A_631 = arith.index_cast %add3A_628 : i32 to index
          %get3A_632 = arith.constant 16 : index
          %get3A_633 = tpu.vector_load %arg6[%get3A_630, %get3A_631, %get3A_632] {strides = array<i32>} : memref<2x512x32xf32, #tpu.memory_space<vmem>>, vector<16xf32>,
          %add3A_634 = arith.constant 2 : i32
          %add3A_635 = arith.addi %mul3A_605, %add3A_634 : i32
          %get3A_636 = arith.constant 0 : i32
          %get3A_637 = arith.index_cast %get3A_636 : i32 to index
          %get3A_638 = arith.index_cast %add3A_635 : i32 to index
          %get3A_639 = arith.constant 0 : index
          %get3A_640 = tpu.vector_load %arg6[%get3A_637, %get3A_638, %get3A_639] {strides = array<i32>} : memref<2x512x32xf32, #tpu.memory_space<vmem>>, vector<16xf32>,
          %add3A_641 = arith.constant 2 : i32
          %add3A_642 = arith.addi %mul3A_605, %add3A_641 : i32
          %get3A_643 = arith.constant 0 : i32
          %get3A_644 = arith.index_cast %get3A_643 : i32 to index
          %get3A_645 = arith.index_cast %add3A_642 : i32 to index
          %get3A_646 = arith.constant 16 : index
          %get3A_647 = tpu.vector_load %arg6[%get3A_644, %get3A_645, %get3A_646] {strides = array<i32>} : memref<2x512x32xf32, #tpu.memory_space<vmem>>, vector<16xf32>,
          %add3A_648 = arith.constant 3 : i32
          %add3A_649 = arith.addi %mul3A_605, %add3A_648 : i32
          %get3A_650 = arith.constant 0 : i32
          %get3A_651 = arith.index_cast %get3A_650 : i32 to index
          %get3A_652 = arith.index_cast %add3A_649 : i32 to index
          %get3A_653 = arith.constant 0 : index
          %get3A_654 = tpu.vector_load %arg6[%get3A_651, %get3A_652, %get3A_653] {strides = array<i32>} : memref<2x512x32xf32, #tpu.memory_space<vmem>>, vector<16xf32>,
          %add3A_655 = arith.constant 3 : i32
          %add3A_656 = arith.addi %mul3A_605, %add3A_655 : i32
          %get3A_657 = arith.constant 0 : i32
          %get3A_658 = arith.index_cast %get3A_657 : i32 to index
          %get3A_659 = arith.index_cast %add3A_656 : i32 to index
          %get3A_660 = arith.constant 16 : index
          %get3A_661 = tpu.vector_load %arg6[%get3A_658, %get3A_659, %get3A_660] {strides = array<i32>} : memref<2x512x32xf32, #tpu.memory_space<vmem>>, vector<16xf32>,
          %add3A_662 = arith.constant 0 : i32
          %add3A_663 = vector.broadcast %add3A_662 : i32 to vector<16xi32>
          %add3A_664 = arith.addi %add3A_601, %add3A_663 : vector<16xi32>
          %scatter3A_665 = arith.constant 0 : i32
          %scatter3A_666 = arith.constant 0 : i32
          %scatter3A_667 = arith.constant 0 : i32
          %scatter3A_668 = tpu.memref_slice %arg7[%scatter3A_665, %scatter3A_666, %scatter3A_667] : memref<2x32x1025xf32, #tpu.memory_space<vmem>> -> memref<1x32x1025xf32, #tpu.memory_space<vmem>>
          %scatter3A_669 = tpu.memref_squeeze %scatter3A_668 : memref<1x32x1025xf32, #tpu.memory_space<vmem>> -> memref<32x1025xf32, #tpu.memory_space<vmem>>
          tpu.vector_store_idx %scatter3A_669[%iota3A, %add3A_664], %get3A_612 : memref<32x1025xf32, #tpu.memory_space<vmem>>[vector<16xi32>, vector<16xi32>], vector<16xf32>,
          %scatter3A_670 = arith.constant 0 : i32
          %scatter3A_671 = arith.constant 0 : i32
          %scatter3A_672 = arith.constant 0 : i32
          %scatter3A_673 = tpu.memref_slice %arg7[%scatter3A_670, %scatter3A_671, %scatter3A_672] : memref<2x32x1025xf32, #tpu.memory_space<vmem>> -> memref<1x32x1025xf32, #tpu.memory_space<vmem>>
          %scatter3A_674 = tpu.memref_squeeze %scatter3A_673 : memref<1x32x1025xf32, #tpu.memory_space<vmem>> -> memref<32x1025xf32, #tpu.memory_space<vmem>>
          tpu.vector_store_idx %scatter3A_674[%add3A_14, %add3A_664], %get3A_619 : memref<32x1025xf32, #tpu.memory_space<vmem>>[vector<16xi32>, vector<16xi32>], vector<16xf32>,
          %add3A_675 = arith.constant 1 : i32
          %add3A_676 = vector.broadcast %add3A_675 : i32 to vector<16xi32>
          %add3A_677 = arith.addi %add3A_601, %add3A_676 : vector<16xi32>
          %scatter3A_678 = arith.constant 0 : i32
          %scatter3A_679 = arith.constant 0 : i32
          %scatter3A_680 = arith.constant 0 : i32
          %scatter3A_681 = tpu.memref_slice %arg7[%scatter3A_678, %scatter3A_679, %scatter3A_680] : memref<2x32x1025xf32, #tpu.memory_space<vmem>> -> memref<1x32x1025xf32, #tpu.memory_space<vmem>>
          %scatter3A_682 = tpu.memref_squeeze %scatter3A_681 : memref<1x32x1025xf32, #tpu.memory_space<vmem>> -> memref<32x1025xf32, #tpu.memory_space<vmem>>
          tpu.vector_store_idx %scatter3A_682[%iota3A, %add3A_677], %get3A_626 : memref<32x1025xf32, #tpu.memory_space<vmem>>[vector<16xi32>, vector<16xi32>], vector<16xf32>,
          %scatter3A_683 = arith.constant 0 : i32
          %scatter3A_684 = arith.constant 0 : i32
          %scatter3A_685 = arith.constant 0 : i32
          %scatter3A_686 = tpu.memref_slice %arg7[%scatter3A_683, %scatter3A_684, %scatter3A_685] : memref<2x32x1025xf32, #tpu.memory_space<vmem>> -> memref<1x32x1025xf32, #tpu.memory_space<vmem>>
          %scatter3A_687 = tpu.memref_squeeze %scatter3A_686 : memref<1x32x1025xf32, #tpu.memory_space<vmem>> -> memref<32x1025xf32, #tpu.memory_space<vmem>>
          tpu.vector_store_idx %scatter3A_687[%add3A_14, %add3A_677], %get3A_633 : memref<32x1025xf32, #tpu.memory_space<vmem>>[vector<16xi32>, vector<16xi32>], vector<16xf32>,
          %add3A_688 = arith.constant 2 : i32
          %add3A_689 = vector.broadcast %add3A_688 : i32 to vector<16xi32>
          %add3A_690 = arith.addi %add3A_601, %add3A_689 : vector<16xi32>
          %scatter3A_691 = arith.constant 0 : i32
          %scatter3A_692 = arith.constant 0 : i32
          %scatter3A_693 = arith.constant 0 : i32
          %scatter3A_694 = tpu.memref_slice %arg7[%scatter3A_691, %scatter3A_692, %scatter3A_693] : memref<2x32x1025xf32, #tpu.memory_space<vmem>> -> memref<1x32x1025xf32, #tpu.memory_space<vmem>>
          %scatter3A_695 = tpu.memref_squeeze %scatter3A_694 : memref<1x32x1025xf32, #tpu.memory_space<vmem>> -> memref<32x1025xf32, #tpu.memory_space<vmem>>
          tpu.vector_store_idx %scatter3A_695[%iota3A, %add3A_690], %get3A_640 : memref<32x1025xf32, #tpu.memory_space<vmem>>[vector<16xi32>, vector<16xi32>], vector<16xf32>,
          %scatter3A_696 = arith.constant 0 : i32
          %scatter3A_697 = arith.constant 0 : i32
          %scatter3A_698 = arith.constant 0 : i32
          %scatter3A_699 = tpu.memref_slice %arg7[%scatter3A_696, %scatter3A_697, %scatter3A_698] : memref<2x32x1025xf32, #tpu.memory_space<vmem>> -> memref<1x32x1025xf32, #tpu.memory_space<vmem>>
          %scatter3A_700 = tpu.memref_squeeze %scatter3A_699 : memref<1x32x1025xf32, #tpu.memory_space<vmem>> -> memref<32x1025xf32, #tpu.memory_space<vmem>>
          tpu.vector_store_idx %scatter3A_700[%add3A_14, %add3A_690], %get3A_647 : memref<32x1025xf32, #tpu.memory_space<vmem>>[vector<16xi32>, vector<16xi32>], vector<16xf32>,
          %add3A_701 = arith.constant 3 : i32
          %add3A_702 = vector.broadcast %add3A_701 : i32 to vector<16xi32>
          %add3A_703 = arith.addi %add3A_601, %add3A_702 : vector<16xi32>
          %scatter3A_704 = arith.constant 0 : i32
          %scatter3A_705 = arith.constant 0 : i32
          %scatter3A_706 = arith.constant 0 : i32
          %scatter3A_707 = tpu.memref_slice %arg7[%scatter3A_704, %scatter3A_705, %scatter3A_706] : memref<2x32x1025xf32, #tpu.memory_space<vmem>> -> memref<1x32x1025xf32, #tpu.memory_space<vmem>>
          %scatter3A_708 = tpu.memref_squeeze %scatter3A_707 : memref<1x32x1025xf32, #tpu.memory_space<vmem>> -> memref<32x1025xf32, #tpu.memory_space<vmem>>
          tpu.vector_store_idx %scatter3A_708[%iota3A, %add3A_703], %get3A_654 : memref<32x1025xf32, #tpu.memory_space<vmem>>[vector<16xi32>, vector<16xi32>], vector<16xf32>,
          %scatter3A_709 = arith.constant 0 : i32
          %scatter3A_710 = arith.constant 0 : i32
          %scatter3A_711 = arith.constant 0 : i32
          %scatter3A_712 = tpu.memref_slice %arg7[%scatter3A_709, %scatter3A_710, %scatter3A_711] : memref<2x32x1025xf32, #tpu.memory_space<vmem>> -> memref<1x32x1025xf32, #tpu.memory_space<vmem>>
          %scatter3A_713 = tpu.memref_squeeze %scatter3A_712 : memref<1x32x1025xf32, #tpu.memory_space<vmem>> -> memref<32x1025xf32, #tpu.memory_space<vmem>>
          tpu.vector_store_idx %scatter3A_713[%add3A_14, %add3A_703], %get3A_661 : memref<32x1025xf32, #tpu.memory_space<vmem>>[vector<16xi32>, vector<16xi32>], vector<16xf32>,
          %add3A_714 = arith.constant 4 : i32
          %add3A_715 = vector.broadcast %add3A_714 : i32 to vector<16xi32>
          %add3A_716 = arith.addi %add3A_601, %add3A_715 : vector<16xi32>
          %scan3A_717 = arith.constant 2 : i32
          %scan3A_718 = arith.addi %scan3A_489, %scan3A_717 : i32
          %mul3A_719 = arith.constant 4 : i32
          %mul3A_720 = arith.muli %scan3A_718, %mul3A_719 : i32
          %add3A_721 = arith.constant 0 : i32
          %add3A_722 = arith.addi %mul3A_720, %add3A_721 : i32
          %get3A_723 = arith.constant 0 : i32
          %get3A_724 = arith.index_cast %get3A_723 : i32 to index
          %get3A_725 = arith.index_cast %add3A_722 : i32 to index
          %get3A_726 = arith.constant 0 : index
          %get3A_727 = tpu.vector_load %arg6[%get3A_724, %get3A_725, %get3A_726] {strides = array<i32>} : memref<2x512x32xf32, #tpu.memory_space<vmem>>, vector<16xf32>,
          %add3A_728 = arith.constant 0 : i32
          %add3A_729 = arith.addi %mul3A_720, %add3A_728 : i32
          %get3A_730 = arith.constant 0 : i32
          %get3A_731 = arith.index_cast %get3A_730 : i32 to index
          %get3A_732 = arith.index_cast %add3A_729 : i32 to index
          %get3A_733 = arith.constant 16 : index
          %get3A_734 = tpu.vector_load %arg6[%get3A_731, %get3A_732, %get3A_733] {strides = array<i32>} : memref<2x512x32xf32, #tpu.memory_space<vmem>>, vector<16xf32>,
          %add3A_735 = arith.constant 1 : i32
          %add3A_736 = arith.addi %mul3A_720, %add3A_735 : i32
          %get3A_737 = arith.constant 0 : i32
          %get3A_738 = arith.index_cast %get3A_737 : i32 to index
          %get3A_739 = arith.index_cast %add3A_736 : i32 to index
          %get3A_740 = arith.constant 0 : index
          %get3A_741 = tpu.vector_load %arg6[%get3A_738, %get3A_739, %get3A_740] {strides = array<i32>} : memref<2x512x32xf32, #tpu.memory_space<vmem>>, vector<16xf32>,
          %add3A_742 = arith.constant 1 : i32
          %add3A_743 = arith.addi %mul3A_720, %add3A_742 : i32
          %get3A_744 = arith.constant 0 : i32
          %get3A_745 = arith.index_cast %get3A_744 : i32 to index
          %get3A_746 = arith.index_cast %add3A_743 : i32 to index
          %get3A_747 = arith.constant 16 : index
          %get3A_748 = tpu.vector_load %arg6[%get3A_745, %get3A_746, %get3A_747] {strides = array<i32>} : memref<2x512x32xf32, #tpu.memory_space<vmem>>, vector<16xf32>,
          %add3A_749 = arith.constant 2 : i32
          %add3A_750 = arith.addi %mul3A_720, %add3A_749 : i32
          %get3A_751 = arith.constant 0 : i32
          %get3A_752 = arith.index_cast %get3A_751 : i32 to index
          %get3A_753 = arith.index_cast %add3A_750 : i32 to index
          %get3A_754 = arith.constant 0 : index
          %get3A_755 = tpu.vector_load %arg6[%get3A_752, %get3A_753, %get3A_754] {strides = array<i32>} : memref<2x512x32xf32, #tpu.memory_space<vmem>>, vector<16xf32>,
          %add3A_756 = arith.constant 2 : i32
          %add3A_757 = arith.addi %mul3A_720, %add3A_756 : i32
          %get3A_758 = arith.constant 0 : i32
          %get3A_759 = arith.index_cast %get3A_758 : i32 to index
          %get3A_760 = arith.index_cast %add3A_757 : i32 to index
          %get3A_761 = arith.constant 16 : index
          %get3A_762 = tpu.vector_load %arg6[%get3A_759, %get3A_760, %get3A_761] {strides = array<i32>} : memref<2x512x32xf32, #tpu.memory_space<vmem>>, vector<16xf32>,
          %add3A_763 = arith.constant 3 : i32
          %add3A_764 = arith.addi %mul3A_720, %add3A_763 : i32
          %get3A_765 = arith.constant 0 : i32
          %get3A_766 = arith.index_cast %get3A_765 : i32 to index
          %get3A_767 = arith.index_cast %add3A_764 : i32 to index
          %get3A_768 = arith.constant 0 : index
          %get3A_769 = tpu.vector_load %arg6[%get3A_766, %get3A_767, %get3A_768] {strides = array<i32>} : memref<2x512x32xf32, #tpu.memory_space<vmem>>, vector<16xf32>,
          %add3A_770 = arith.constant 3 : i32
          %add3A_771 = arith.addi %mul3A_720, %add3A_770 : i32
          %get3A_772 = arith.constant 0 : i32
          %get3A_773 = arith.index_cast %get3A_772 : i32 to index
          %get3A_774 = arith.index_cast %add3A_771 : i32 to index
          %get3A_775 = arith.constant 16 : index
          %get3A_776 = tpu.vector_load %arg6[%get3A_773, %get3A_774, %get3A_775] {strides = array<i32>} : memref<2x512x32xf32, #tpu.memory_space<vmem>>, vector<16xf32>,
          %add3A_777 = arith.constant 0 : i32
          %add3A_778 = vector.broadcast %add3A_777 : i32 to vector<16xi32>
          %add3A_779 = arith.addi %add3A_716, %add3A_778 : vector<16xi32>
          %scatter3A_780 = arith.constant 0 : i32
          %scatter3A_781 = arith.constant 0 : i32
          %scatter3A_782 = arith.constant 0 : i32
          %scatter3A_783 = tpu.memref_slice %arg7[%scatter3A_780, %scatter3A_781, %scatter3A_782] : memref<2x32x1025xf32, #tpu.memory_space<vmem>> -> memref<1x32x1025xf32, #tpu.memory_space<vmem>>
          %scatter3A_784 = tpu.memref_squeeze %scatter3A_783 : memref<1x32x1025xf32, #tpu.memory_space<vmem>> -> memref<32x1025xf32, #tpu.memory_space<vmem>>
          tpu.vector_store_idx %scatter3A_784[%iota3A, %add3A_779], %get3A_727 : memref<32x1025xf32, #tpu.memory_space<vmem>>[vector<16xi32>, vector<16xi32>], vector<16xf32>,
          %scatter3A_785 = arith.constant 0 : i32
          %scatter3A_786 = arith.constant 0 : i32
          %scatter3A_787 = arith.constant 0 : i32
          %scatter3A_788 = tpu.memref_slice %arg7[%scatter3A_785, %scatter3A_786, %scatter3A_787] : memref<2x32x1025xf32, #tpu.memory_space<vmem>> -> memref<1x32x1025xf32, #tpu.memory_space<vmem>>
          %scatter3A_789 = tpu.memref_squeeze %scatter3A_788 : memref<1x32x1025xf32, #tpu.memory_space<vmem>> -> memref<32x1025xf32, #tpu.memory_space<vmem>>
          tpu.vector_store_idx %scatter3A_789[%add3A_14, %add3A_779], %get3A_734 : memref<32x1025xf32, #tpu.memory_space<vmem>>[vector<16xi32>, vector<16xi32>], vector<16xf32>,
          %add3A_790 = arith.constant 1 : i32
          %add3A_791 = vector.broadcast %add3A_790 : i32 to vector<16xi32>
          %add3A_792 = arith.addi %add3A_716, %add3A_791 : vector<16xi32>
          %scatter3A_793 = arith.constant 0 : i32
          %scatter3A_794 = arith.constant 0 : i32
          %scatter3A_795 = arith.constant 0 : i32
          %scatter3A_796 = tpu.memref_slice %arg7[%scatter3A_793, %scatter3A_794, %scatter3A_795] : memref<2x32x1025xf32, #tpu.memory_space<vmem>> -> memref<1x32x1025xf32, #tpu.memory_space<vmem>>
          %scatter3A_797 = tpu.memref_squeeze %scatter3A_796 : memref<1x32x1025xf32, #tpu.memory_space<vmem>> -> memref<32x1025xf32, #tpu.memory_space<vmem>>
          tpu.vector_store_idx %scatter3A_797[%iota3A, %add3A_792], %get3A_741 : memref<32x1025xf32, #tpu.memory_space<vmem>>[vector<16xi32>, vector<16xi32>], vector<16xf32>,
          %scatter3A_798 = arith.constant 0 : i32
          %scatter3A_799 = arith.constant 0 : i32
          %scatter3A_800 = arith.constant 0 : i32
          %scatter3A_801 = tpu.memref_slice %arg7[%scatter3A_798, %scatter3A_799, %scatter3A_800] : memref<2x32x1025xf32, #tpu.memory_space<vmem>> -> memref<1x32x1025xf32, #tpu.memory_space<vmem>>
          %scatter3A_802 = tpu.memref_squeeze %scatter3A_801 : memref<1x32x1025xf32, #tpu.memory_space<vmem>> -> memref<32x1025xf32, #tpu.memory_space<vmem>>
          tpu.vector_store_idx %scatter3A_802[%add3A_14, %add3A_792], %get3A_748 : memref<32x1025xf32, #tpu.memory_space<vmem>>[vector<16xi32>, vector<16xi32>], vector<16xf32>,
          %add3A_803 = arith.constant 2 : i32
          %add3A_804 = vector.broadcast %add3A_803 : i32 to vector<16xi32>
          %add3A_805 = arith.addi %add3A_716, %add3A_804 : vector<16xi32>
          %scatter3A_806 = arith.constant 0 : i32
          %scatter3A_807 = arith.constant 0 : i32
          %scatter3A_808 = arith.constant 0 : i32
          %scatter3A_809 = tpu.memref_slice %arg7[%scatter3A_806, %scatter3A_807, %scatter3A_808] : memref<2x32x1025xf32, #tpu.memory_space<vmem>> -> memref<1x32x1025xf32, #tpu.memory_space<vmem>>
          %scatter3A_810 = tpu.memref_squeeze %scatter3A_809 : memref<1x32x1025xf32, #tpu.memory_space<vmem>> -> memref<32x1025xf32, #tpu.memory_space<vmem>>
          tpu.vector_store_idx %scatter3A_810[%iota3A, %add3A_805], %get3A_755 : memref<32x1025xf32, #tpu.memory_space<vmem>>[vector<16xi32>, vector<16xi32>], vector<16xf32>,
          %scatter3A_811 = arith.constant 0 : i32
          %scatter3A_812 = arith.constant 0 : i32
          %scatter3A_813 = arith.constant 0 : i32
          %scatter3A_814 = tpu.memref_slice %arg7[%scatter3A_811, %scatter3A_812, %scatter3A_813] : memref<2x32x1025xf32, #tpu.memory_space<vmem>> -> memref<1x32x1025xf32, #tpu.memory_space<vmem>>
          %scatter3A_815 = tpu.memref_squeeze %scatter3A_814 : memref<1x32x1025xf32, #tpu.memory_space<vmem>> -> memref<32x1025xf32, #tpu.memory_space<vmem>>
          tpu.vector_store_idx %scatter3A_815[%add3A_14, %add3A_805], %get3A_762 : memref<32x1025xf32, #tpu.memory_space<vmem>>[vector<16xi32>, vector<16xi32>], vector<16xf32>,
          %add3A_816 = arith.constant 3 : i32
          %add3A_817 = vector.broadcast %add3A_816 : i32 to vector<16xi32>
          %add3A_818 = arith.addi %add3A_716, %add3A_817 : vector<16xi32>
          %scatter3A_819 = arith.constant 0 : i32
          %scatter3A_820 = arith.constant 0 : i32
          %scatter3A_821 = arith.constant 0 : i32
          %scatter3A_822 = tpu.memref_slice %arg7[%scatter3A_819, %scatter3A_820, %scatter3A_821] : memref<2x32x1025xf32, #tpu.memory_space<vmem>> -> memref<1x32x1025xf32, #tpu.memory_space<vmem>>
          %scatter3A_823 = tpu.memref_squeeze %scatter3A_822 : memref<1x32x1025xf32, #tpu.memory_space<vmem>> -> memref<32x1025xf32, #tpu.memory_space<vmem>>
          tpu.vector_store_idx %scatter3A_823[%iota3A, %add3A_818], %get3A_769 : memref<32x1025xf32, #tpu.memory_space<vmem>>[vector<16xi32>, vector<16xi32>], vector<16xf32>,
          %scatter3A_824 = arith.constant 0 : i32
          %scatter3A_825 = arith.constant 0 : i32
          %scatter3A_826 = arith.constant 0 : i32
          %scatter3A_827 = tpu.memref_slice %arg7[%scatter3A_824, %scatter3A_825, %scatter3A_826] : memref<2x32x1025xf32, #tpu.memory_space<vmem>> -> memref<1x32x1025xf32, #tpu.memory_space<vmem>>
          %scatter3A_828 = tpu.memref_squeeze %scatter3A_827 : memref<1x32x1025xf32, #tpu.memory_space<vmem>> -> memref<32x1025xf32, #tpu.memory_space<vmem>>
          tpu.vector_store_idx %scatter3A_828[%add3A_14, %add3A_818], %get3A_776 : memref<32x1025xf32, #tpu.memory_space<vmem>>[vector<16xi32>, vector<16xi32>], vector<16xf32>,
          %add3A_829 = arith.constant 4 : i32
          %add3A_830 = vector.broadcast %add3A_829 : i32 to vector<16xi32>
          %add3A_831 = arith.addi %add3A_716, %add3A_830 : vector<16xi32>
          %scan3A_832 = arith.constant 3 : i32
          %scan3A_833 = arith.addi %scan3A_489, %scan3A_832 : i32
          %mul3A_834 = arith.constant 4 : i32
          %mul3A_835 = arith.muli %scan3A_833, %mul3A_834 : i32
          %add3A_836 = arith.constant 0 : i32
          %add3A_837 = arith.addi %mul3A_835, %add3A_836 : i32
          %get3A_838 = arith.constant 0 : i32
          %get3A_839 = arith.index_cast %get3A_838 : i32 to index
          %get3A_840 = arith.index_cast %add3A_837 : i32 to index
          %get3A_841 = arith.constant 0 : index
          %get3A_842 = tpu.vector_load %arg6[%get3A_839, %get3A_840, %get3A_841] {strides = array<i32>} : memref<2x512x32xf32, #tpu.memory_space<vmem>>, vector<16xf32>,
          %add3A_843 = arith.constant 0 : i32
          %add3A_844 = arith.addi %mul3A_835, %add3A_843 : i32
          %get3A_845 = arith.constant 0 : i32
          %get3A_846 = arith.index_cast %get3A_845 : i32 to index
          %get3A_847 = arith.index_cast %add3A_844 : i32 to index
          %get3A_848 = arith.constant 16 : index
          %get3A_849 = tpu.vector_load %arg6[%get3A_846, %get3A_847, %get3A_848] {strides = array<i32>} : memref<2x512x32xf32, #tpu.memory_space<vmem>>, vector<16xf32>,
          %add3A_850 = arith.constant 1 : i32
          %add3A_851 = arith.addi %mul3A_835, %add3A_850 : i32
          %get3A_852 = arith.constant 0 : i32
          %get3A_853 = arith.index_cast %get3A_852 : i32 to index
          %get3A_854 = arith.index_cast %add3A_851 : i32 to index
          %get3A_855 = arith.constant 0 : index
          %get3A_856 = tpu.vector_load %arg6[%get3A_853, %get3A_854, %get3A_855] {strides = array<i32>} : memref<2x512x32xf32, #tpu.memory_space<vmem>>, vector<16xf32>,
          %add3A_857 = arith.constant 1 : i32
          %add3A_858 = arith.addi %mul3A_835, %add3A_857 : i32
          %get3A_859 = arith.constant 0 : i32
          %get3A_860 = arith.index_cast %get3A_859 : i32 to index
          %get3A_861 = arith.index_cast %add3A_858 : i32 to index
          %get3A_862 = arith.constant 16 : index
          %get3A_863 = tpu.vector_load %arg6[%get3A_860, %get3A_861, %get3A_862] {strides = array<i32>} : memref<2x512x32xf32, #tpu.memory_space<vmem>>, vector<16xf32>,
          %add3A_864 = arith.constant 2 : i32
          %add3A_865 = arith.addi %mul3A_835, %add3A_864 : i32
          %get3A_866 = arith.constant 0 : i32
          %get3A_867 = arith.index_cast %get3A_866 : i32 to index
          %get3A_868 = arith.index_cast %add3A_865 : i32 to index
          %get3A_869 = arith.constant 0 : index
          %get3A_870 = tpu.vector_load %arg6[%get3A_867, %get3A_868, %get3A_869] {strides = array<i32>} : memref<2x512x32xf32, #tpu.memory_space<vmem>>, vector<16xf32>,
          %add3A_871 = arith.constant 2 : i32
          %add3A_872 = arith.addi %mul3A_835, %add3A_871 : i32
          %get3A_873 = arith.constant 0 : i32
          %get3A_874 = arith.index_cast %get3A_873 : i32 to index
          %get3A_875 = arith.index_cast %add3A_872 : i32 to index
          %get3A_876 = arith.constant 16 : index
          %get3A_877 = tpu.vector_load %arg6[%get3A_874, %get3A_875, %get3A_876] {strides = array<i32>} : memref<2x512x32xf32, #tpu.memory_space<vmem>>, vector<16xf32>,
          %add3A_878 = arith.constant 3 : i32
          %add3A_879 = arith.addi %mul3A_835, %add3A_878 : i32
          %get3A_880 = arith.constant 0 : i32
          %get3A_881 = arith.index_cast %get3A_880 : i32 to index
          %get3A_882 = arith.index_cast %add3A_879 : i32 to index
          %get3A_883 = arith.constant 0 : index
          %get3A_884 = tpu.vector_load %arg6[%get3A_881, %get3A_882, %get3A_883] {strides = array<i32>} : memref<2x512x32xf32, #tpu.memory_space<vmem>>, vector<16xf32>,
          %add3A_885 = arith.constant 3 : i32
          %add3A_886 = arith.addi %mul3A_835, %add3A_885 : i32
          %get3A_887 = arith.constant 0 : i32
          %get3A_888 = arith.index_cast %get3A_887 : i32 to index
          %get3A_889 = arith.index_cast %add3A_886 : i32 to index
          %get3A_890 = arith.constant 16 : index
          %get3A_891 = tpu.vector_load %arg6[%get3A_888, %get3A_889, %get3A_890] {strides = array<i32>} : memref<2x512x32xf32, #tpu.memory_space<vmem>>, vector<16xf32>,
          %add3A_892 = arith.constant 0 : i32
          %add3A_893 = vector.broadcast %add3A_892 : i32 to vector<16xi32>
          %add3A_894 = arith.addi %add3A_831, %add3A_893 : vector<16xi32>
          %scatter3A_895 = arith.constant 0 : i32
          %scatter3A_896 = arith.constant 0 : i32
          %scatter3A_897 = arith.constant 0 : i32
          %scatter3A_898 = tpu.memref_slice %arg7[%scatter3A_895, %scatter3A_896, %scatter3A_897] : memref<2x32x1025xf32, #tpu.memory_space<vmem>> -> memref<1x32x1025xf32, #tpu.memory_space<vmem>>
          %scatter3A_899 = tpu.memref_squeeze %scatter3A_898 : memref<1x32x1025xf32, #tpu.memory_space<vmem>> -> memref<32x1025xf32, #tpu.memory_space<vmem>>
          tpu.vector_store_idx %scatter3A_899[%iota3A, %add3A_894], %get3A_842 : memref<32x1025xf32, #tpu.memory_space<vmem>>[vector<16xi32>, vector<16xi32>], vector<16xf32>,
          %scatter3A_900 = arith.constant 0 : i32
          %scatter3A_901 = arith.constant 0 : i32
          %scatter3A_902 = arith.constant 0 : i32
          %scatter3A_903 = tpu.memref_slice %arg7[%scatter3A_900, %scatter3A_901, %scatter3A_902] : memref<2x32x1025xf32, #tpu.memory_space<vmem>> -> memref<1x32x1025xf32, #tpu.memory_space<vmem>>
          %scatter3A_904 = tpu.memref_squeeze %scatter3A_903 : memref<1x32x1025xf32, #tpu.memory_space<vmem>> -> memref<32x1025xf32, #tpu.memory_space<vmem>>
          tpu.vector_store_idx %scatter3A_904[%add3A_14, %add3A_894], %get3A_849 : memref<32x1025xf32, #tpu.memory_space<vmem>>[vector<16xi32>, vector<16xi32>], vector<16xf32>,
          %add3A_905 = arith.constant 1 : i32
          %add3A_906 = vector.broadcast %add3A_905 : i32 to vector<16xi32>
          %add3A_907 = arith.addi %add3A_831, %add3A_906 : vector<16xi32>
          %scatter3A_908 = arith.constant 0 : i32
          %scatter3A_909 = arith.constant 0 : i32
          %scatter3A_910 = arith.constant 0 : i32
          %scatter3A_911 = tpu.memref_slice %arg7[%scatter3A_908, %scatter3A_909, %scatter3A_910] : memref<2x32x1025xf32, #tpu.memory_space<vmem>> -> memref<1x32x1025xf32, #tpu.memory_space<vmem>>
          %scatter3A_912 = tpu.memref_squeeze %scatter3A_911 : memref<1x32x1025xf32, #tpu.memory_space<vmem>> -> memref<32x1025xf32, #tpu.memory_space<vmem>>
          tpu.vector_store_idx %scatter3A_912[%iota3A, %add3A_907], %get3A_856 : memref<32x1025xf32, #tpu.memory_space<vmem>>[vector<16xi32>, vector<16xi32>], vector<16xf32>,
          %scatter3A_913 = arith.constant 0 : i32
          %scatter3A_914 = arith.constant 0 : i32
          %scatter3A_915 = arith.constant 0 : i32
          %scatter3A_916 = tpu.memref_slice %arg7[%scatter3A_913, %scatter3A_914, %scatter3A_915] : memref<2x32x1025xf32, #tpu.memory_space<vmem>> -> memref<1x32x1025xf32, #tpu.memory_space<vmem>>
          %scatter3A_917 = tpu.memref_squeeze %scatter3A_916 : memref<1x32x1025xf32, #tpu.memory_space<vmem>> -> memref<32x1025xf32, #tpu.memory_space<vmem>>
          tpu.vector_store_idx %scatter3A_917[%add3A_14, %add3A_907], %get3A_863 : memref<32x1025xf32, #tpu.memory_space<vmem>>[vector<16xi32>, vector<16xi32>], vector<16xf32>,
          %add3A_918 = arith.constant 2 : i32
          %add3A_919 = vector.broadcast %add3A_918 : i32 to vector<16xi32>
          %add3A_920 = arith.addi %add3A_831, %add3A_919 : vector<16xi32>
          %scatter3A_921 = arith.constant 0 : i32
          %scatter3A_922 = arith.constant 0 : i32
          %scatter3A_923 = arith.constant 0 : i32
          %scatter3A_924 = tpu.memref_slice %arg7[%scatter3A_921, %scatter3A_922, %scatter3A_923] : memref<2x32x1025xf32, #tpu.memory_space<vmem>> -> memref<1x32x1025xf32, #tpu.memory_space<vmem>>
          %scatter3A_925 = tpu.memref_squeeze %scatter3A_924 : memref<1x32x1025xf32, #tpu.memory_space<vmem>> -> memref<32x1025xf32, #tpu.memory_space<vmem>>
          tpu.vector_store_idx %scatter3A_925[%iota3A, %add3A_920], %get3A_870 : memref<32x1025xf32, #tpu.memory_space<vmem>>[vector<16xi32>, vector<16xi32>], vector<16xf32>,
          %scatter3A_926 = arith.constant 0 : i32
          %scatter3A_927 = arith.constant 0 : i32
          %scatter3A_928 = arith.constant 0 : i32
          %scatter3A_929 = tpu.memref_slice %arg7[%scatter3A_926, %scatter3A_927, %scatter3A_928] : memref<2x32x1025xf32, #tpu.memory_space<vmem>> -> memref<1x32x1025xf32, #tpu.memory_space<vmem>>
          %scatter3A_930 = tpu.memref_squeeze %scatter3A_929 : memref<1x32x1025xf32, #tpu.memory_space<vmem>> -> memref<32x1025xf32, #tpu.memory_space<vmem>>
          tpu.vector_store_idx %scatter3A_930[%add3A_14, %add3A_920], %get3A_877 : memref<32x1025xf32, #tpu.memory_space<vmem>>[vector<16xi32>, vector<16xi32>], vector<16xf32>,
          %add3A_931 = arith.constant 3 : i32
          %add3A_932 = vector.broadcast %add3A_931 : i32 to vector<16xi32>
          %add3A_933 = arith.addi %add3A_831, %add3A_932 : vector<16xi32>
          %scatter3A_934 = arith.constant 0 : i32
          %scatter3A_935 = arith.constant 0 : i32
          %scatter3A_936 = arith.constant 0 : i32
          %scatter3A_937 = tpu.memref_slice %arg7[%scatter3A_934, %scatter3A_935, %scatter3A_936] : memref<2x32x1025xf32, #tpu.memory_space<vmem>> -> memref<1x32x1025xf32, #tpu.memory_space<vmem>>
          %scatter3A_938 = tpu.memref_squeeze %scatter3A_937 : memref<1x32x1025xf32, #tpu.memory_space<vmem>> -> memref<32x1025xf32, #tpu.memory_space<vmem>>
          tpu.vector_store_idx %scatter3A_938[%iota3A, %add3A_933], %get3A_884 : memref<32x1025xf32, #tpu.memory_space<vmem>>[vector<16xi32>, vector<16xi32>], vector<16xf32>,
          %scatter3A_939 = arith.constant 0 : i32
          %scatter3A_940 = arith.constant 0 : i32
          %scatter3A_941 = arith.constant 0 : i32
          %scatter3A_942 = tpu.memref_slice %arg7[%scatter3A_939, %scatter3A_940, %scatter3A_941] : memref<2x32x1025xf32, #tpu.memory_space<vmem>> -> memref<1x32x1025xf32, #tpu.memory_space<vmem>>
          %scatter3A_943 = tpu.memref_squeeze %scatter3A_942 : memref<1x32x1025xf32, #tpu.memory_space<vmem>> -> memref<32x1025xf32, #tpu.memory_space<vmem>>
          tpu.vector_store_idx %scatter3A_943[%add3A_14, %add3A_933], %get3A_891 : memref<32x1025xf32, #tpu.memory_space<vmem>>[vector<16xi32>, vector<16xi32>], vector<16xf32>,
          %add3A_944 = arith.constant 4 : i32
          %add3A_945 = vector.broadcast %add3A_944 : i32 to vector<16xi32>
          %add3A_946 = arith.addi %add3A_831, %add3A_945 : vector<16xi32>
          scf.yield %add3A_946 : vector<16xi32>
        }
        %scan3A_488 = arith.constant 128 : i32
      } else {
      }
      %jit3A_303 = arith.constant 2 : i32
      %eq3A_304 = arith.constant 0 : i32
      %eq3A_305 = arith.cmpi eq, %jit3A_303, %eq3A_304 : i32
      %jit3A_306 = arith.constant 1 : i32
      %select_n3A_307 = arith.select %eq3A_305, %jit3A_306, %jit3A_303 : i32
      %rem3A_308 = arith.remsi %scan3A_183, %select_n3A_307 : i32
      %ne3A_309 = arith.constant 0 : i32
      %ne3A_310 = arith.cmpi ne, %rem3A_308, %ne3A_309 : i32
      %lt3A_311 = arith.constant 0 : i32
      %lt3A_312 = arith.cmpi slt, %rem3A_308, %lt3A_311 : i32
      %lt3A_313 = arith.constant 0 : i32
      %lt3A_314 = arith.cmpi slt, %select_n3A_307, %lt3A_313 : i32
      %ne3A_315 = arith.xori %lt3A_312, %lt3A_314 : i1
      %and3A_316 = arith.andi %ne3A_315, %ne3A_310 : i1
      %add3A_317 = arith.addi %rem3A_308, %select_n3A_307 : i32
      %select_n3A_318 = arith.select %and3A_316, %add3A_317, %rem3A_308 : i32
      %eq3A_319 = arith.constant 1 : i32
      %eq3A_320 = arith.cmpi eq, %select_n3A_318, %eq3A_319 : i32
      %convert_element_type3A_321 = arith.extui %eq3A_320 : i1 to i32
      %cond3A_322 = arith.constant 0 : i32
      %cond3A_323 = arith.cmpi ne, %convert_element_type3A_321, %cond3A_322 : i32
      scf.if %cond3A_323 {
        %broadcast_in_dim3A = arith.constant 0 : i32
        %broadcast_in_dim3A_482 = vector.broadcast %broadcast_in_dim3A : i32 to vector<16xi32>
        %scan3A_483 = arith.constant 0 : i32
        %scan3A_484 = arith.constant 128 : i32
        %scan3A_485 = arith.addi %scan3A_483, %scan3A_484 : i32
        %scan3A_486 = arith.constant 4 : i32
        %scan3A_487 = scf.for %scan3A_489 = %scan3A_483 to %scan3A_485 step %scan3A_486 iter_args(%scan3A_490 = %broadcast_in_dim3A_482) -> (vector<16xi32>)  : i32 {
          %mul3A_491 = arith.constant 4 : i32
          %mul3A_492 = arith.muli %scan3A_489, %mul3A_491 : i32
          %add3A_493 = arith.constant 0 : i32
          %add3A_494 = arith.addi %mul3A_492, %add3A_493 : i32
          %get3A = arith.constant 0 : i32
          %get3A_495 = arith.index_cast %get3A : i32 to index
          %get3A_496 = arith.index_cast %add3A_494 : i32 to index
          %get3A_497 = arith.constant 0 : index
          %get3A_498 = tpu.vector_load %arg6[%get3A_495, %get3A_496, %get3A_497] {strides = array<i32>} : memref<2x512x32xf32, #tpu.memory_space<vmem>>, vector<16xf32>,
          %add3A_499 = arith.constant 0 : i32
          %add3A_500 = arith.addi %mul3A_492, %add3A_499 : i32
          %get3A_501 = arith.constant 0 : i32
          %get3A_502 = arith.index_cast %get3A_501 : i32 to index
          %get3A_503 = arith.index_cast %add3A_500 : i32 to index
          %get3A_504 = arith.constant 16 : index
          %get3A_505 = tpu.vector_load %arg6[%get3A_502, %get3A_503, %get3A_504] {strides = array<i32>} : memref<2x512x32xf32, #tpu.memory_space<vmem>>, vector<16xf32>,
          %add3A_506 = arith.constant 1 : i32
          %add3A_507 = arith.addi %mul3A_492, %add3A_506 : i32
          %get3A_508 = arith.constant 0 : i32
          %get3A_509 = arith.index_cast %get3A_508 : i32 to index
          %get3A_510 = arith.index_cast %add3A_507 : i32 to index
          %get3A_511 = arith.constant 0 : index
          %get3A_512 = tpu.vector_load %arg6[%get3A_509, %get3A_510, %get3A_511] {strides = array<i32>} : memref<2x512x32xf32, #tpu.memory_space<vmem>>, vector<16xf32>,
          %add3A_513 = arith.constant 1 : i32
          %add3A_514 = arith.addi %mul3A_492, %add3A_513 : i32
          %get3A_515 = arith.constant 0 : i32
          %get3A_516 = arith.index_cast %get3A_515 : i32 to index
          %get3A_517 = arith.index_cast %add3A_514 : i32 to index
          %get3A_518 = arith.constant 16 : index
          %get3A_519 = tpu.vector_load %arg6[%get3A_516, %get3A_517, %get3A_518] {strides = array<i32>} : memref<2x512x32xf32, #tpu.memory_space<vmem>>, vector<16xf32>,
          %add3A_520 = arith.constant 2 : i32
          %add3A_521 = arith.addi %mul3A_492, %add3A_520 : i32
          %get3A_522 = arith.constant 0 : i32
          %get3A_523 = arith.index_cast %get3A_522 : i32 to index
          %get3A_524 = arith.index_cast %add3A_521 : i32 to index
          %get3A_525 = arith.constant 0 : index
          %get3A_526 = tpu.vector_load %arg6[%get3A_523, %get3A_524, %get3A_525] {strides = array<i32>} : memref<2x512x32xf32, #tpu.memory_space<vmem>>, vector<16xf32>,
          %add3A_527 = arith.constant 2 : i32
          %add3A_528 = arith.addi %mul3A_492, %add3A_527 : i32
          %get3A_529 = arith.constant 0 : i32
          %get3A_530 = arith.index_cast %get3A_529 : i32 to index
          %get3A_531 = arith.index_cast %add3A_528 : i32 to index
          %get3A_532 = arith.constant 16 : index
          %get3A_533 = tpu.vector_load %arg6[%get3A_530, %get3A_531, %get3A_532] {strides = array<i32>} : memref<2x512x32xf32, #tpu.memory_space<vmem>>, vector<16xf32>,
          %add3A_534 = arith.constant 3 : i32
          %add3A_535 = arith.addi %mul3A_492, %add3A_534 : i32
          %get3A_536 = arith.constant 0 : i32
          %get3A_537 = arith.index_cast %get3A_536 : i32 to index
          %get3A_538 = arith.index_cast %add3A_535 : i32 to index
          %get3A_539 = arith.constant 0 : index
          %get3A_540 = tpu.vector_load %arg6[%get3A_537, %get3A_538, %get3A_539] {strides = array<i32>} : memref<2x512x32xf32, #tpu.memory_space<vmem>>, vector<16xf32>,
          %add3A_541 = arith.constant 3 : i32
          %add3A_542 = arith.addi %mul3A_492, %add3A_541 : i32
          %get3A_543 = arith.constant 0 : i32
          %get3A_544 = arith.index_cast %get3A_543 : i32 to index
          %get3A_545 = arith.index_cast %add3A_542 : i32 to index
          %get3A_546 = arith.constant 16 : index
          %get3A_547 = tpu.vector_load %arg6[%get3A_544, %get3A_545, %get3A_546] {strides = array<i32>} : memref<2x512x32xf32, #tpu.memory_space<vmem>>, vector<16xf32>,
          %add3A_548 = arith.constant 0 : i32
          %add3A_549 = vector.broadcast %add3A_548 : i32 to vector<16xi32>
          %add3A_550 = arith.addi %scan3A_490, %add3A_549 : vector<16xi32>
          %scatter3A = arith.constant 1 : i32
          %scatter3A_551 = arith.constant 0 : i32
          %scatter3A_552 = arith.constant 0 : i32
          %scatter3A_553 = tpu.memref_slice %arg7[%scatter3A, %scatter3A_551, %scatter3A_552] : memref<2x32x1025xf32, #tpu.memory_space<vmem>> -> memref<1x32x1025xf32, #tpu.memory_space<vmem>>
          %scatter3A_554 = tpu.memref_squeeze %scatter3A_553 : memref<1x32x1025xf32, #tpu.memory_space<vmem>> -> memref<32x1025xf32, #tpu.memory_space<vmem>>
          tpu.vector_store_idx %scatter3A_554[%iota3A, %add3A_550], %get3A_498 : memref<32x1025xf32, #tpu.memory_space<vmem>>[vector<16xi32>, vector<16xi32>], vector<16xf32>,
          %scatter3A_555 = arith.constant 1 : i32
          %scatter3A_556 = arith.constant 0 : i32
          %scatter3A_557 = arith.constant 0 : i32
          %scatter3A_558 = tpu.memref_slice %arg7[%scatter3A_555, %scatter3A_556, %scatter3A_557] : memref<2x32x1025xf32, #tpu.memory_space<vmem>> -> memref<1x32x1025xf32, #tpu.memory_space<vmem>>
          %scatter3A_559 = tpu.memref_squeeze %scatter3A_558 : memref<1x32x1025xf32, #tpu.memory_space<vmem>> -> memref<32x1025xf32, #tpu.memory_space<vmem>>
          tpu.vector_store_idx %scatter3A_559[%add3A_14, %add3A_550], %get3A_505 : memref<32x1025xf32, #tpu.memory_space<vmem>>[vector<16xi32>, vector<16xi32>], vector<16xf32>,
          %add3A_560 = arith.constant 1 : i32
          %add3A_561 = vector.broadcast %add3A_560 : i32 to vector<16xi32>
          %add3A_562 = arith.addi %scan3A_490, %add3A_561 : vector<16xi32>
          %scatter3A_563 = arith.constant 1 : i32
          %scatter3A_564 = arith.constant 0 : i32
          %scatter3A_565 = arith.constant 0 : i32
          %scatter3A_566 = tpu.memref_slice %arg7[%scatter3A_563, %scatter3A_564, %scatter3A_565] : memref<2x32x1025xf32, #tpu.memory_space<vmem>> -> memref<1x32x1025xf32, #tpu.memory_space<vmem>>
          %scatter3A_567 = tpu.memref_squeeze %scatter3A_566 : memref<1x32x1025xf32, #tpu.memory_space<vmem>> -> memref<32x1025xf32, #tpu.memory_space<vmem>>
          tpu.vector_store_idx %scatter3A_567[%iota3A, %add3A_562], %get3A_512 : memref<32x1025xf32, #tpu.memory_space<vmem>>[vector<16xi32>, vector<16xi32>], vector<16xf32>,
          %scatter3A_568 = arith.constant 1 : i32
          %scatter3A_569 = arith.constant 0 : i32
          %scatter3A_570 = arith.constant 0 : i32
          %scatter3A_571 = tpu.memref_slice %arg7[%scatter3A_568, %scatter3A_569, %scatter3A_570] : memref<2x32x1025xf32, #tpu.memory_space<vmem>> -> memref<1x32x1025xf32, #tpu.memory_space<vmem>>
          %scatter3A_572 = tpu.memref_squeeze %scatter3A_571 : memref<1x32x1025xf32, #tpu.memory_space<vmem>> -> memref<32x1025xf32, #tpu.memory_space<vmem>>
          tpu.vector_store_idx %scatter3A_572[%add3A_14, %add3A_562], %get3A_519 : memref<32x1025xf32, #tpu.memory_space<vmem>>[vector<16xi32>, vector<16xi32>], vector<16xf32>,
          %add3A_573 = arith.constant 2 : i32
          %add3A_574 = vector.broadcast %add3A_573 : i32 to vector<16xi32>
          %add3A_575 = arith.addi %scan3A_490, %add3A_574 : vector<16xi32>
          %scatter3A_576 = arith.constant 1 : i32
          %scatter3A_577 = arith.constant 0 : i32
          %scatter3A_578 = arith.constant 0 : i32
          %scatter3A_579 = tpu.memref_slice %arg7[%scatter3A_576, %scatter3A_577, %scatter3A_578] : memref<2x32x1025xf32, #tpu.memory_space<vmem>> -> memref<1x32x1025xf32, #tpu.memory_space<vmem>>
          %scatter3A_580 = tpu.memref_squeeze %scatter3A_579 : memref<1x32x1025xf32, #tpu.memory_space<vmem>> -> memref<32x1025xf32, #tpu.memory_space<vmem>>
          tpu.vector_store_idx %scatter3A_580[%iota3A, %add3A_575], %get3A_526 : memref<32x1025xf32, #tpu.memory_space<vmem>>[vector<16xi32>, vector<16xi32>], vector<16xf32>,
          %scatter3A_581 = arith.constant 1 : i32
          %scatter3A_582 = arith.constant 0 : i32
          %scatter3A_583 = arith.constant 0 : i32
          %scatter3A_584 = tpu.memref_slice %arg7[%scatter3A_581, %scatter3A_582, %scatter3A_583] : memref<2x32x1025xf32, #tpu.memory_space<vmem>> -> memref<1x32x1025xf32, #tpu.memory_space<vmem>>
          %scatter3A_585 = tpu.memref_squeeze %scatter3A_584 : memref<1x32x1025xf32, #tpu.memory_space<vmem>> -> memref<32x1025xf32, #tpu.memory_space<vmem>>
          tpu.vector_store_idx %scatter3A_585[%add3A_14, %add3A_575], %get3A_533 : memref<32x1025xf32, #tpu.memory_space<vmem>>[vector<16xi32>, vector<16xi32>], vector<16xf32>,
          %add3A_586 = arith.constant 3 : i32
          %add3A_587 = vector.broadcast %add3A_586 : i32 to vector<16xi32>
          %add3A_588 = arith.addi %scan3A_490, %add3A_587 : vector<16xi32>
          %scatter3A_589 = arith.constant 1 : i32
          %scatter3A_590 = arith.constant 0 : i32
          %scatter3A_591 = arith.constant 0 : i32
          %scatter3A_592 = tpu.memref_slice %arg7[%scatter3A_589, %scatter3A_590, %scatter3A_591] : memref<2x32x1025xf32, #tpu.memory_space<vmem>> -> memref<1x32x1025xf32, #tpu.memory_space<vmem>>
          %scatter3A_593 = tpu.memref_squeeze %scatter3A_592 : memref<1x32x1025xf32, #tpu.memory_space<vmem>> -> memref<32x1025xf32, #tpu.memory_space<vmem>>
          tpu.vector_store_idx %scatter3A_593[%iota3A, %add3A_588], %get3A_540 : memref<32x1025xf32, #tpu.memory_space<vmem>>[vector<16xi32>, vector<16xi32>], vector<16xf32>,
          %scatter3A_594 = arith.constant 1 : i32
          %scatter3A_595 = arith.constant 0 : i32
          %scatter3A_596 = arith.constant 0 : i32
          %scatter3A_597 = tpu.memref_slice %arg7[%scatter3A_594, %scatter3A_595, %scatter3A_596] : memref<2x32x1025xf32, #tpu.memory_space<vmem>> -> memref<1x32x1025xf32, #tpu.memory_space<vmem>>
          %scatter3A_598 = tpu.memref_squeeze %scatter3A_597 : memref<1x32x1025xf32, #tpu.memory_space<vmem>> -> memref<32x1025xf32, #tpu.memory_space<vmem>>
          tpu.vector_store_idx %scatter3A_598[%add3A_14, %add3A_588], %get3A_547 : memref<32x1025xf32, #tpu.memory_space<vmem>>[vector<16xi32>, vector<16xi32>], vector<16xf32>,
          %add3A_599 = arith.constant 4 : i32
          %add3A_600 = vector.broadcast %add3A_599 : i32 to vector<16xi32>
          %add3A_601 = arith.addi %scan3A_490, %add3A_600 : vector<16xi32>
          %scan3A_602 = arith.constant 1 : i32
          %scan3A_603 = arith.addi %scan3A_489, %scan3A_602 : i32
          %mul3A_604 = arith.constant 4 : i32
          %mul3A_605 = arith.muli %scan3A_603, %mul3A_604 : i32
          %add3A_606 = arith.constant 0 : i32
          %add3A_607 = arith.addi %mul3A_605, %add3A_606 : i32
          %get3A_608 = arith.constant 0 : i32
          %get3A_609 = arith.index_cast %get3A_608 : i32 to index
          %get3A_610 = arith.index_cast %add3A_607 : i32 to index
          %get3A_611 = arith.constant 0 : index
          %get3A_612 = tpu.vector_load %arg6[%get3A_609, %get3A_610, %get3A_611] {strides = array<i32>} : memref<2x512x32xf32, #tpu.memory_space<vmem>>, vector<16xf32>,
          %add3A_613 = arith.constant 0 : i32
          %add3A_614 = arith.addi %mul3A_605, %add3A_613 : i32
          %get3A_615 = arith.constant 0 : i32
          %get3A_616 = arith.index_cast %get3A_615 : i32 to index
          %get3A_617 = arith.index_cast %add3A_614 : i32 to index
          %get3A_618 = arith.constant 16 : index
          %get3A_619 = tpu.vector_load %arg6[%get3A_616, %get3A_617, %get3A_618] {strides = array<i32>} : memref<2x512x32xf32, #tpu.memory_space<vmem>>, vector<16xf32>,
          %add3A_620 = arith.constant 1 : i32
          %add3A_621 = arith.addi %mul3A_605, %add3A_620 : i32
          %get3A_622 = arith.constant 0 : i32
          %get3A_623 = arith.index_cast %get3A_622 : i32 to index
          %get3A_624 = arith.index_cast %add3A_621 : i32 to index
          %get3A_625 = arith.constant 0 : index
          %get3A_626 = tpu.vector_load %arg6[%get3A_623, %get3A_624, %get3A_625] {strides = array<i32>} : memref<2x512x32xf32, #tpu.memory_space<vmem>>, vector<16xf32>,
          %add3A_627 = arith.constant 1 : i32
          %add3A_628 = arith.addi %mul3A_605, %add3A_627 : i32
          %get3A_629 = arith.constant 0 : i32
          %get3A_630 = arith.index_cast %get3A_629 : i32 to index
          %get3A_631 = arith.index_cast %add3A_628 : i32 to index
          %get3A_632 = arith.constant 16 : index
          %get3A_633 = tpu.vector_load %arg6[%get3A_630, %get3A_631, %get3A_632] {strides = array<i32>} : memref<2x512x32xf32, #tpu.memory_space<vmem>>, vector<16xf32>,
          %add3A_634 = arith.constant 2 : i32
          %add3A_635 = arith.addi %mul3A_605, %add3A_634 : i32
          %get3A_636 = arith.constant 0 : i32
          %get3A_637 = arith.index_cast %get3A_636 : i32 to index
          %get3A_638 = arith.index_cast %add3A_635 : i32 to index
          %get3A_639 = arith.constant 0 : index
          %get3A_640 = tpu.vector_load %arg6[%get3A_637, %get3A_638, %get3A_639] {strides = array<i32>} : memref<2x512x32xf32, #tpu.memory_space<vmem>>, vector<16xf32>,
          %add3A_641 = arith.constant 2 : i32
          %add3A_642 = arith.addi %mul3A_605, %add3A_641 : i32
          %get3A_643 = arith.constant 0 : i32
          %get3A_644 = arith.index_cast %get3A_643 : i32 to index
          %get3A_645 = arith.index_cast %add3A_642 : i32 to index
          %get3A_646 = arith.constant 16 : index
          %get3A_647 = tpu.vector_load %arg6[%get3A_644, %get3A_645, %get3A_646] {strides = array<i32>} : memref<2x512x32xf32, #tpu.memory_space<vmem>>, vector<16xf32>,
          %add3A_648 = arith.constant 3 : i32
          %add3A_649 = arith.addi %mul3A_605, %add3A_648 : i32
          %get3A_650 = arith.constant 0 : i32
          %get3A_651 = arith.index_cast %get3A_650 : i32 to index
          %get3A_652 = arith.index_cast %add3A_649 : i32 to index
          %get3A_653 = arith.constant 0 : index
          %get3A_654 = tpu.vector_load %arg6[%get3A_651, %get3A_652, %get3A_653] {strides = array<i32>} : memref<2x512x32xf32, #tpu.memory_space<vmem>>, vector<16xf32>,
          %add3A_655 = arith.constant 3 : i32
          %add3A_656 = arith.addi %mul3A_605, %add3A_655 : i32
          %get3A_657 = arith.constant 0 : i32
          %get3A_658 = arith.index_cast %get3A_657 : i32 to index
          %get3A_659 = arith.index_cast %add3A_656 : i32 to index
          %get3A_660 = arith.constant 16 : index
          %get3A_661 = tpu.vector_load %arg6[%get3A_658, %get3A_659, %get3A_660] {strides = array<i32>} : memref<2x512x32xf32, #tpu.memory_space<vmem>>, vector<16xf32>,
          %add3A_662 = arith.constant 0 : i32
          %add3A_663 = vector.broadcast %add3A_662 : i32 to vector<16xi32>
          %add3A_664 = arith.addi %add3A_601, %add3A_663 : vector<16xi32>
          %scatter3A_665 = arith.constant 1 : i32
          %scatter3A_666 = arith.constant 0 : i32
          %scatter3A_667 = arith.constant 0 : i32
          %scatter3A_668 = tpu.memref_slice %arg7[%scatter3A_665, %scatter3A_666, %scatter3A_667] : memref<2x32x1025xf32, #tpu.memory_space<vmem>> -> memref<1x32x1025xf32, #tpu.memory_space<vmem>>
          %scatter3A_669 = tpu.memref_squeeze %scatter3A_668 : memref<1x32x1025xf32, #tpu.memory_space<vmem>> -> memref<32x1025xf32, #tpu.memory_space<vmem>>
          tpu.vector_store_idx %scatter3A_669[%iota3A, %add3A_664], %get3A_612 : memref<32x1025xf32, #tpu.memory_space<vmem>>[vector<16xi32>, vector<16xi32>], vector<16xf32>,
          %scatter3A_670 = arith.constant 1 : i32
          %scatter3A_671 = arith.constant 0 : i32
          %scatter3A_672 = arith.constant 0 : i32
          %scatter3A_673 = tpu.memref_slice %arg7[%scatter3A_670, %scatter3A_671, %scatter3A_672] : memref<2x32x1025xf32, #tpu.memory_space<vmem>> -> memref<1x32x1025xf32, #tpu.memory_space<vmem>>
          %scatter3A_674 = tpu.memref_squeeze %scatter3A_673 : memref<1x32x1025xf32, #tpu.memory_space<vmem>> -> memref<32x1025xf32, #tpu.memory_space<vmem>>
          tpu.vector_store_idx %scatter3A_674[%add3A_14, %add3A_664], %get3A_619 : memref<32x1025xf32, #tpu.memory_space<vmem>>[vector<16xi32>, vector<16xi32>], vector<16xf32>,
          %add3A_675 = arith.constant 1 : i32
          %add3A_676 = vector.broadcast %add3A_675 : i32 to vector<16xi32>
          %add3A_677 = arith.addi %add3A_601, %add3A_676 : vector<16xi32>
          %scatter3A_678 = arith.constant 1 : i32
          %scatter3A_679 = arith.constant 0 : i32
          %scatter3A_680 = arith.constant 0 : i32
          %scatter3A_681 = tpu.memref_slice %arg7[%scatter3A_678, %scatter3A_679, %scatter3A_680] : memref<2x32x1025xf32, #tpu.memory_space<vmem>> -> memref<1x32x1025xf32, #tpu.memory_space<vmem>>
          %scatter3A_682 = tpu.memref_squeeze %scatter3A_681 : memref<1x32x1025xf32, #tpu.memory_space<vmem>> -> memref<32x1025xf32, #tpu.memory_space<vmem>>
          tpu.vector_store_idx %scatter3A_682[%iota3A, %add3A_677], %get3A_626 : memref<32x1025xf32, #tpu.memory_space<vmem>>[vector<16xi32>, vector<16xi32>], vector<16xf32>,
          %scatter3A_683 = arith.constant 1 : i32
          %scatter3A_684 = arith.constant 0 : i32
          %scatter3A_685 = arith.constant 0 : i32
          %scatter3A_686 = tpu.memref_slice %arg7[%scatter3A_683, %scatter3A_684, %scatter3A_685] : memref<2x32x1025xf32, #tpu.memory_space<vmem>> -> memref<1x32x1025xf32, #tpu.memory_space<vmem>>
          %scatter3A_687 = tpu.memref_squeeze %scatter3A_686 : memref<1x32x1025xf32, #tpu.memory_space<vmem>> -> memref<32x1025xf32, #tpu.memory_space<vmem>>
          tpu.vector_store_idx %scatter3A_687[%add3A_14, %add3A_677], %get3A_633 : memref<32x1025xf32, #tpu.memory_space<vmem>>[vector<16xi32>, vector<16xi32>], vector<16xf32>,
          %add3A_688 = arith.constant 2 : i32
          %add3A_689 = vector.broadcast %add3A_688 : i32 to vector<16xi32>
          %add3A_690 = arith.addi %add3A_601, %add3A_689 : vector<16xi32>
          %scatter3A_691 = arith.constant 1 : i32
          %scatter3A_692 = arith.constant 0 : i32
          %scatter3A_693 = arith.constant 0 : i32
          %scatter3A_694 = tpu.memref_slice %arg7[%scatter3A_691, %scatter3A_692, %scatter3A_693] : memref<2x32x1025xf32, #tpu.memory_space<vmem>> -> memref<1x32x1025xf32, #tpu.memory_space<vmem>>
          %scatter3A_695 = tpu.memref_squeeze %scatter3A_694 : memref<1x32x1025xf32, #tpu.memory_space<vmem>> -> memref<32x1025xf32, #tpu.memory_space<vmem>>
          tpu.vector_store_idx %scatter3A_695[%iota3A, %add3A_690], %get3A_640 : memref<32x1025xf32, #tpu.memory_space<vmem>>[vector<16xi32>, vector<16xi32>], vector<16xf32>,
          %scatter3A_696 = arith.constant 1 : i32
          %scatter3A_697 = arith.constant 0 : i32
          %scatter3A_698 = arith.constant 0 : i32
          %scatter3A_699 = tpu.memref_slice %arg7[%scatter3A_696, %scatter3A_697, %scatter3A_698] : memref<2x32x1025xf32, #tpu.memory_space<vmem>> -> memref<1x32x1025xf32, #tpu.memory_space<vmem>>
          %scatter3A_700 = tpu.memref_squeeze %scatter3A_699 : memref<1x32x1025xf32, #tpu.memory_space<vmem>> -> memref<32x1025xf32, #tpu.memory_space<vmem>>
          tpu.vector_store_idx %scatter3A_700[%add3A_14, %add3A_690], %get3A_647 : memref<32x1025xf32, #tpu.memory_space<vmem>>[vector<16xi32>, vector<16xi32>], vector<16xf32>,
          %add3A_701 = arith.constant 3 : i32
          %add3A_702 = vector.broadcast %add3A_701 : i32 to vector<16xi32>
          %add3A_703 = arith.addi %add3A_601, %add3A_702 : vector<16xi32>
          %scatter3A_704 = arith.constant 1 : i32
          %scatter3A_705 = arith.constant 0 : i32
          %scatter3A_706 = arith.constant 0 : i32
          %scatter3A_707 = tpu.memref_slice %arg7[%scatter3A_704, %scatter3A_705, %scatter3A_706] : memref<2x32x1025xf32, #tpu.memory_space<vmem>> -> memref<1x32x1025xf32, #tpu.memory_space<vmem>>
          %scatter3A_708 = tpu.memref_squeeze %scatter3A_707 : memref<1x32x1025xf32, #tpu.memory_space<vmem>> -> memref<32x1025xf32, #tpu.memory_space<vmem>>
          tpu.vector_store_idx %scatter3A_708[%iota3A, %add3A_703], %get3A_654 : memref<32x1025xf32, #tpu.memory_space<vmem>>[vector<16xi32>, vector<16xi32>], vector<16xf32>,
          %scatter3A_709 = arith.constant 1 : i32
          %scatter3A_710 = arith.constant 0 : i32
          %scatter3A_711 = arith.constant 0 : i32
          %scatter3A_712 = tpu.memref_slice %arg7[%scatter3A_709, %scatter3A_710, %scatter3A_711] : memref<2x32x1025xf32, #tpu.memory_space<vmem>> -> memref<1x32x1025xf32, #tpu.memory_space<vmem>>
          %scatter3A_713 = tpu.memref_squeeze %scatter3A_712 : memref<1x32x1025xf32, #tpu.memory_space<vmem>> -> memref<32x1025xf32, #tpu.memory_space<vmem>>
          tpu.vector_store_idx %scatter3A_713[%add3A_14, %add3A_703], %get3A_661 : memref<32x1025xf32, #tpu.memory_space<vmem>>[vector<16xi32>, vector<16xi32>], vector<16xf32>,
          %add3A_714 = arith.constant 4 : i32
          %add3A_715 = vector.broadcast %add3A_714 : i32 to vector<16xi32>
          %add3A_716 = arith.addi %add3A_601, %add3A_715 : vector<16xi32>
          %scan3A_717 = arith.constant 2 : i32
          %scan3A_718 = arith.addi %scan3A_489, %scan3A_717 : i32
          %mul3A_719 = arith.constant 4 : i32
          %mul3A_720 = arith.muli %scan3A_718, %mul3A_719 : i32
          %add3A_721 = arith.constant 0 : i32
          %add3A_722 = arith.addi %mul3A_720, %add3A_721 : i32
          %get3A_723 = arith.constant 0 : i32
          %get3A_724 = arith.index_cast %get3A_723 : i32 to index
          %get3A_725 = arith.index_cast %add3A_722 : i32 to index
          %get3A_726 = arith.constant 0 : index
          %get3A_727 = tpu.vector_load %arg6[%get3A_724, %get3A_725, %get3A_726] {strides = array<i32>} : memref<2x512x32xf32, #tpu.memory_space<vmem>>, vector<16xf32>,
          %add3A_728 = arith.constant 0 : i32
          %add3A_729 = arith.addi %mul3A_720, %add3A_728 : i32
          %get3A_730 = arith.constant 0 : i32
          %get3A_731 = arith.index_cast %get3A_730 : i32 to index
          %get3A_732 = arith.index_cast %add3A_729 : i32 to index
          %get3A_733 = arith.constant 16 : index
          %get3A_734 = tpu.vector_load %arg6[%get3A_731, %get3A_732, %get3A_733] {strides = array<i32>} : memref<2x512x32xf32, #tpu.memory_space<vmem>>, vector<16xf32>,
          %add3A_735 = arith.constant 1 : i32
          %add3A_736 = arith.addi %mul3A_720, %add3A_735 : i32
          %get3A_737 = arith.constant 0 : i32
          %get3A_738 = arith.index_cast %get3A_737 : i32 to index
          %get3A_739 = arith.index_cast %add3A_736 : i32 to index
          %get3A_740 = arith.constant 0 : index
          %get3A_741 = tpu.vector_load %arg6[%get3A_738, %get3A_739, %get3A_740] {strides = array<i32>} : memref<2x512x32xf32, #tpu.memory_space<vmem>>, vector<16xf32>,
          %add3A_742 = arith.constant 1 : i32
          %add3A_743 = arith.addi %mul3A_720, %add3A_742 : i32
          %get3A_744 = arith.constant 0 : i32
          %get3A_745 = arith.index_cast %get3A_744 : i32 to index
          %get3A_746 = arith.index_cast %add3A_743 : i32 to index
          %get3A_747 = arith.constant 16 : index
          %get3A_748 = tpu.vector_load %arg6[%get3A_745, %get3A_746, %get3A_747] {strides = array<i32>} : memref<2x512x32xf32, #tpu.memory_space<vmem>>, vector<16xf32>,
          %add3A_749 = arith.constant 2 : i32
          %add3A_750 = arith.addi %mul3A_720, %add3A_749 : i32
          %get3A_751 = arith.constant 0 : i32
          %get3A_752 = arith.index_cast %get3A_751 : i32 to index
          %get3A_753 = arith.index_cast %add3A_750 : i32 to index
          %get3A_754 = arith.constant 0 : index
          %get3A_755 = tpu.vector_load %arg6[%get3A_752, %get3A_753, %get3A_754] {strides = array<i32>} : memref<2x512x32xf32, #tpu.memory_space<vmem>>, vector<16xf32>,
          %add3A_756 = arith.constant 2 : i32
          %add3A_757 = arith.addi %mul3A_720, %add3A_756 : i32
          %get3A_758 = arith.constant 0 : i32
          %get3A_759 = arith.index_cast %get3A_758 : i32 to index
          %get3A_760 = arith.index_cast %add3A_757 : i32 to index
          %get3A_761 = arith.constant 16 : index
          %get3A_762 = tpu.vector_load %arg6[%get3A_759, %get3A_760, %get3A_761] {strides = array<i32>} : memref<2x512x32xf32, #tpu.memory_space<vmem>>, vector<16xf32>,
          %add3A_763 = arith.constant 3 : i32
          %add3A_764 = arith.addi %mul3A_720, %add3A_763 : i32
          %get3A_765 = arith.constant 0 : i32
          %get3A_766 = arith.index_cast %get3A_765 : i32 to index
          %get3A_767 = arith.index_cast %add3A_764 : i32 to index
          %get3A_768 = arith.constant 0 : index
          %get3A_769 = tpu.vector_load %arg6[%get3A_766, %get3A_767, %get3A_768] {strides = array<i32>} : memref<2x512x32xf32, #tpu.memory_space<vmem>>, vector<16xf32>,
          %add3A_770 = arith.constant 3 : i32
          %add3A_771 = arith.addi %mul3A_720, %add3A_770 : i32
          %get3A_772 = arith.constant 0 : i32
          %get3A_773 = arith.index_cast %get3A_772 : i32 to index
          %get3A_774 = arith.index_cast %add3A_771 : i32 to index
          %get3A_775 = arith.constant 16 : index
          %get3A_776 = tpu.vector_load %arg6[%get3A_773, %get3A_774, %get3A_775] {strides = array<i32>} : memref<2x512x32xf32, #tpu.memory_space<vmem>>, vector<16xf32>,
          %add3A_777 = arith.constant 0 : i32
          %add3A_778 = vector.broadcast %add3A_777 : i32 to vector<16xi32>
          %add3A_779 = arith.addi %add3A_716, %add3A_778 : vector<16xi32>
          %scatter3A_780 = arith.constant 1 : i32
          %scatter3A_781 = arith.constant 0 : i32
          %scatter3A_782 = arith.constant 0 : i32
          %scatter3A_783 = tpu.memref_slice %arg7[%scatter3A_780, %scatter3A_781, %scatter3A_782] : memref<2x32x1025xf32, #tpu.memory_space<vmem>> -> memref<1x32x1025xf32, #tpu.memory_space<vmem>>
          %scatter3A_784 = tpu.memref_squeeze %scatter3A_783 : memref<1x32x1025xf32, #tpu.memory_space<vmem>> -> memref<32x1025xf32, #tpu.memory_space<vmem>>
          tpu.vector_store_idx %scatter3A_784[%iota3A, %add3A_779], %get3A_727 : memref<32x1025xf32, #tpu.memory_space<vmem>>[vector<16xi32>, vector<16xi32>], vector<16xf32>,
          %scatter3A_785 = arith.constant 1 : i32
          %scatter3A_786 = arith.constant 0 : i32
          %scatter3A_787 = arith.constant 0 : i32
          %scatter3A_788 = tpu.memref_slice %arg7[%scatter3A_785, %scatter3A_786, %scatter3A_787] : memref<2x32x1025xf32, #tpu.memory_space<vmem>> -> memref<1x32x1025xf32, #tpu.memory_space<vmem>>
          %scatter3A_789 = tpu.memref_squeeze %scatter3A_788 : memref<1x32x1025xf32, #tpu.memory_space<vmem>> -> memref<32x1025xf32, #tpu.memory_space<vmem>>
          tpu.vector_store_idx %scatter3A_789[%add3A_14, %add3A_779], %get3A_734 : memref<32x1025xf32, #tpu.memory_space<vmem>>[vector<16xi32>, vector<16xi32>], vector<16xf32>,
          %add3A_790 = arith.constant 1 : i32
          %add3A_791 = vector.broadcast %add3A_790 : i32 to vector<16xi32>
          %add3A_792 = arith.addi %add3A_716, %add3A_791 : vector<16xi32>
          %scatter3A_793 = arith.constant 1 : i32
          %scatter3A_794 = arith.constant 0 : i32
          %scatter3A_795 = arith.constant 0 : i32
          %scatter3A_796 = tpu.memref_slice %arg7[%scatter3A_793, %scatter3A_794, %scatter3A_795] : memref<2x32x1025xf32, #tpu.memory_space<vmem>> -> memref<1x32x1025xf32, #tpu.memory_space<vmem>>
          %scatter3A_797 = tpu.memref_squeeze %scatter3A_796 : memref<1x32x1025xf32, #tpu.memory_space<vmem>> -> memref<32x1025xf32, #tpu.memory_space<vmem>>
          tpu.vector_store_idx %scatter3A_797[%iota3A, %add3A_792], %get3A_741 : memref<32x1025xf32, #tpu.memory_space<vmem>>[vector<16xi32>, vector<16xi32>], vector<16xf32>,
          %scatter3A_798 = arith.constant 1 : i32
          %scatter3A_799 = arith.constant 0 : i32
          %scatter3A_800 = arith.constant 0 : i32
          %scatter3A_801 = tpu.memref_slice %arg7[%scatter3A_798, %scatter3A_799, %scatter3A_800] : memref<2x32x1025xf32, #tpu.memory_space<vmem>> -> memref<1x32x1025xf32, #tpu.memory_space<vmem>>
          %scatter3A_802 = tpu.memref_squeeze %scatter3A_801 : memref<1x32x1025xf32, #tpu.memory_space<vmem>> -> memref<32x1025xf32, #tpu.memory_space<vmem>>
          tpu.vector_store_idx %scatter3A_802[%add3A_14, %add3A_792], %get3A_748 : memref<32x1025xf32, #tpu.memory_space<vmem>>[vector<16xi32>, vector<16xi32>], vector<16xf32>,
          %add3A_803 = arith.constant 2 : i32
          %add3A_804 = vector.broadcast %add3A_803 : i32 to vector<16xi32>
          %add3A_805 = arith.addi %add3A_716, %add3A_804 : vector<16xi32>
          %scatter3A_806 = arith.constant 1 : i32
          %scatter3A_807 = arith.constant 0 : i32
          %scatter3A_808 = arith.constant 0 : i32
          %scatter3A_809 = tpu.memref_slice %arg7[%scatter3A_806, %scatter3A_807, %scatter3A_808] : memref<2x32x1025xf32, #tpu.memory_space<vmem>> -> memref<1x32x1025xf32, #tpu.memory_space<vmem>>
          %scatter3A_810 = tpu.memref_squeeze %scatter3A_809 : memref<1x32x1025xf32, #tpu.memory_space<vmem>> -> memref<32x1025xf32, #tpu.memory_space<vmem>>
          tpu.vector_store_idx %scatter3A_810[%iota3A, %add3A_805], %get3A_755 : memref<32x1025xf32, #tpu.memory_space<vmem>>[vector<16xi32>, vector<16xi32>], vector<16xf32>,
          %scatter3A_811 = arith.constant 1 : i32
          %scatter3A_812 = arith.constant 0 : i32
          %scatter3A_813 = arith.constant 0 : i32
          %scatter3A_814 = tpu.memref_slice %arg7[%scatter3A_811, %scatter3A_812, %scatter3A_813] : memref<2x32x1025xf32, #tpu.memory_space<vmem>> -> memref<1x32x1025xf32, #tpu.memory_space<vmem>>
          %scatter3A_815 = tpu.memref_squeeze %scatter3A_814 : memref<1x32x1025xf32, #tpu.memory_space<vmem>> -> memref<32x1025xf32, #tpu.memory_space<vmem>>
          tpu.vector_store_idx %scatter3A_815[%add3A_14, %add3A_805], %get3A_762 : memref<32x1025xf32, #tpu.memory_space<vmem>>[vector<16xi32>, vector<16xi32>], vector<16xf32>,
          %add3A_816 = arith.constant 3 : i32
          %add3A_817 = vector.broadcast %add3A_816 : i32 to vector<16xi32>
          %add3A_818 = arith.addi %add3A_716, %add3A_817 : vector<16xi32>
          %scatter3A_819 = arith.constant 1 : i32
          %scatter3A_820 = arith.constant 0 : i32
          %scatter3A_821 = arith.constant 0 : i32
          %scatter3A_822 = tpu.memref_slice %arg7[%scatter3A_819, %scatter3A_820, %scatter3A_821] : memref<2x32x1025xf32, #tpu.memory_space<vmem>> -> memref<1x32x1025xf32, #tpu.memory_space<vmem>>
          %scatter3A_823 = tpu.memref_squeeze %scatter3A_822 : memref<1x32x1025xf32, #tpu.memory_space<vmem>> -> memref<32x1025xf32, #tpu.memory_space<vmem>>
          tpu.vector_store_idx %scatter3A_823[%iota3A, %add3A_818], %get3A_769 : memref<32x1025xf32, #tpu.memory_space<vmem>>[vector<16xi32>, vector<16xi32>], vector<16xf32>,
          %scatter3A_824 = arith.constant 1 : i32
          %scatter3A_825 = arith.constant 0 : i32
          %scatter3A_826 = arith.constant 0 : i32
          %scatter3A_827 = tpu.memref_slice %arg7[%scatter3A_824, %scatter3A_825, %scatter3A_826] : memref<2x32x1025xf32, #tpu.memory_space<vmem>> -> memref<1x32x1025xf32, #tpu.memory_space<vmem>>
          %scatter3A_828 = tpu.memref_squeeze %scatter3A_827 : memref<1x32x1025xf32, #tpu.memory_space<vmem>> -> memref<32x1025xf32, #tpu.memory_space<vmem>>
          tpu.vector_store_idx %scatter3A_828[%add3A_14, %add3A_818], %get3A_776 : memref<32x1025xf32, #tpu.memory_space<vmem>>[vector<16xi32>, vector<16xi32>], vector<16xf32>,
          %add3A_829 = arith.constant 4 : i32
          %add3A_830 = vector.broadcast %add3A_829 : i32 to vector<16xi32>
          %add3A_831 = arith.addi %add3A_716, %add3A_830 : vector<16xi32>
          %scan3A_832 = arith.constant 3 : i32
          %scan3A_833 = arith.addi %scan3A_489, %scan3A_832 : i32
          %mul3A_834 = arith.constant 4 : i32
          %mul3A_835 = arith.muli %scan3A_833, %mul3A_834 : i32
          %add3A_836 = arith.constant 0 : i32
          %add3A_837 = arith.addi %mul3A_835, %add3A_836 : i32
          %get3A_838 = arith.constant 0 : i32
          %get3A_839 = arith.index_cast %get3A_838 : i32 to index
          %get3A_840 = arith.index_cast %add3A_837 : i32 to index
          %get3A_841 = arith.constant 0 : index
          %get3A_842 = tpu.vector_load %arg6[%get3A_839, %get3A_840, %get3A_841] {strides = array<i32>} : memref<2x512x32xf32, #tpu.memory_space<vmem>>, vector<16xf32>,
          %add3A_843 = arith.constant 0 : i32
          %add3A_844 = arith.addi %mul3A_835, %add3A_843 : i32
          %get3A_845 = arith.constant 0 : i32
          %get3A_846 = arith.index_cast %get3A_845 : i32 to index
          %get3A_847 = arith.index_cast %add3A_844 : i32 to index
          %get3A_848 = arith.constant 16 : index
          %get3A_849 = tpu.vector_load %arg6[%get3A_846, %get3A_847, %get3A_848] {strides = array<i32>} : memref<2x512x32xf32, #tpu.memory_space<vmem>>, vector<16xf32>,
          %add3A_850 = arith.constant 1 : i32
          %add3A_851 = arith.addi %mul3A_835, %add3A_850 : i32
          %get3A_852 = arith.constant 0 : i32
          %get3A_853 = arith.index_cast %get3A_852 : i32 to index
          %get3A_854 = arith.index_cast %add3A_851 : i32 to index
          %get3A_855 = arith.constant 0 : index
          %get3A_856 = tpu.vector_load %arg6[%get3A_853, %get3A_854, %get3A_855] {strides = array<i32>} : memref<2x512x32xf32, #tpu.memory_space<vmem>>, vector<16xf32>,
          %add3A_857 = arith.constant 1 : i32
          %add3A_858 = arith.addi %mul3A_835, %add3A_857 : i32
          %get3A_859 = arith.constant 0 : i32
          %get3A_860 = arith.index_cast %get3A_859 : i32 to index
          %get3A_861 = arith.index_cast %add3A_858 : i32 to index
          %get3A_862 = arith.constant 16 : index
          %get3A_863 = tpu.vector_load %arg6[%get3A_860, %get3A_861, %get3A_862] {strides = array<i32>} : memref<2x512x32xf32, #tpu.memory_space<vmem>>, vector<16xf32>,
          %add3A_864 = arith.constant 2 : i32
          %add3A_865 = arith.addi %mul3A_835, %add3A_864 : i32
          %get3A_866 = arith.constant 0 : i32
          %get3A_867 = arith.index_cast %get3A_866 : i32 to index
          %get3A_868 = arith.index_cast %add3A_865 : i32 to index
          %get3A_869 = arith.constant 0 : index
          %get3A_870 = tpu.vector_load %arg6[%get3A_867, %get3A_868, %get3A_869] {strides = array<i32>} : memref<2x512x32xf32, #tpu.memory_space<vmem>>, vector<16xf32>,
          %add3A_871 = arith.constant 2 : i32
          %add3A_872 = arith.addi %mul3A_835, %add3A_871 : i32
          %get3A_873 = arith.constant 0 : i32
          %get3A_874 = arith.index_cast %get3A_873 : i32 to index
          %get3A_875 = arith.index_cast %add3A_872 : i32 to index
          %get3A_876 = arith.constant 16 : index
          %get3A_877 = tpu.vector_load %arg6[%get3A_874, %get3A_875, %get3A_876] {strides = array<i32>} : memref<2x512x32xf32, #tpu.memory_space<vmem>>, vector<16xf32>,
          %add3A_878 = arith.constant 3 : i32
          %add3A_879 = arith.addi %mul3A_835, %add3A_878 : i32
          %get3A_880 = arith.constant 0 : i32
          %get3A_881 = arith.index_cast %get3A_880 : i32 to index
          %get3A_882 = arith.index_cast %add3A_879 : i32 to index
          %get3A_883 = arith.constant 0 : index
          %get3A_884 = tpu.vector_load %arg6[%get3A_881, %get3A_882, %get3A_883] {strides = array<i32>} : memref<2x512x32xf32, #tpu.memory_space<vmem>>, vector<16xf32>,
          %add3A_885 = arith.constant 3 : i32
          %add3A_886 = arith.addi %mul3A_835, %add3A_885 : i32
          %get3A_887 = arith.constant 0 : i32
          %get3A_888 = arith.index_cast %get3A_887 : i32 to index
          %get3A_889 = arith.index_cast %add3A_886 : i32 to index
          %get3A_890 = arith.constant 16 : index
          %get3A_891 = tpu.vector_load %arg6[%get3A_888, %get3A_889, %get3A_890] {strides = array<i32>} : memref<2x512x32xf32, #tpu.memory_space<vmem>>, vector<16xf32>,
          %add3A_892 = arith.constant 0 : i32
          %add3A_893 = vector.broadcast %add3A_892 : i32 to vector<16xi32>
          %add3A_894 = arith.addi %add3A_831, %add3A_893 : vector<16xi32>
          %scatter3A_895 = arith.constant 1 : i32
          %scatter3A_896 = arith.constant 0 : i32
          %scatter3A_897 = arith.constant 0 : i32
          %scatter3A_898 = tpu.memref_slice %arg7[%scatter3A_895, %scatter3A_896, %scatter3A_897] : memref<2x32x1025xf32, #tpu.memory_space<vmem>> -> memref<1x32x1025xf32, #tpu.memory_space<vmem>>
          %scatter3A_899 = tpu.memref_squeeze %scatter3A_898 : memref<1x32x1025xf32, #tpu.memory_space<vmem>> -> memref<32x1025xf32, #tpu.memory_space<vmem>>
          tpu.vector_store_idx %scatter3A_899[%iota3A, %add3A_894], %get3A_842 : memref<32x1025xf32, #tpu.memory_space<vmem>>[vector<16xi32>, vector<16xi32>], vector<16xf32>,
          %scatter3A_900 = arith.constant 1 : i32
          %scatter3A_901 = arith.constant 0 : i32
          %scatter3A_902 = arith.constant 0 : i32
          %scatter3A_903 = tpu.memref_slice %arg7[%scatter3A_900, %scatter3A_901, %scatter3A_902] : memref<2x32x1025xf32, #tpu.memory_space<vmem>> -> memref<1x32x1025xf32, #tpu.memory_space<vmem>>
          %scatter3A_904 = tpu.memref_squeeze %scatter3A_903 : memref<1x32x1025xf32, #tpu.memory_space<vmem>> -> memref<32x1025xf32, #tpu.memory_space<vmem>>
          tpu.vector_store_idx %scatter3A_904[%add3A_14, %add3A_894], %get3A_849 : memref<32x1025xf32, #tpu.memory_space<vmem>>[vector<16xi32>, vector<16xi32>], vector<16xf32>,
          %add3A_905 = arith.constant 1 : i32
          %add3A_906 = vector.broadcast %add3A_905 : i32 to vector<16xi32>
          %add3A_907 = arith.addi %add3A_831, %add3A_906 : vector<16xi32>
          %scatter3A_908 = arith.constant 1 : i32
          %scatter3A_909 = arith.constant 0 : i32
          %scatter3A_910 = arith.constant 0 : i32
          %scatter3A_911 = tpu.memref_slice %arg7[%scatter3A_908, %scatter3A_909, %scatter3A_910] : memref<2x32x1025xf32, #tpu.memory_space<vmem>> -> memref<1x32x1025xf32, #tpu.memory_space<vmem>>
          %scatter3A_912 = tpu.memref_squeeze %scatter3A_911 : memref<1x32x1025xf32, #tpu.memory_space<vmem>> -> memref<32x1025xf32, #tpu.memory_space<vmem>>
          tpu.vector_store_idx %scatter3A_912[%iota3A, %add3A_907], %get3A_856 : memref<32x1025xf32, #tpu.memory_space<vmem>>[vector<16xi32>, vector<16xi32>], vector<16xf32>,
          %scatter3A_913 = arith.constant 1 : i32
          %scatter3A_914 = arith.constant 0 : i32
          %scatter3A_915 = arith.constant 0 : i32
          %scatter3A_916 = tpu.memref_slice %arg7[%scatter3A_913, %scatter3A_914, %scatter3A_915] : memref<2x32x1025xf32, #tpu.memory_space<vmem>> -> memref<1x32x1025xf32, #tpu.memory_space<vmem>>
          %scatter3A_917 = tpu.memref_squeeze %scatter3A_916 : memref<1x32x1025xf32, #tpu.memory_space<vmem>> -> memref<32x1025xf32, #tpu.memory_space<vmem>>
          tpu.vector_store_idx %scatter3A_917[%add3A_14, %add3A_907], %get3A_863 : memref<32x1025xf32, #tpu.memory_space<vmem>>[vector<16xi32>, vector<16xi32>], vector<16xf32>,
          %add3A_918 = arith.constant 2 : i32
          %add3A_919 = vector.broadcast %add3A_918 : i32 to vector<16xi32>
          %add3A_920 = arith.addi %add3A_831, %add3A_919 : vector<16xi32>
          %scatter3A_921 = arith.constant 1 : i32
          %scatter3A_922 = arith.constant 0 : i32
          %scatter3A_923 = arith.constant 0 : i32
          %scatter3A_924 = tpu.memref_slice %arg7[%scatter3A_921, %scatter3A_922, %scatter3A_923] : memref<2x32x1025xf32, #tpu.memory_space<vmem>> -> memref<1x32x1025xf32, #tpu.memory_space<vmem>>
          %scatter3A_925 = tpu.memref_squeeze %scatter3A_924 : memref<1x32x1025xf32, #tpu.memory_space<vmem>> -> memref<32x1025xf32, #tpu.memory_space<vmem>>
          tpu.vector_store_idx %scatter3A_925[%iota3A, %add3A_920], %get3A_870 : memref<32x1025xf32, #tpu.memory_space<vmem>>[vector<16xi32>, vector<16xi32>], vector<16xf32>,
          %scatter3A_926 = arith.constant 1 : i32
          %scatter3A_927 = arith.constant 0 : i32
          %scatter3A_928 = arith.constant 0 : i32
          %scatter3A_929 = tpu.memref_slice %arg7[%scatter3A_926, %scatter3A_927, %scatter3A_928] : memref<2x32x1025xf32, #tpu.memory_space<vmem>> -> memref<1x32x1025xf32, #tpu.memory_space<vmem>>
          %scatter3A_930 = tpu.memref_squeeze %scatter3A_929 : memref<1x32x1025xf32, #tpu.memory_space<vmem>> -> memref<32x1025xf32, #tpu.memory_space<vmem>>
          tpu.vector_store_idx %scatter3A_930[%add3A_14, %add3A_920], %get3A_877 : memref<32x1025xf32, #tpu.memory_space<vmem>>[vector<16xi32>, vector<16xi32>], vector<16xf32>,
          %add3A_931 = arith.constant 3 : i32
          %add3A_932 = vector.broadcast %add3A_931 : i32 to vector<16xi32>
          %add3A_933 = arith.addi %add3A_831, %add3A_932 : vector<16xi32>
          %scatter3A_934 = arith.constant 1 : i32
          %scatter3A_935 = arith.constant 0 : i32
          %scatter3A_936 = arith.constant 0 : i32
          %scatter3A_937 = tpu.memref_slice %arg7[%scatter3A_934, %scatter3A_935, %scatter3A_936] : memref<2x32x1025xf32, #tpu.memory_space<vmem>> -> memref<1x32x1025xf32, #tpu.memory_space<vmem>>
          %scatter3A_938 = tpu.memref_squeeze %scatter3A_937 : memref<1x32x1025xf32, #tpu.memory_space<vmem>> -> memref<32x1025xf32, #tpu.memory_space<vmem>>
          tpu.vector_store_idx %scatter3A_938[%iota3A, %add3A_933], %get3A_884 : memref<32x1025xf32, #tpu.memory_space<vmem>>[vector<16xi32>, vector<16xi32>], vector<16xf32>,
          %scatter3A_939 = arith.constant 1 : i32
          %scatter3A_940 = arith.constant 0 : i32
          %scatter3A_941 = arith.constant 0 : i32
          %scatter3A_942 = tpu.memref_slice %arg7[%scatter3A_939, %scatter3A_940, %scatter3A_941] : memref<2x32x1025xf32, #tpu.memory_space<vmem>> -> memref<1x32x1025xf32, #tpu.memory_space<vmem>>
          %scatter3A_943 = tpu.memref_squeeze %scatter3A_942 : memref<1x32x1025xf32, #tpu.memory_space<vmem>> -> memref<32x1025xf32, #tpu.memory_space<vmem>>
          tpu.vector_store_idx %scatter3A_943[%add3A_14, %add3A_933], %get3A_891 : memref<32x1025xf32, #tpu.memory_space<vmem>>[vector<16xi32>, vector<16xi32>], vector<16xf32>,
          %add3A_944 = arith.constant 4 : i32
          %add3A_945 = vector.broadcast %add3A_944 : i32 to vector<16xi32>
          %add3A_946 = arith.addi %add3A_831, %add3A_945 : vector<16xi32>
          scf.yield %add3A_946 : vector<16xi32>
        }
        %scan3A_488 = arith.constant 128 : i32
      } else {
      }
      %add3A_324 = arith.constant 1 : i32
      %add3A_325 = arith.addi %scan3A_183, %add3A_324 : i32
      %lt3A_326 = arith.constant 25 : i32
      %lt3A_327 = arith.cmpi slt, %add3A_325, %lt3A_326 : i32
      %convert_element_type3A_328 = arith.extui %lt3A_327 : i1 to i32
      %cond3A_329 = arith.constant 0 : i32
      %cond3A_330 = arith.cmpi ne, %convert_element_type3A_328, %cond3A_329 : i32
      scf.if %cond3A_330 {
        %add3A_482 = arith.constant 1 : i32
        %add3A_483 = arith.addi %scan3A_183, %add3A_482 : i32
        %dma_start3A_484 = arith.constant 0 : i32
        %dma_start3A_485 = arith.constant 0 : i32
        %dma_start3A_486 = arith.constant 0 : i32
        %dma_start3A_487 = arith.constant 0 : i32
        %dma_start3A_488 = tpu.memref_slice %arg6[%dma_start3A_485, %dma_start3A_486, %dma_start3A_487] : memref<2x512x32xf32, #tpu.memory_space<vmem>> -> memref<1x512x32xf32, #tpu.memory_space<vmem>>
        %dma_start3A_489 = tpu.memref_squeeze %dma_start3A_488 : memref<1x512x32xf32, #tpu.memory_space<vmem>> -> memref<512x32xf32, #tpu.memory_space<vmem>>
        %dma_start3A_490 = arith.constant 0 : i32
        %dma_start3A_491 = arith.constant 0 : i32
        %dma_start3A_492 = tpu.memref_slice %dma_start3A_489[%dma_start3A_490, %dma_start3A_491] : memref<512x32xf32, #tpu.memory_space<vmem>> -> memref<128x32xf32, #tpu.memory_space<vmem>>
        %dma_start3A_493 = arith.constant 0 : i32
        %dma_start3A_494 = tpu.memref_slice %arg5[%add3A_483, %dma_start3A_484, %dma_start3A_493] : memref<25x8x128xi32, #tpu.memory_space<vmem>> -> memref<1x1x128xi32, #tpu.memory_space<vmem>>
        %dma_start3A_495 = tpu.memref_squeeze %dma_start3A_494 : memref<1x1x128xi32, #tpu.memory_space<vmem>> -> memref<128xi32, #tpu.memory_space<vmem>>
        %dma_start3A_496 = arith.constant 0 : i32
        %dma_start3A_497 = arith.constant 0 : i32
        %dma_start3A_498 = tpu.memref_slice %arg3[%dma_start3A_496, %dma_start3A_497] : memref<1000000x32xf32, #tpu.memory_space<hbm>> -> memref<1000000x32xf32, #tpu.memory_space<hbm>>
        tpu.enqueue_indirect_dma source(%dma_start3A_498 : memref<1000000x32xf32, #tpu.memory_space<hbm>>) target(%dma_start3A_492 : memref<128x32xf32, #tpu.memory_space<vmem>>) offsets(%dma_start3A_495 : memref<128xi32, #tpu.memory_space<vmem>>) semaphore(%arg8 : memref<!tpu.dma_semaphore, #tpu.memory_space<semaphore_mem>>)
        %dma_start3A_499 = arith.constant 1 : i32
        %dma_start3A_500 = arith.constant 0 : i32
        %dma_start3A_501 = arith.constant 0 : i32
        %dma_start3A_502 = arith.constant 0 : i32
        %dma_start3A_503 = tpu.memref_slice %arg6[%dma_start3A_500, %dma_start3A_501, %dma_start3A_502] : memref<2x512x32xf32, #tpu.memory_space<vmem>> -> memref<1x512x32xf32, #tpu.memory_space<vmem>>
        %dma_start3A_504 = tpu.memref_squeeze %dma_start3A_503 : memref<1x512x32xf32, #tpu.memory_space<vmem>> -> memref<512x32xf32, #tpu.memory_space<vmem>>
        %dma_start3A_505 = arith.constant 128 : i32
        %dma_start3A_506 = arith.constant 0 : i32
        %dma_start3A_507 = tpu.memref_slice %dma_start3A_504[%dma_start3A_505, %dma_start3A_506] : memref<512x32xf32, #tpu.memory_space<vmem>> -> memref<128x32xf32, #tpu.memory_space<vmem>>
        %dma_start3A_508 = arith.constant 0 : i32
        %dma_start3A_509 = tpu.memref_slice %arg5[%add3A_483, %dma_start3A_499, %dma_start3A_508] : memref<25x8x128xi32, #tpu.memory_space<vmem>> -> memref<1x1x128xi32, #tpu.memory_space<vmem>>
        %dma_start3A_510 = tpu.memref_squeeze %dma_start3A_509 : memref<1x1x128xi32, #tpu.memory_space<vmem>> -> memref<128xi32, #tpu.memory_space<vmem>>
        %dma_start3A_511 = arith.constant 0 : i32
        %dma_start3A_512 = arith.constant 0 : i32
        %dma_start3A_513 = tpu.memref_slice %arg3[%dma_start3A_511, %dma_start3A_512] : memref<1000000x32xf32, #tpu.memory_space<hbm>> -> memref<1000000x32xf32, #tpu.memory_space<hbm>>
        tpu.enqueue_indirect_dma source(%dma_start3A_513 : memref<1000000x32xf32, #tpu.memory_space<hbm>>) target(%dma_start3A_507 : memref<128x32xf32, #tpu.memory_space<vmem>>) offsets(%dma_start3A_510 : memref<128xi32, #tpu.memory_space<vmem>>) semaphore(%arg8 : memref<!tpu.dma_semaphore, #tpu.memory_space<semaphore_mem>>)
        %dma_start3A_514 = arith.constant 2 : i32
        %dma_start3A_515 = arith.constant 0 : i32
        %dma_start3A_516 = arith.constant 0 : i32
        %dma_start3A_517 = arith.constant 0 : i32
        %dma_start3A_518 = tpu.memref_slice %arg6[%dma_start3A_515, %dma_start3A_516, %dma_start3A_517] : memref<2x512x32xf32, #tpu.memory_space<vmem>> -> memref<1x512x32xf32, #tpu.memory_space<vmem>>
        %dma_start3A_519 = tpu.memref_squeeze %dma_start3A_518 : memref<1x512x32xf32, #tpu.memory_space<vmem>> -> memref<512x32xf32, #tpu.memory_space<vmem>>
        %dma_start3A_520 = arith.constant 256 : i32
        %dma_start3A_521 = arith.constant 0 : i32
        %dma_start3A_522 = tpu.memref_slice %dma_start3A_519[%dma_start3A_520, %dma_start3A_521] : memref<512x32xf32, #tpu.memory_space<vmem>> -> memref<128x32xf32, #tpu.memory_space<vmem>>
        %dma_start3A_523 = arith.constant 0 : i32
        %dma_start3A_524 = tpu.memref_slice %arg5[%add3A_483, %dma_start3A_514, %dma_start3A_523] : memref<25x8x128xi32, #tpu.memory_space<vmem>> -> memref<1x1x128xi32, #tpu.memory_space<vmem>>
        %dma_start3A_525 = tpu.memref_squeeze %dma_start3A_524 : memref<1x1x128xi32, #tpu.memory_space<vmem>> -> memref<128xi32, #tpu.memory_space<vmem>>
        %dma_start3A_526 = arith.constant 0 : i32
        %dma_start3A_527 = arith.constant 0 : i32
        %dma_start3A_528 = tpu.memref_slice %arg3[%dma_start3A_526, %dma_start3A_527] : memref<1000000x32xf32, #tpu.memory_space<hbm>> -> memref<1000000x32xf32, #tpu.memory_space<hbm>>
        tpu.enqueue_indirect_dma source(%dma_start3A_528 : memref<1000000x32xf32, #tpu.memory_space<hbm>>) target(%dma_start3A_522 : memref<128x32xf32, #tpu.memory_space<vmem>>) offsets(%dma_start3A_525 : memref<128xi32, #tpu.memory_space<vmem>>) semaphore(%arg8 : memref<!tpu.dma_semaphore, #tpu.memory_space<semaphore_mem>>)
        %dma_start3A_529 = arith.constant 3 : i32
        %dma_start3A_530 = arith.constant 0 : i32
        %dma_start3A_531 = arith.constant 0 : i32
        %dma_start3A_532 = arith.constant 0 : i32
        %dma_start3A_533 = tpu.memref_slice %arg6[%dma_start3A_530, %dma_start3A_531, %dma_start3A_532] : memref<2x512x32xf32, #tpu.memory_space<vmem>> -> memref<1x512x32xf32, #tpu.memory_space<vmem>>
        %dma_start3A_534 = tpu.memref_squeeze %dma_start3A_533 : memref<1x512x32xf32, #tpu.memory_space<vmem>> -> memref<512x32xf32, #tpu.memory_space<vmem>>
        %dma_start3A_535 = arith.constant 384 : i32
        %dma_start3A_536 = arith.constant 0 : i32
        %dma_start3A_537 = tpu.memref_slice %dma_start3A_534[%dma_start3A_535, %dma_start3A_536] : memref<512x32xf32, #tpu.memory_space<vmem>> -> memref<128x32xf32, #tpu.memory_space<vmem>>
        %dma_start3A_538 = arith.constant 0 : i32
        %dma_start3A_539 = tpu.memref_slice %arg5[%add3A_483, %dma_start3A_529, %dma_start3A_538] : memref<25x8x128xi32, #tpu.memory_space<vmem>> -> memref<1x1x128xi32, #tpu.memory_space<vmem>>
        %dma_start3A_540 = tpu.memref_squeeze %dma_start3A_539 : memref<1x1x128xi32, #tpu.memory_space<vmem>> -> memref<128xi32, #tpu.memory_space<vmem>>
        %dma_start3A_541 = arith.constant 0 : i32
        %dma_start3A_542 = arith.constant 0 : i32
        %dma_start3A_543 = tpu.memref_slice %arg3[%dma_start3A_541, %dma_start3A_542] : memref<1000000x32xf32, #tpu.memory_space<hbm>> -> memref<1000000x32xf32, #tpu.memory_space<hbm>>
        tpu.enqueue_indirect_dma source(%dma_start3A_543 : memref<1000000x32xf32, #tpu.memory_space<hbm>>) target(%dma_start3A_537 : memref<128x32xf32, #tpu.memory_space<vmem>>) offsets(%dma_start3A_540 : memref<128xi32, #tpu.memory_space<vmem>>) semaphore(%arg8 : memref<!tpu.dma_semaphore, #tpu.memory_space<semaphore_mem>>)
      } else {
      }
      %dma_wait3A_331 = arith.constant 4 : i32
      %dma_wait3A_332 = arith.constant 1 : i32
      %dma_wait3A_333 = arith.constant 0 : i32
      %dma_wait3A_334 = arith.constant 0 : i32
      %dma_wait3A_335 = tpu.memref_slice %arg6[%dma_wait3A_332, %dma_wait3A_333, %dma_wait3A_334] : memref<2x512x32xf32, #tpu.memory_space<vmem>> -> memref<1x512x32xf32, #tpu.memory_space<vmem>>
      %dma_wait3A_336 = tpu.memref_squeeze %dma_wait3A_335 : memref<1x512x32xf32, #tpu.memory_space<vmem>> -> memref<512x32xf32, #tpu.memory_space<vmem>>
      %dma_wait3A_337 = arith.constant 0 : i32
      %dma_wait3A_338 = arith.constant 0 : i32
      %dma_wait3A_339 = tpu.memref_slice %dma_wait3A_336[%dma_wait3A_337, %dma_wait3A_338] : memref<512x32xf32, #tpu.memory_space<vmem>> -> memref<128x32xf32, #tpu.memory_space<vmem>>
      %dma_wait3A_340 = arith.constant 0 : i32
      %dma_wait3A_341 = tpu.memref_slice %arg5[%scan3A_183, %dma_wait3A_331, %dma_wait3A_340] : memref<25x8x128xi32, #tpu.memory_space<vmem>> -> memref<1x1x128xi32, #tpu.memory_space<vmem>>
      %dma_wait3A_342 = tpu.memref_squeeze %dma_wait3A_341 : memref<1x1x128xi32, #tpu.memory_space<vmem>> -> memref<128xi32, #tpu.memory_space<vmem>>
      %dma_wait3A_343 = arith.constant 0 : i32
      %dma_wait3A_344 = arith.constant 0 : i32
      %dma_wait3A_345 = tpu.memref_slice %arg3[%dma_wait3A_343, %dma_wait3A_344] : memref<1000000x32xf32, #tpu.memory_space<hbm>> -> memref<1000000x32xf32, #tpu.memory_space<hbm>>
      tpu.wait_indirect_dma semaphore(%arg9 : memref<!tpu.dma_semaphore, #tpu.memory_space<semaphore_mem>>) src(%dma_wait3A_345 : memref<1000000x32xf32, #tpu.memory_space<hbm>>) dst(%dma_wait3A_339 : memref<128x32xf32, #tpu.memory_space<vmem>>)
      %dma_wait3A_346 = arith.constant 5 : i32
      %dma_wait3A_347 = arith.constant 1 : i32
      %dma_wait3A_348 = arith.constant 0 : i32
      %dma_wait3A_349 = arith.constant 0 : i32
      %dma_wait3A_350 = tpu.memref_slice %arg6[%dma_wait3A_347, %dma_wait3A_348, %dma_wait3A_349] : memref<2x512x32xf32, #tpu.memory_space<vmem>> -> memref<1x512x32xf32, #tpu.memory_space<vmem>>
      %dma_wait3A_351 = tpu.memref_squeeze %dma_wait3A_350 : memref<1x512x32xf32, #tpu.memory_space<vmem>> -> memref<512x32xf32, #tpu.memory_space<vmem>>
      %dma_wait3A_352 = arith.constant 128 : i32
      %dma_wait3A_353 = arith.constant 0 : i32
      %dma_wait3A_354 = tpu.memref_slice %dma_wait3A_351[%dma_wait3A_352, %dma_wait3A_353] : memref<512x32xf32, #tpu.memory_space<vmem>> -> memref<128x32xf32, #tpu.memory_space<vmem>>
      %dma_wait3A_355 = arith.constant 0 : i32
      %dma_wait3A_356 = tpu.memref_slice %arg5[%scan3A_183, %dma_wait3A_346, %dma_wait3A_355] : memref<25x8x128xi32, #tpu.memory_space<vmem>> -> memref<1x1x128xi32, #tpu.memory_space<vmem>>
      %dma_wait3A_357 = tpu.memref_squeeze %dma_wait3A_356 : memref<1x1x128xi32, #tpu.memory_space<vmem>> -> memref<128xi32, #tpu.memory_space<vmem>>
      %dma_wait3A_358 = arith.constant 0 : i32
      %dma_wait3A_359 = arith.constant 0 : i32
      %dma_wait3A_360 = tpu.memref_slice %arg3[%dma_wait3A_358, %dma_wait3A_359] : memref<1000000x32xf32, #tpu.memory_space<hbm>> -> memref<1000000x32xf32, #tpu.memory_space<hbm>>
      tpu.wait_indirect_dma semaphore(%arg9 : memref<!tpu.dma_semaphore, #tpu.memory_space<semaphore_mem>>) src(%dma_wait3A_360 : memref<1000000x32xf32, #tpu.memory_space<hbm>>) dst(%dma_wait3A_354 : memref<128x32xf32, #tpu.memory_space<vmem>>)
      %dma_wait3A_361 = arith.constant 6 : i32
      %dma_wait3A_362 = arith.constant 1 : i32
      %dma_wait3A_363 = arith.constant 0 : i32
      %dma_wait3A_364 = arith.constant 0 : i32
      %dma_wait3A_365 = tpu.memref_slice %arg6[%dma_wait3A_362, %dma_wait3A_363, %dma_wait3A_364] : memref<2x512x32xf32, #tpu.memory_space<vmem>> -> memref<1x512x32xf32, #tpu.memory_space<vmem>>
      %dma_wait3A_366 = tpu.memref_squeeze %dma_wait3A_365 : memref<1x512x32xf32, #tpu.memory_space<vmem>> -> memref<512x32xf32, #tpu.memory_space<vmem>>
      %dma_wait3A_367 = arith.constant 256 : i32
      %dma_wait3A_368 = arith.constant 0 : i32
      %dma_wait3A_369 = tpu.memref_slice %dma_wait3A_366[%dma_wait3A_367, %dma_wait3A_368] : memref<512x32xf32, #tpu.memory_space<vmem>> -> memref<128x32xf32, #tpu.memory_space<vmem>>
      %dma_wait3A_370 = arith.constant 0 : i32
      %dma_wait3A_371 = tpu.memref_slice %arg5[%scan3A_183, %dma_wait3A_361, %dma_wait3A_370] : memref<25x8x128xi32, #tpu.memory_space<vmem>> -> memref<1x1x128xi32, #tpu.memory_space<vmem>>
      %dma_wait3A_372 = tpu.memref_squeeze %dma_wait3A_371 : memref<1x1x128xi32, #tpu.memory_space<vmem>> -> memref<128xi32, #tpu.memory_space<vmem>>
      %dma_wait3A_373 = arith.constant 0 : i32
      %dma_wait3A_374 = arith.constant 0 : i32
      %dma_wait3A_375 = tpu.memref_slice %arg3[%dma_wait3A_373, %dma_wait3A_374] : memref<1000000x32xf32, #tpu.memory_space<hbm>> -> memref<1000000x32xf32, #tpu.memory_space<hbm>>
      tpu.wait_indirect_dma semaphore(%arg9 : memref<!tpu.dma_semaphore, #tpu.memory_space<semaphore_mem>>) src(%dma_wait3A_375 : memref<1000000x32xf32, #tpu.memory_space<hbm>>) dst(%dma_wait3A_369 : memref<128x32xf32, #tpu.memory_space<vmem>>)
      %dma_wait3A_376 = arith.constant 7 : i32
      %dma_wait3A_377 = arith.constant 1 : i32
      %dma_wait3A_378 = arith.constant 0 : i32
      %dma_wait3A_379 = arith.constant 0 : i32
      %dma_wait3A_380 = tpu.memref_slice %arg6[%dma_wait3A_377, %dma_wait3A_378, %dma_wait3A_379] : memref<2x512x32xf32, #tpu.memory_space<vmem>> -> memref<1x512x32xf32, #tpu.memory_space<vmem>>
      %dma_wait3A_381 = tpu.memref_squeeze %dma_wait3A_380 : memref<1x512x32xf32, #tpu.memory_space<vmem>> -> memref<512x32xf32, #tpu.memory_space<vmem>>
      %dma_wait3A_382 = arith.constant 384 : i32
      %dma_wait3A_383 = arith.constant 0 : i32
      %dma_wait3A_384 = tpu.memref_slice %dma_wait3A_381[%dma_wait3A_382, %dma_wait3A_383] : memref<512x32xf32, #tpu.memory_space<vmem>> -> memref<128x32xf32, #tpu.memory_space<vmem>>
      %dma_wait3A_385 = arith.constant 0 : i32
      %dma_wait3A_386 = tpu.memref_slice %arg5[%scan3A_183, %dma_wait3A_376, %dma_wait3A_385] : memref<25x8x128xi32, #tpu.memory_space<vmem>> -> memref<1x1x128xi32, #tpu.memory_space<vmem>>
      %dma_wait3A_387 = tpu.memref_squeeze %dma_wait3A_386 : memref<1x1x128xi32, #tpu.memory_space<vmem>> -> memref<128xi32, #tpu.memory_space<vmem>>
      %dma_wait3A_388 = arith.constant 0 : i32
      %dma_wait3A_389 = arith.constant 0 : i32
      %dma_wait3A_390 = tpu.memref_slice %arg3[%dma_wait3A_388, %dma_wait3A_389] : memref<1000000x32xf32, #tpu.memory_space<hbm>> -> memref<1000000x32xf32, #tpu.memory_space<hbm>>
      tpu.wait_indirect_dma semaphore(%arg9 : memref<!tpu.dma_semaphore, #tpu.memory_space<semaphore_mem>>) src(%dma_wait3A_390 : memref<1000000x32xf32, #tpu.memory_space<hbm>>) dst(%dma_wait3A_384 : memref<128x32xf32, #tpu.memory_space<vmem>>)
      %jit3A_391 = arith.constant 2 : i32
      %eq3A_392 = arith.constant 0 : i32
      %eq3A_393 = arith.cmpi eq, %jit3A_391, %eq3A_392 : i32
      %jit3A_394 = arith.constant 1 : i32
      %select_n3A_395 = arith.select %eq3A_393, %jit3A_394, %jit3A_391 : i32
      %rem3A_396 = arith.remsi %scan3A_183, %select_n3A_395 : i32
      %ne3A_397 = arith.constant 0 : i32
      %ne3A_398 = arith.cmpi ne, %rem3A_396, %ne3A_397 : i32
      %lt3A_399 = arith.constant 0 : i32
      %lt3A_400 = arith.cmpi slt, %rem3A_396, %lt3A_399 : i32
      %lt3A_401 = arith.constant 0 : i32
      %lt3A_402 = arith.cmpi slt, %select_n3A_395, %lt3A_401 : i32
      %ne3A_403 = arith.xori %lt3A_400, %lt3A_402 : i1
      %and3A_404 = arith.andi %ne3A_403, %ne3A_398 : i1
      %add3A_405 = arith.addi %rem3A_396, %select_n3A_395 : i32
      %select_n3A_406 = arith.select %and3A_404, %add3A_405, %rem3A_396 : i32
      %eq3A_407 = arith.constant 0 : i32
      %eq3A_408 = arith.cmpi eq, %select_n3A_406, %eq3A_407 : i32
      %convert_element_type3A_409 = arith.extui %eq3A_408 : i1 to i32
      %cond3A_410 = arith.constant 0 : i32
      %cond3A_411 = arith.cmpi ne, %convert_element_type3A_409, %cond3A_410 : i32
      scf.if %cond3A_411 {
        %broadcast_in_dim3A = arith.constant 512 : i32
        %broadcast_in_dim3A_482 = vector.broadcast %broadcast_in_dim3A : i32 to vector<16xi32>
        %scan3A_483 = arith.constant 0 : i32
        %scan3A_484 = arith.constant 128 : i32
        %scan3A_485 = arith.addi %scan3A_483, %scan3A_484 : i32
        %scan3A_486 = arith.constant 4 : i32
        %scan3A_487 = scf.for %scan3A_489 = %scan3A_483 to %scan3A_485 step %scan3A_486 iter_args(%scan3A_490 = %broadcast_in_dim3A_482) -> (vector<16xi32>)  : i32 {
          %mul3A_491 = arith.constant 4 : i32
          %mul3A_492 = arith.muli %scan3A_489, %mul3A_491 : i32
          %add3A_493 = arith.constant 0 : i32
          %add3A_494 = arith.addi %mul3A_492, %add3A_493 : i32
          %get3A = arith.constant 1 : i32
          %get3A_495 = arith.index_cast %get3A : i32 to index
          %get3A_496 = arith.index_cast %add3A_494 : i32 to index
          %get3A_497 = arith.constant 0 : index
          %get3A_498 = tpu.vector_load %arg6[%get3A_495, %get3A_496, %get3A_497] {strides = array<i32>} : memref<2x512x32xf32, #tpu.memory_space<vmem>>, vector<16xf32>,
          %add3A_499 = arith.constant 0 : i32
          %add3A_500 = arith.addi %mul3A_492, %add3A_499 : i32
          %get3A_501 = arith.constant 1 : i32
          %get3A_502 = arith.index_cast %get3A_501 : i32 to index
          %get3A_503 = arith.index_cast %add3A_500 : i32 to index
          %get3A_504 = arith.constant 16 : index
          %get3A_505 = tpu.vector_load %arg6[%get3A_502, %get3A_503, %get3A_504] {strides = array<i32>} : memref<2x512x32xf32, #tpu.memory_space<vmem>>, vector<16xf32>,
          %add3A_506 = arith.constant 1 : i32
          %add3A_507 = arith.addi %mul3A_492, %add3A_506 : i32
          %get3A_508 = arith.constant 1 : i32
          %get3A_509 = arith.index_cast %get3A_508 : i32 to index
          %get3A_510 = arith.index_cast %add3A_507 : i32 to index
          %get3A_511 = arith.constant 0 : index
          %get3A_512 = tpu.vector_load %arg6[%get3A_509, %get3A_510, %get3A_511] {strides = array<i32>} : memref<2x512x32xf32, #tpu.memory_space<vmem>>, vector<16xf32>,
          %add3A_513 = arith.constant 1 : i32
          %add3A_514 = arith.addi %mul3A_492, %add3A_513 : i32
          %get3A_515 = arith.constant 1 : i32
          %get3A_516 = arith.index_cast %get3A_515 : i32 to index
          %get3A_517 = arith.index_cast %add3A_514 : i32 to index
          %get3A_518 = arith.constant 16 : index
          %get3A_519 = tpu.vector_load %arg6[%get3A_516, %get3A_517, %get3A_518] {strides = array<i32>} : memref<2x512x32xf32, #tpu.memory_space<vmem>>, vector<16xf32>,
          %add3A_520 = arith.constant 2 : i32
          %add3A_521 = arith.addi %mul3A_492, %add3A_520 : i32
          %get3A_522 = arith.constant 1 : i32
          %get3A_523 = arith.index_cast %get3A_522 : i32 to index
          %get3A_524 = arith.index_cast %add3A_521 : i32 to index
          %get3A_525 = arith.constant 0 : index
          %get3A_526 = tpu.vector_load %arg6[%get3A_523, %get3A_524, %get3A_525] {strides = array<i32>} : memref<2x512x32xf32, #tpu.memory_space<vmem>>, vector<16xf32>,
          %add3A_527 = arith.constant 2 : i32
          %add3A_528 = arith.addi %mul3A_492, %add3A_527 : i32
          %get3A_529 = arith.constant 1 : i32
          %get3A_530 = arith.index_cast %get3A_529 : i32 to index
          %get3A_531 = arith.index_cast %add3A_528 : i32 to index
          %get3A_532 = arith.constant 16 : index
          %get3A_533 = tpu.vector_load %arg6[%get3A_530, %get3A_531, %get3A_532] {strides = array<i32>} : memref<2x512x32xf32, #tpu.memory_space<vmem>>, vector<16xf32>,
          %add3A_534 = arith.constant 3 : i32
          %add3A_535 = arith.addi %mul3A_492, %add3A_534 : i32
          %get3A_536 = arith.constant 1 : i32
          %get3A_537 = arith.index_cast %get3A_536 : i32 to index
          %get3A_538 = arith.index_cast %add3A_535 : i32 to index
          %get3A_539 = arith.constant 0 : index
          %get3A_540 = tpu.vector_load %arg6[%get3A_537, %get3A_538, %get3A_539] {strides = array<i32>} : memref<2x512x32xf32, #tpu.memory_space<vmem>>, vector<16xf32>,
          %add3A_541 = arith.constant 3 : i32
          %add3A_542 = arith.addi %mul3A_492, %add3A_541 : i32
          %get3A_543 = arith.constant 1 : i32
          %get3A_544 = arith.index_cast %get3A_543 : i32 to index
          %get3A_545 = arith.index_cast %add3A_542 : i32 to index
          %get3A_546 = arith.constant 16 : index
          %get3A_547 = tpu.vector_load %arg6[%get3A_544, %get3A_545, %get3A_546] {strides = array<i32>} : memref<2x512x32xf32, #tpu.memory_space<vmem>>, vector<16xf32>,
          %add3A_548 = arith.constant 0 : i32
          %add3A_549 = vector.broadcast %add3A_548 : i32 to vector<16xi32>
          %add3A_550 = arith.addi %scan3A_490, %add3A_549 : vector<16xi32>
          %scatter3A = arith.constant 0 : i32
          %scatter3A_551 = arith.constant 0 : i32
          %scatter3A_552 = arith.constant 0 : i32
          %scatter3A_553 = tpu.memref_slice %arg7[%scatter3A, %scatter3A_551, %scatter3A_552] : memref<2x32x1025xf32, #tpu.memory_space<vmem>> -> memref<1x32x1025xf32, #tpu.memory_space<vmem>>
          %scatter3A_554 = tpu.memref_squeeze %scatter3A_553 : memref<1x32x1025xf32, #tpu.memory_space<vmem>> -> memref<32x1025xf32, #tpu.memory_space<vmem>>
          tpu.vector_store_idx %scatter3A_554[%iota3A, %add3A_550], %get3A_498 : memref<32x1025xf32, #tpu.memory_space<vmem>>[vector<16xi32>, vector<16xi32>], vector<16xf32>,
          %scatter3A_555 = arith.constant 0 : i32
          %scatter3A_556 = arith.constant 0 : i32
          %scatter3A_557 = arith.constant 0 : i32
          %scatter3A_558 = tpu.memref_slice %arg7[%scatter3A_555, %scatter3A_556, %scatter3A_557] : memref<2x32x1025xf32, #tpu.memory_space<vmem>> -> memref<1x32x1025xf32, #tpu.memory_space<vmem>>
          %scatter3A_559 = tpu.memref_squeeze %scatter3A_558 : memref<1x32x1025xf32, #tpu.memory_space<vmem>> -> memref<32x1025xf32, #tpu.memory_space<vmem>>
          tpu.vector_store_idx %scatter3A_559[%add3A_14, %add3A_550], %get3A_505 : memref<32x1025xf32, #tpu.memory_space<vmem>>[vector<16xi32>, vector<16xi32>], vector<16xf32>,
          %add3A_560 = arith.constant 1 : i32
          %add3A_561 = vector.broadcast %add3A_560 : i32 to vector<16xi32>
          %add3A_562 = arith.addi %scan3A_490, %add3A_561 : vector<16xi32>
          %scatter3A_563 = arith.constant 0 : i32
          %scatter3A_564 = arith.constant 0 : i32
          %scatter3A_565 = arith.constant 0 : i32
          %scatter3A_566 = tpu.memref_slice %arg7[%scatter3A_563, %scatter3A_564, %scatter3A_565] : memref<2x32x1025xf32, #tpu.memory_space<vmem>> -> memref<1x32x1025xf32, #tpu.memory_space<vmem>>
          %scatter3A_567 = tpu.memref_squeeze %scatter3A_566 : memref<1x32x1025xf32, #tpu.memory_space<vmem>> -> memref<32x1025xf32, #tpu.memory_space<vmem>>
          tpu.vector_store_idx %scatter3A_567[%iota3A, %add3A_562], %get3A_512 : memref<32x1025xf32, #tpu.memory_space<vmem>>[vector<16xi32>, vector<16xi32>], vector<16xf32>,
          %scatter3A_568 = arith.constant 0 : i32
          %scatter3A_569 = arith.constant 0 : i32
          %scatter3A_570 = arith.constant 0 : i32
          %scatter3A_571 = tpu.memref_slice %arg7[%scatter3A_568, %scatter3A_569, %scatter3A_570] : memref<2x32x1025xf32, #tpu.memory_space<vmem>> -> memref<1x32x1025xf32, #tpu.memory_space<vmem>>
          %scatter3A_572 = tpu.memref_squeeze %scatter3A_571 : memref<1x32x1025xf32, #tpu.memory_space<vmem>> -> memref<32x1025xf32, #tpu.memory_space<vmem>>
          tpu.vector_store_idx %scatter3A_572[%add3A_14, %add3A_562], %get3A_519 : memref<32x1025xf32, #tpu.memory_space<vmem>>[vector<16xi32>, vector<16xi32>], vector<16xf32>,
          %add3A_573 = arith.constant 2 : i32
          %add3A_574 = vector.broadcast %add3A_573 : i32 to vector<16xi32>
          %add3A_575 = arith.addi %scan3A_490, %add3A_574 : vector<16xi32>
          %scatter3A_576 = arith.constant 0 : i32
          %scatter3A_577 = arith.constant 0 : i32
          %scatter3A_578 = arith.constant 0 : i32
          %scatter3A_579 = tpu.memref_slice %arg7[%scatter3A_576, %scatter3A_577, %scatter3A_578] : memref<2x32x1025xf32, #tpu.memory_space<vmem>> -> memref<1x32x1025xf32, #tpu.memory_space<vmem>>
          %scatter3A_580 = tpu.memref_squeeze %scatter3A_579 : memref<1x32x1025xf32, #tpu.memory_space<vmem>> -> memref<32x1025xf32, #tpu.memory_space<vmem>>
          tpu.vector_store_idx %scatter3A_580[%iota3A, %add3A_575], %get3A_526 : memref<32x1025xf32, #tpu.memory_space<vmem>>[vector<16xi32>, vector<16xi32>], vector<16xf32>,
          %scatter3A_581 = arith.constant 0 : i32
          %scatter3A_582 = arith.constant 0 : i32
          %scatter3A_583 = arith.constant 0 : i32
          %scatter3A_584 = tpu.memref_slice %arg7[%scatter3A_581, %scatter3A_582, %scatter3A_583] : memref<2x32x1025xf32, #tpu.memory_space<vmem>> -> memref<1x32x1025xf32, #tpu.memory_space<vmem>>
          %scatter3A_585 = tpu.memref_squeeze %scatter3A_584 : memref<1x32x1025xf32, #tpu.memory_space<vmem>> -> memref<32x1025xf32, #tpu.memory_space<vmem>>
          tpu.vector_store_idx %scatter3A_585[%add3A_14, %add3A_575], %get3A_533 : memref<32x1025xf32, #tpu.memory_space<vmem>>[vector<16xi32>, vector<16xi32>], vector<16xf32>,
          %add3A_586 = arith.constant 3 : i32
          %add3A_587 = vector.broadcast %add3A_586 : i32 to vector<16xi32>
          %add3A_588 = arith.addi %scan3A_490, %add3A_587 : vector<16xi32>
          %scatter3A_589 = arith.constant 0 : i32
          %scatter3A_590 = arith.constant 0 : i32
          %scatter3A_591 = arith.constant 0 : i32
          %scatter3A_592 = tpu.memref_slice %arg7[%scatter3A_589, %scatter3A_590, %scatter3A_591] : memref<2x32x1025xf32, #tpu.memory_space<vmem>> -> memref<1x32x1025xf32, #tpu.memory_space<vmem>>
          %scatter3A_593 = tpu.memref_squeeze %scatter3A_592 : memref<1x32x1025xf32, #tpu.memory_space<vmem>> -> memref<32x1025xf32, #tpu.memory_space<vmem>>
          tpu.vector_store_idx %scatter3A_593[%iota3A, %add3A_588], %get3A_540 : memref<32x1025xf32, #tpu.memory_space<vmem>>[vector<16xi32>, vector<16xi32>], vector<16xf32>,
          %scatter3A_594 = arith.constant 0 : i32
          %scatter3A_595 = arith.constant 0 : i32
          %scatter3A_596 = arith.constant 0 : i32
          %scatter3A_597 = tpu.memref_slice %arg7[%scatter3A_594, %scatter3A_595, %scatter3A_596] : memref<2x32x1025xf32, #tpu.memory_space<vmem>> -> memref<1x32x1025xf32, #tpu.memory_space<vmem>>
          %scatter3A_598 = tpu.memref_squeeze %scatter3A_597 : memref<1x32x1025xf32, #tpu.memory_space<vmem>> -> memref<32x1025xf32, #tpu.memory_space<vmem>>
          tpu.vector_store_idx %scatter3A_598[%add3A_14, %add3A_588], %get3A_547 : memref<32x1025xf32, #tpu.memory_space<vmem>>[vector<16xi32>, vector<16xi32>], vector<16xf32>,
          %add3A_599 = arith.constant 4 : i32
          %add3A_600 = vector.broadcast %add3A_599 : i32 to vector<16xi32>
          %add3A_601 = arith.addi %scan3A_490, %add3A_600 : vector<16xi32>
          %scan3A_602 = arith.constant 1 : i32
          %scan3A_603 = arith.addi %scan3A_489, %scan3A_602 : i32
          %mul3A_604 = arith.constant 4 : i32
          %mul3A_605 = arith.muli %scan3A_603, %mul3A_604 : i32
          %add3A_606 = arith.constant 0 : i32
          %add3A_607 = arith.addi %mul3A_605, %add3A_606 : i32
          %get3A_608 = arith.constant 1 : i32
          %get3A_609 = arith.index_cast %get3A_608 : i32 to index
          %get3A_610 = arith.index_cast %add3A_607 : i32 to index
          %get3A_611 = arith.constant 0 : index
          %get3A_612 = tpu.vector_load %arg6[%get3A_609, %get3A_610, %get3A_611] {strides = array<i32>} : memref<2x512x32xf32, #tpu.memory_space<vmem>>, vector<16xf32>,
          %add3A_613 = arith.constant 0 : i32
          %add3A_614 = arith.addi %mul3A_605, %add3A_613 : i32
          %get3A_615 = arith.constant 1 : i32
          %get3A_616 = arith.index_cast %get3A_615 : i32 to index
          %get3A_617 = arith.index_cast %add3A_614 : i32 to index
          %get3A_618 = arith.constant 16 : index
          %get3A_619 = tpu.vector_load %arg6[%get3A_616, %get3A_617, %get3A_618] {strides = array<i32>} : memref<2x512x32xf32, #tpu.memory_space<vmem>>, vector<16xf32>,
          %add3A_620 = arith.constant 1 : i32
          %add3A_621 = arith.addi %mul3A_605, %add3A_620 : i32
          %get3A_622 = arith.constant 1 : i32
          %get3A_623 = arith.index_cast %get3A_622 : i32 to index
          %get3A_624 = arith.index_cast %add3A_621 : i32 to index
          %get3A_625 = arith.constant 0 : index
          %get3A_626 = tpu.vector_load %arg6[%get3A_623, %get3A_624, %get3A_625] {strides = array<i32>} : memref<2x512x32xf32, #tpu.memory_space<vmem>>, vector<16xf32>,
          %add3A_627 = arith.constant 1 : i32
          %add3A_628 = arith.addi %mul3A_605, %add3A_627 : i32
          %get3A_629 = arith.constant 1 : i32
          %get3A_630 = arith.index_cast %get3A_629 : i32 to index
          %get3A_631 = arith.index_cast %add3A_628 : i32 to index
          %get3A_632 = arith.constant 16 : index
          %get3A_633 = tpu.vector_load %arg6[%get3A_630, %get3A_631, %get3A_632] {strides = array<i32>} : memref<2x512x32xf32, #tpu.memory_space<vmem>>, vector<16xf32>,
          %add3A_634 = arith.constant 2 : i32
          %add3A_635 = arith.addi %mul3A_605, %add3A_634 : i32
          %get3A_636 = arith.constant 1 : i32
          %get3A_637 = arith.index_cast %get3A_636 : i32 to index
          %get3A_638 = arith.index_cast %add3A_635 : i32 to index
          %get3A_639 = arith.constant 0 : index
          %get3A_640 = tpu.vector_load %arg6[%get3A_637, %get3A_638, %get3A_639] {strides = array<i32>} : memref<2x512x32xf32, #tpu.memory_space<vmem>>, vector<16xf32>,
          %add3A_641 = arith.constant 2 : i32
          %add3A_642 = arith.addi %mul3A_605, %add3A_641 : i32
          %get3A_643 = arith.constant 1 : i32
          %get3A_644 = arith.index_cast %get3A_643 : i32 to index
          %get3A_645 = arith.index_cast %add3A_642 : i32 to index
          %get3A_646 = arith.constant 16 : index
          %get3A_647 = tpu.vector_load %arg6[%get3A_644, %get3A_645, %get3A_646] {strides = array<i32>} : memref<2x512x32xf32, #tpu.memory_space<vmem>>, vector<16xf32>,
          %add3A_648 = arith.constant 3 : i32
          %add3A_649 = arith.addi %mul3A_605, %add3A_648 : i32
          %get3A_650 = arith.constant 1 : i32
          %get3A_651 = arith.index_cast %get3A_650 : i32 to index
          %get3A_652 = arith.index_cast %add3A_649 : i32 to index
          %get3A_653 = arith.constant 0 : index
          %get3A_654 = tpu.vector_load %arg6[%get3A_651, %get3A_652, %get3A_653] {strides = array<i32>} : memref<2x512x32xf32, #tpu.memory_space<vmem>>, vector<16xf32>,
          %add3A_655 = arith.constant 3 : i32
          %add3A_656 = arith.addi %mul3A_605, %add3A_655 : i32
          %get3A_657 = arith.constant 1 : i32
          %get3A_658 = arith.index_cast %get3A_657 : i32 to index
          %get3A_659 = arith.index_cast %add3A_656 : i32 to index
          %get3A_660 = arith.constant 16 : index
          %get3A_661 = tpu.vector_load %arg6[%get3A_658, %get3A_659, %get3A_660] {strides = array<i32>} : memref<2x512x32xf32, #tpu.memory_space<vmem>>, vector<16xf32>,
          %add3A_662 = arith.constant 0 : i32
          %add3A_663 = vector.broadcast %add3A_662 : i32 to vector<16xi32>
          %add3A_664 = arith.addi %add3A_601, %add3A_663 : vector<16xi32>
          %scatter3A_665 = arith.constant 0 : i32
          %scatter3A_666 = arith.constant 0 : i32
          %scatter3A_667 = arith.constant 0 : i32
          %scatter3A_668 = tpu.memref_slice %arg7[%scatter3A_665, %scatter3A_666, %scatter3A_667] : memref<2x32x1025xf32, #tpu.memory_space<vmem>> -> memref<1x32x1025xf32, #tpu.memory_space<vmem>>
          %scatter3A_669 = tpu.memref_squeeze %scatter3A_668 : memref<1x32x1025xf32, #tpu.memory_space<vmem>> -> memref<32x1025xf32, #tpu.memory_space<vmem>>
          tpu.vector_store_idx %scatter3A_669[%iota3A, %add3A_664], %get3A_612 : memref<32x1025xf32, #tpu.memory_space<vmem>>[vector<16xi32>, vector<16xi32>], vector<16xf32>,
          %scatter3A_670 = arith.constant 0 : i32
          %scatter3A_671 = arith.constant 0 : i32
          %scatter3A_672 = arith.constant 0 : i32
          %scatter3A_673 = tpu.memref_slice %arg7[%scatter3A_670, %scatter3A_671, %scatter3A_672] : memref<2x32x1025xf32, #tpu.memory_space<vmem>> -> memref<1x32x1025xf32, #tpu.memory_space<vmem>>
          %scatter3A_674 = tpu.memref_squeeze %scatter3A_673 : memref<1x32x1025xf32, #tpu.memory_space<vmem>> -> memref<32x1025xf32, #tpu.memory_space<vmem>>
          tpu.vector_store_idx %scatter3A_674[%add3A_14, %add3A_664], %get3A_619 : memref<32x1025xf32, #tpu.memory_space<vmem>>[vector<16xi32>, vector<16xi32>], vector<16xf32>,
          %add3A_675 = arith.constant 1 : i32
          %add3A_676 = vector.broadcast %add3A_675 : i32 to vector<16xi32>
          %add3A_677 = arith.addi %add3A_601, %add3A_676 : vector<16xi32>
          %scatter3A_678 = arith.constant 0 : i32
          %scatter3A_679 = arith.constant 0 : i32
          %scatter3A_680 = arith.constant 0 : i32
          %scatter3A_681 = tpu.memref_slice %arg7[%scatter3A_678, %scatter3A_679, %scatter3A_680] : memref<2x32x1025xf32, #tpu.memory_space<vmem>> -> memref<1x32x1025xf32, #tpu.memory_space<vmem>>
          %scatter3A_682 = tpu.memref_squeeze %scatter3A_681 : memref<1x32x1025xf32, #tpu.memory_space<vmem>> -> memref<32x1025xf32, #tpu.memory_space<vmem>>
          tpu.vector_store_idx %scatter3A_682[%iota3A, %add3A_677], %get3A_626 : memref<32x1025xf32, #tpu.memory_space<vmem>>[vector<16xi32>, vector<16xi32>], vector<16xf32>,
          %scatter3A_683 = arith.constant 0 : i32
          %scatter3A_684 = arith.constant 0 : i32
          %scatter3A_685 = arith.constant 0 : i32
          %scatter3A_686 = tpu.memref_slice %arg7[%scatter3A_683, %scatter3A_684, %scatter3A_685] : memref<2x32x1025xf32, #tpu.memory_space<vmem>> -> memref<1x32x1025xf32, #tpu.memory_space<vmem>>
          %scatter3A_687 = tpu.memref_squeeze %scatter3A_686 : memref<1x32x1025xf32, #tpu.memory_space<vmem>> -> memref<32x1025xf32, #tpu.memory_space<vmem>>
          tpu.vector_store_idx %scatter3A_687[%add3A_14, %add3A_677], %get3A_633 : memref<32x1025xf32, #tpu.memory_space<vmem>>[vector<16xi32>, vector<16xi32>], vector<16xf32>,
          %add3A_688 = arith.constant 2 : i32
          %add3A_689 = vector.broadcast %add3A_688 : i32 to vector<16xi32>
          %add3A_690 = arith.addi %add3A_601, %add3A_689 : vector<16xi32>
          %scatter3A_691 = arith.constant 0 : i32
          %scatter3A_692 = arith.constant 0 : i32
          %scatter3A_693 = arith.constant 0 : i32
          %scatter3A_694 = tpu.memref_slice %arg7[%scatter3A_691, %scatter3A_692, %scatter3A_693] : memref<2x32x1025xf32, #tpu.memory_space<vmem>> -> memref<1x32x1025xf32, #tpu.memory_space<vmem>>
          %scatter3A_695 = tpu.memref_squeeze %scatter3A_694 : memref<1x32x1025xf32, #tpu.memory_space<vmem>> -> memref<32x1025xf32, #tpu.memory_space<vmem>>
          tpu.vector_store_idx %scatter3A_695[%iota3A, %add3A_690], %get3A_640 : memref<32x1025xf32, #tpu.memory_space<vmem>>[vector<16xi32>, vector<16xi32>], vector<16xf32>,
          %scatter3A_696 = arith.constant 0 : i32
          %scatter3A_697 = arith.constant 0 : i32
          %scatter3A_698 = arith.constant 0 : i32
          %scatter3A_699 = tpu.memref_slice %arg7[%scatter3A_696, %scatter3A_697, %scatter3A_698] : memref<2x32x1025xf32, #tpu.memory_space<vmem>> -> memref<1x32x1025xf32, #tpu.memory_space<vmem>>
          %scatter3A_700 = tpu.memref_squeeze %scatter3A_699 : memref<1x32x1025xf32, #tpu.memory_space<vmem>> -> memref<32x1025xf32, #tpu.memory_space<vmem>>
          tpu.vector_store_idx %scatter3A_700[%add3A_14, %add3A_690], %get3A_647 : memref<32x1025xf32, #tpu.memory_space<vmem>>[vector<16xi32>, vector<16xi32>], vector<16xf32>,
          %add3A_701 = arith.constant 3 : i32
          %add3A_702 = vector.broadcast %add3A_701 : i32 to vector<16xi32>
          %add3A_703 = arith.addi %add3A_601, %add3A_702 : vector<16xi32>
          %scatter3A_704 = arith.constant 0 : i32
          %scatter3A_705 = arith.constant 0 : i32
          %scatter3A_706 = arith.constant 0 : i32
          %scatter3A_707 = tpu.memref_slice %arg7[%scatter3A_704, %scatter3A_705, %scatter3A_706] : memref<2x32x1025xf32, #tpu.memory_space<vmem>> -> memref<1x32x1025xf32, #tpu.memory_space<vmem>>
          %scatter3A_708 = tpu.memref_squeeze %scatter3A_707 : memref<1x32x1025xf32, #tpu.memory_space<vmem>> -> memref<32x1025xf32, #tpu.memory_space<vmem>>
          tpu.vector_store_idx %scatter3A_708[%iota3A, %add3A_703], %get3A_654 : memref<32x1025xf32, #tpu.memory_space<vmem>>[vector<16xi32>, vector<16xi32>], vector<16xf32>,
          %scatter3A_709 = arith.constant 0 : i32
          %scatter3A_710 = arith.constant 0 : i32
          %scatter3A_711 = arith.constant 0 : i32
          %scatter3A_712 = tpu.memref_slice %arg7[%scatter3A_709, %scatter3A_710, %scatter3A_711] : memref<2x32x1025xf32, #tpu.memory_space<vmem>> -> memref<1x32x1025xf32, #tpu.memory_space<vmem>>
          %scatter3A_713 = tpu.memref_squeeze %scatter3A_712 : memref<1x32x1025xf32, #tpu.memory_space<vmem>> -> memref<32x1025xf32, #tpu.memory_space<vmem>>
          tpu.vector_store_idx %scatter3A_713[%add3A_14, %add3A_703], %get3A_661 : memref<32x1025xf32, #tpu.memory_space<vmem>>[vector<16xi32>, vector<16xi32>], vector<16xf32>,
          %add3A_714 = arith.constant 4 : i32
          %add3A_715 = vector.broadcast %add3A_714 : i32 to vector<16xi32>
          %add3A_716 = arith.addi %add3A_601, %add3A_715 : vector<16xi32>
          %scan3A_717 = arith.constant 2 : i32
          %scan3A_718 = arith.addi %scan3A_489, %scan3A_717 : i32
          %mul3A_719 = arith.constant 4 : i32
          %mul3A_720 = arith.muli %scan3A_718, %mul3A_719 : i32
          %add3A_721 = arith.constant 0 : i32
          %add3A_722 = arith.addi %mul3A_720, %add3A_721 : i32
          %get3A_723 = arith.constant 1 : i32
          %get3A_724 = arith.index_cast %get3A_723 : i32 to index
          %get3A_725 = arith.index_cast %add3A_722 : i32 to index
          %get3A_726 = arith.constant 0 : index
          %get3A_727 = tpu.vector_load %arg6[%get3A_724, %get3A_725, %get3A_726] {strides = array<i32>} : memref<2x512x32xf32, #tpu.memory_space<vmem>>, vector<16xf32>,
          %add3A_728 = arith.constant 0 : i32
          %add3A_729 = arith.addi %mul3A_720, %add3A_728 : i32
          %get3A_730 = arith.constant 1 : i32
          %get3A_731 = arith.index_cast %get3A_730 : i32 to index
          %get3A_732 = arith.index_cast %add3A_729 : i32 to index
          %get3A_733 = arith.constant 16 : index
          %get3A_734 = tpu.vector_load %arg6[%get3A_731, %get3A_732, %get3A_733] {strides = array<i32>} : memref<2x512x32xf32, #tpu.memory_space<vmem>>, vector<16xf32>,
          %add3A_735 = arith.constant 1 : i32
          %add3A_736 = arith.addi %mul3A_720, %add3A_735 : i32
          %get3A_737 = arith.constant 1 : i32
          %get3A_738 = arith.index_cast %get3A_737 : i32 to index
          %get3A_739 = arith.index_cast %add3A_736 : i32 to index
          %get3A_740 = arith.constant 0 : index
          %get3A_741 = tpu.vector_load %arg6[%get3A_738, %get3A_739, %get3A_740] {strides = array<i32>} : memref<2x512x32xf32, #tpu.memory_space<vmem>>, vector<16xf32>,
          %add3A_742 = arith.constant 1 : i32
          %add3A_743 = arith.addi %mul3A_720, %add3A_742 : i32
          %get3A_744 = arith.constant 1 : i32
          %get3A_745 = arith.index_cast %get3A_744 : i32 to index
          %get3A_746 = arith.index_cast %add3A_743 : i32 to index
          %get3A_747 = arith.constant 16 : index
          %get3A_748 = tpu.vector_load %arg6[%get3A_745, %get3A_746, %get3A_747] {strides = array<i32>} : memref<2x512x32xf32, #tpu.memory_space<vmem>>, vector<16xf32>,
          %add3A_749 = arith.constant 2 : i32
          %add3A_750 = arith.addi %mul3A_720, %add3A_749 : i32
          %get3A_751 = arith.constant 1 : i32
          %get3A_752 = arith.index_cast %get3A_751 : i32 to index
          %get3A_753 = arith.index_cast %add3A_750 : i32 to index
          %get3A_754 = arith.constant 0 : index
          %get3A_755 = tpu.vector_load %arg6[%get3A_752, %get3A_753, %get3A_754] {strides = array<i32>} : memref<2x512x32xf32, #tpu.memory_space<vmem>>, vector<16xf32>,
          %add3A_756 = arith.constant 2 : i32
          %add3A_757 = arith.addi %mul3A_720, %add3A_756 : i32
          %get3A_758 = arith.constant 1 : i32
          %get3A_759 = arith.index_cast %get3A_758 : i32 to index
          %get3A_760 = arith.index_cast %add3A_757 : i32 to index
          %get3A_761 = arith.constant 16 : index
          %get3A_762 = tpu.vector_load %arg6[%get3A_759, %get3A_760, %get3A_761] {strides = array<i32>} : memref<2x512x32xf32, #tpu.memory_space<vmem>>, vector<16xf32>,
          %add3A_763 = arith.constant 3 : i32
          %add3A_764 = arith.addi %mul3A_720, %add3A_763 : i32
          %get3A_765 = arith.constant 1 : i32
          %get3A_766 = arith.index_cast %get3A_765 : i32 to index
          %get3A_767 = arith.index_cast %add3A_764 : i32 to index
          %get3A_768 = arith.constant 0 : index
          %get3A_769 = tpu.vector_load %arg6[%get3A_766, %get3A_767, %get3A_768] {strides = array<i32>} : memref<2x512x32xf32, #tpu.memory_space<vmem>>, vector<16xf32>,
          %add3A_770 = arith.constant 3 : i32
          %add3A_771 = arith.addi %mul3A_720, %add3A_770 : i32
          %get3A_772 = arith.constant 1 : i32
          %get3A_773 = arith.index_cast %get3A_772 : i32 to index
          %get3A_774 = arith.index_cast %add3A_771 : i32 to index
          %get3A_775 = arith.constant 16 : index
          %get3A_776 = tpu.vector_load %arg6[%get3A_773, %get3A_774, %get3A_775] {strides = array<i32>} : memref<2x512x32xf32, #tpu.memory_space<vmem>>, vector<16xf32>,
          %add3A_777 = arith.constant 0 : i32
          %add3A_778 = vector.broadcast %add3A_777 : i32 to vector<16xi32>
          %add3A_779 = arith.addi %add3A_716, %add3A_778 : vector<16xi32>
          %scatter3A_780 = arith.constant 0 : i32
          %scatter3A_781 = arith.constant 0 : i32
          %scatter3A_782 = arith.constant 0 : i32
          %scatter3A_783 = tpu.memref_slice %arg7[%scatter3A_780, %scatter3A_781, %scatter3A_782] : memref<2x32x1025xf32, #tpu.memory_space<vmem>> -> memref<1x32x1025xf32, #tpu.memory_space<vmem>>
          %scatter3A_784 = tpu.memref_squeeze %scatter3A_783 : memref<1x32x1025xf32, #tpu.memory_space<vmem>> -> memref<32x1025xf32, #tpu.memory_space<vmem>>
          tpu.vector_store_idx %scatter3A_784[%iota3A, %add3A_779], %get3A_727 : memref<32x1025xf32, #tpu.memory_space<vmem>>[vector<16xi32>, vector<16xi32>], vector<16xf32>,
          %scatter3A_785 = arith.constant 0 : i32
          %scatter3A_786 = arith.constant 0 : i32
          %scatter3A_787 = arith.constant 0 : i32
          %scatter3A_788 = tpu.memref_slice %arg7[%scatter3A_785, %scatter3A_786, %scatter3A_787] : memref<2x32x1025xf32, #tpu.memory_space<vmem>> -> memref<1x32x1025xf32, #tpu.memory_space<vmem>>
          %scatter3A_789 = tpu.memref_squeeze %scatter3A_788 : memref<1x32x1025xf32, #tpu.memory_space<vmem>> -> memref<32x1025xf32, #tpu.memory_space<vmem>>
          tpu.vector_store_idx %scatter3A_789[%add3A_14, %add3A_779], %get3A_734 : memref<32x1025xf32, #tpu.memory_space<vmem>>[vector<16xi32>, vector<16xi32>], vector<16xf32>,
          %add3A_790 = arith.constant 1 : i32
          %add3A_791 = vector.broadcast %add3A_790 : i32 to vector<16xi32>
          %add3A_792 = arith.addi %add3A_716, %add3A_791 : vector<16xi32>
          %scatter3A_793 = arith.constant 0 : i32
          %scatter3A_794 = arith.constant 0 : i32
          %scatter3A_795 = arith.constant 0 : i32
          %scatter3A_796 = tpu.memref_slice %arg7[%scatter3A_793, %scatter3A_794, %scatter3A_795] : memref<2x32x1025xf32, #tpu.memory_space<vmem>> -> memref<1x32x1025xf32, #tpu.memory_space<vmem>>
          %scatter3A_797 = tpu.memref_squeeze %scatter3A_796 : memref<1x32x1025xf32, #tpu.memory_space<vmem>> -> memref<32x1025xf32, #tpu.memory_space<vmem>>
          tpu.vector_store_idx %scatter3A_797[%iota3A, %add3A_792], %get3A_741 : memref<32x1025xf32, #tpu.memory_space<vmem>>[vector<16xi32>, vector<16xi32>], vector<16xf32>,
          %scatter3A_798 = arith.constant 0 : i32
          %scatter3A_799 = arith.constant 0 : i32
          %scatter3A_800 = arith.constant 0 : i32
          %scatter3A_801 = tpu.memref_slice %arg7[%scatter3A_798, %scatter3A_799, %scatter3A_800] : memref<2x32x1025xf32, #tpu.memory_space<vmem>> -> memref<1x32x1025xf32, #tpu.memory_space<vmem>>
          %scatter3A_802 = tpu.memref_squeeze %scatter3A_801 : memref<1x32x1025xf32, #tpu.memory_space<vmem>> -> memref<32x1025xf32, #tpu.memory_space<vmem>>
          tpu.vector_store_idx %scatter3A_802[%add3A_14, %add3A_792], %get3A_748 : memref<32x1025xf32, #tpu.memory_space<vmem>>[vector<16xi32>, vector<16xi32>], vector<16xf32>,
          %add3A_803 = arith.constant 2 : i32
          %add3A_804 = vector.broadcast %add3A_803 : i32 to vector<16xi32>
          %add3A_805 = arith.addi %add3A_716, %add3A_804 : vector<16xi32>
          %scatter3A_806 = arith.constant 0 : i32
          %scatter3A_807 = arith.constant 0 : i32
          %scatter3A_808 = arith.constant 0 : i32
          %scatter3A_809 = tpu.memref_slice %arg7[%scatter3A_806, %scatter3A_807, %scatter3A_808] : memref<2x32x1025xf32, #tpu.memory_space<vmem>> -> memref<1x32x1025xf32, #tpu.memory_space<vmem>>
          %scatter3A_810 = tpu.memref_squeeze %scatter3A_809 : memref<1x32x1025xf32, #tpu.memory_space<vmem>> -> memref<32x1025xf32, #tpu.memory_space<vmem>>
          tpu.vector_store_idx %scatter3A_810[%iota3A, %add3A_805], %get3A_755 : memref<32x1025xf32, #tpu.memory_space<vmem>>[vector<16xi32>, vector<16xi32>], vector<16xf32>,
          %scatter3A_811 = arith.constant 0 : i32
          %scatter3A_812 = arith.constant 0 : i32
          %scatter3A_813 = arith.constant 0 : i32
          %scatter3A_814 = tpu.memref_slice %arg7[%scatter3A_811, %scatter3A_812, %scatter3A_813] : memref<2x32x1025xf32, #tpu.memory_space<vmem>> -> memref<1x32x1025xf32, #tpu.memory_space<vmem>>
          %scatter3A_815 = tpu.memref_squeeze %scatter3A_814 : memref<1x32x1025xf32, #tpu.memory_space<vmem>> -> memref<32x1025xf32, #tpu.memory_space<vmem>>
          tpu.vector_store_idx %scatter3A_815[%add3A_14, %add3A_805], %get3A_762 : memref<32x1025xf32, #tpu.memory_space<vmem>>[vector<16xi32>, vector<16xi32>], vector<16xf32>,
          %add3A_816 = arith.constant 3 : i32
          %add3A_817 = vector.broadcast %add3A_816 : i32 to vector<16xi32>
          %add3A_818 = arith.addi %add3A_716, %add3A_817 : vector<16xi32>
          %scatter3A_819 = arith.constant 0 : i32
          %scatter3A_820 = arith.constant 0 : i32
          %scatter3A_821 = arith.constant 0 : i32
          %scatter3A_822 = tpu.memref_slice %arg7[%scatter3A_819, %scatter3A_820, %scatter3A_821] : memref<2x32x1025xf32, #tpu.memory_space<vmem>> -> memref<1x32x1025xf32, #tpu.memory_space<vmem>>
          %scatter3A_823 = tpu.memref_squeeze %scatter3A_822 : memref<1x32x1025xf32, #tpu.memory_space<vmem>> -> memref<32x1025xf32, #tpu.memory_space<vmem>>
          tpu.vector_store_idx %scatter3A_823[%iota3A, %add3A_818], %get3A_769 : memref<32x1025xf32, #tpu.memory_space<vmem>>[vector<16xi32>, vector<16xi32>], vector<16xf32>,
          %scatter3A_824 = arith.constant 0 : i32
          %scatter3A_825 = arith.constant 0 : i32
          %scatter3A_826 = arith.constant 0 : i32
          %scatter3A_827 = tpu.memref_slice %arg7[%scatter3A_824, %scatter3A_825, %scatter3A_826] : memref<2x32x1025xf32, #tpu.memory_space<vmem>> -> memref<1x32x1025xf32, #tpu.memory_space<vmem>>
          %scatter3A_828 = tpu.memref_squeeze %scatter3A_827 : memref<1x32x1025xf32, #tpu.memory_space<vmem>> -> memref<32x1025xf32, #tpu.memory_space<vmem>>
          tpu.vector_store_idx %scatter3A_828[%add3A_14, %add3A_818], %get3A_776 : memref<32x1025xf32, #tpu.memory_space<vmem>>[vector<16xi32>, vector<16xi32>], vector<16xf32>,
          %add3A_829 = arith.constant 4 : i32
          %add3A_830 = vector.broadcast %add3A_829 : i32 to vector<16xi32>
          %add3A_831 = arith.addi %add3A_716, %add3A_830 : vector<16xi32>
          %scan3A_832 = arith.constant 3 : i32
          %scan3A_833 = arith.addi %scan3A_489, %scan3A_832 : i32
          %mul3A_834 = arith.constant 4 : i32
          %mul3A_835 = arith.muli %scan3A_833, %mul3A_834 : i32
          %add3A_836 = arith.constant 0 : i32
          %add3A_837 = arith.addi %mul3A_835, %add3A_836 : i32
          %get3A_838 = arith.constant 1 : i32
          %get3A_839 = arith.index_cast %get3A_838 : i32 to index
          %get3A_840 = arith.index_cast %add3A_837 : i32 to index
          %get3A_841 = arith.constant 0 : index
          %get3A_842 = tpu.vector_load %arg6[%get3A_839, %get3A_840, %get3A_841] {strides = array<i32>} : memref<2x512x32xf32, #tpu.memory_space<vmem>>, vector<16xf32>,
          %add3A_843 = arith.constant 0 : i32
          %add3A_844 = arith.addi %mul3A_835, %add3A_843 : i32
          %get3A_845 = arith.constant 1 : i32
          %get3A_846 = arith.index_cast %get3A_845 : i32 to index
          %get3A_847 = arith.index_cast %add3A_844 : i32 to index
          %get3A_848 = arith.constant 16 : index
          %get3A_849 = tpu.vector_load %arg6[%get3A_846, %get3A_847, %get3A_848] {strides = array<i32>} : memref<2x512x32xf32, #tpu.memory_space<vmem>>, vector<16xf32>,
          %add3A_850 = arith.constant 1 : i32
          %add3A_851 = arith.addi %mul3A_835, %add3A_850 : i32
          %get3A_852 = arith.constant 1 : i32
          %get3A_853 = arith.index_cast %get3A_852 : i32 to index
          %get3A_854 = arith.index_cast %add3A_851 : i32 to index
          %get3A_855 = arith.constant 0 : index
          %get3A_856 = tpu.vector_load %arg6[%get3A_853, %get3A_854, %get3A_855] {strides = array<i32>} : memref<2x512x32xf32, #tpu.memory_space<vmem>>, vector<16xf32>,
          %add3A_857 = arith.constant 1 : i32
          %add3A_858 = arith.addi %mul3A_835, %add3A_857 : i32
          %get3A_859 = arith.constant 1 : i32
          %get3A_860 = arith.index_cast %get3A_859 : i32 to index
          %get3A_861 = arith.index_cast %add3A_858 : i32 to index
          %get3A_862 = arith.constant 16 : index
          %get3A_863 = tpu.vector_load %arg6[%get3A_860, %get3A_861, %get3A_862] {strides = array<i32>} : memref<2x512x32xf32, #tpu.memory_space<vmem>>, vector<16xf32>,
          %add3A_864 = arith.constant 2 : i32
          %add3A_865 = arith.addi %mul3A_835, %add3A_864 : i32
          %get3A_866 = arith.constant 1 : i32
          %get3A_867 = arith.index_cast %get3A_866 : i32 to index
          %get3A_868 = arith.index_cast %add3A_865 : i32 to index
          %get3A_869 = arith.constant 0 : index
          %get3A_870 = tpu.vector_load %arg6[%get3A_867, %get3A_868, %get3A_869] {strides = array<i32>} : memref<2x512x32xf32, #tpu.memory_space<vmem>>, vector<16xf32>,
          %add3A_871 = arith.constant 2 : i32
          %add3A_872 = arith.addi %mul3A_835, %add3A_871 : i32
          %get3A_873 = arith.constant 1 : i32
          %get3A_874 = arith.index_cast %get3A_873 : i32 to index
          %get3A_875 = arith.index_cast %add3A_872 : i32 to index
          %get3A_876 = arith.constant 16 : index
          %get3A_877 = tpu.vector_load %arg6[%get3A_874, %get3A_875, %get3A_876] {strides = array<i32>} : memref<2x512x32xf32, #tpu.memory_space<vmem>>, vector<16xf32>,
          %add3A_878 = arith.constant 3 : i32
          %add3A_879 = arith.addi %mul3A_835, %add3A_878 : i32
          %get3A_880 = arith.constant 1 : i32
          %get3A_881 = arith.index_cast %get3A_880 : i32 to index
          %get3A_882 = arith.index_cast %add3A_879 : i32 to index
          %get3A_883 = arith.constant 0 : index
          %get3A_884 = tpu.vector_load %arg6[%get3A_881, %get3A_882, %get3A_883] {strides = array<i32>} : memref<2x512x32xf32, #tpu.memory_space<vmem>>, vector<16xf32>,
          %add3A_885 = arith.constant 3 : i32
          %add3A_886 = arith.addi %mul3A_835, %add3A_885 : i32
          %get3A_887 = arith.constant 1 : i32
          %get3A_888 = arith.index_cast %get3A_887 : i32 to index
          %get3A_889 = arith.index_cast %add3A_886 : i32 to index
          %get3A_890 = arith.constant 16 : index
          %get3A_891 = tpu.vector_load %arg6[%get3A_888, %get3A_889, %get3A_890] {strides = array<i32>} : memref<2x512x32xf32, #tpu.memory_space<vmem>>, vector<16xf32>,
          %add3A_892 = arith.constant 0 : i32
          %add3A_893 = vector.broadcast %add3A_892 : i32 to vector<16xi32>
          %add3A_894 = arith.addi %add3A_831, %add3A_893 : vector<16xi32>
          %scatter3A_895 = arith.constant 0 : i32
          %scatter3A_896 = arith.constant 0 : i32
          %scatter3A_897 = arith.constant 0 : i32
          %scatter3A_898 = tpu.memref_slice %arg7[%scatter3A_895, %scatter3A_896, %scatter3A_897] : memref<2x32x1025xf32, #tpu.memory_space<vmem>> -> memref<1x32x1025xf32, #tpu.memory_space<vmem>>
          %scatter3A_899 = tpu.memref_squeeze %scatter3A_898 : memref<1x32x1025xf32, #tpu.memory_space<vmem>> -> memref<32x1025xf32, #tpu.memory_space<vmem>>
          tpu.vector_store_idx %scatter3A_899[%iota3A, %add3A_894], %get3A_842 : memref<32x1025xf32, #tpu.memory_space<vmem>>[vector<16xi32>, vector<16xi32>], vector<16xf32>,
          %scatter3A_900 = arith.constant 0 : i32
          %scatter3A_901 = arith.constant 0 : i32
          %scatter3A_902 = arith.constant 0 : i32
          %scatter3A_903 = tpu.memref_slice %arg7[%scatter3A_900, %scatter3A_901, %scatter3A_902] : memref<2x32x1025xf32, #tpu.memory_space<vmem>> -> memref<1x32x1025xf32, #tpu.memory_space<vmem>>
          %scatter3A_904 = tpu.memref_squeeze %scatter3A_903 : memref<1x32x1025xf32, #tpu.memory_space<vmem>> -> memref<32x1025xf32, #tpu.memory_space<vmem>>
          tpu.vector_store_idx %scatter3A_904[%add3A_14, %add3A_894], %get3A_849 : memref<32x1025xf32, #tpu.memory_space<vmem>>[vector<16xi32>, vector<16xi32>], vector<16xf32>,
          %add3A_905 = arith.constant 1 : i32
          %add3A_906 = vector.broadcast %add3A_905 : i32 to vector<16xi32>
          %add3A_907 = arith.addi %add3A_831, %add3A_906 : vector<16xi32>
          %scatter3A_908 = arith.constant 0 : i32
          %scatter3A_909 = arith.constant 0 : i32
          %scatter3A_910 = arith.constant 0 : i32
          %scatter3A_911 = tpu.memref_slice %arg7[%scatter3A_908, %scatter3A_909, %scatter3A_910] : memref<2x32x1025xf32, #tpu.memory_space<vmem>> -> memref<1x32x1025xf32, #tpu.memory_space<vmem>>
          %scatter3A_912 = tpu.memref_squeeze %scatter3A_911 : memref<1x32x1025xf32, #tpu.memory_space<vmem>> -> memref<32x1025xf32, #tpu.memory_space<vmem>>
          tpu.vector_store_idx %scatter3A_912[%iota3A, %add3A_907], %get3A_856 : memref<32x1025xf32, #tpu.memory_space<vmem>>[vector<16xi32>, vector<16xi32>], vector<16xf32>,
          %scatter3A_913 = arith.constant 0 : i32
          %scatter3A_914 = arith.constant 0 : i32
          %scatter3A_915 = arith.constant 0 : i32
          %scatter3A_916 = tpu.memref_slice %arg7[%scatter3A_913, %scatter3A_914, %scatter3A_915] : memref<2x32x1025xf32, #tpu.memory_space<vmem>> -> memref<1x32x1025xf32, #tpu.memory_space<vmem>>
          %scatter3A_917 = tpu.memref_squeeze %scatter3A_916 : memref<1x32x1025xf32, #tpu.memory_space<vmem>> -> memref<32x1025xf32, #tpu.memory_space<vmem>>
          tpu.vector_store_idx %scatter3A_917[%add3A_14, %add3A_907], %get3A_863 : memref<32x1025xf32, #tpu.memory_space<vmem>>[vector<16xi32>, vector<16xi32>], vector<16xf32>,
          %add3A_918 = arith.constant 2 : i32
          %add3A_919 = vector.broadcast %add3A_918 : i32 to vector<16xi32>
          %add3A_920 = arith.addi %add3A_831, %add3A_919 : vector<16xi32>
          %scatter3A_921 = arith.constant 0 : i32
          %scatter3A_922 = arith.constant 0 : i32
          %scatter3A_923 = arith.constant 0 : i32
          %scatter3A_924 = tpu.memref_slice %arg7[%scatter3A_921, %scatter3A_922, %scatter3A_923] : memref<2x32x1025xf32, #tpu.memory_space<vmem>> -> memref<1x32x1025xf32, #tpu.memory_space<vmem>>
          %scatter3A_925 = tpu.memref_squeeze %scatter3A_924 : memref<1x32x1025xf32, #tpu.memory_space<vmem>> -> memref<32x1025xf32, #tpu.memory_space<vmem>>
          tpu.vector_store_idx %scatter3A_925[%iota3A, %add3A_920], %get3A_870 : memref<32x1025xf32, #tpu.memory_space<vmem>>[vector<16xi32>, vector<16xi32>], vector<16xf32>,
          %scatter3A_926 = arith.constant 0 : i32
          %scatter3A_927 = arith.constant 0 : i32
          %scatter3A_928 = arith.constant 0 : i32
          %scatter3A_929 = tpu.memref_slice %arg7[%scatter3A_926, %scatter3A_927, %scatter3A_928] : memref<2x32x1025xf32, #tpu.memory_space<vmem>> -> memref<1x32x1025xf32, #tpu.memory_space<vmem>>
          %scatter3A_930 = tpu.memref_squeeze %scatter3A_929 : memref<1x32x1025xf32, #tpu.memory_space<vmem>> -> memref<32x1025xf32, #tpu.memory_space<vmem>>
          tpu.vector_store_idx %scatter3A_930[%add3A_14, %add3A_920], %get3A_877 : memref<32x1025xf32, #tpu.memory_space<vmem>>[vector<16xi32>, vector<16xi32>], vector<16xf32>,
          %add3A_931 = arith.constant 3 : i32
          %add3A_932 = vector.broadcast %add3A_931 : i32 to vector<16xi32>
          %add3A_933 = arith.addi %add3A_831, %add3A_932 : vector<16xi32>
          %scatter3A_934 = arith.constant 0 : i32
          %scatter3A_935 = arith.constant 0 : i32
          %scatter3A_936 = arith.constant 0 : i32
          %scatter3A_937 = tpu.memref_slice %arg7[%scatter3A_934, %scatter3A_935, %scatter3A_936] : memref<2x32x1025xf32, #tpu.memory_space<vmem>> -> memref<1x32x1025xf32, #tpu.memory_space<vmem>>
          %scatter3A_938 = tpu.memref_squeeze %scatter3A_937 : memref<1x32x1025xf32, #tpu.memory_space<vmem>> -> memref<32x1025xf32, #tpu.memory_space<vmem>>
          tpu.vector_store_idx %scatter3A_938[%iota3A, %add3A_933], %get3A_884 : memref<32x1025xf32, #tpu.memory_space<vmem>>[vector<16xi32>, vector<16xi32>], vector<16xf32>,
          %scatter3A_939 = arith.constant 0 : i32
          %scatter3A_940 = arith.constant 0 : i32
          %scatter3A_941 = arith.constant 0 : i32
          %scatter3A_942 = tpu.memref_slice %arg7[%scatter3A_939, %scatter3A_940, %scatter3A_941] : memref<2x32x1025xf32, #tpu.memory_space<vmem>> -> memref<1x32x1025xf32, #tpu.memory_space<vmem>>
          %scatter3A_943 = tpu.memref_squeeze %scatter3A_942 : memref<1x32x1025xf32, #tpu.memory_space<vmem>> -> memref<32x1025xf32, #tpu.memory_space<vmem>>
          tpu.vector_store_idx %scatter3A_943[%add3A_14, %add3A_933], %get3A_891 : memref<32x1025xf32, #tpu.memory_space<vmem>>[vector<16xi32>, vector<16xi32>], vector<16xf32>,
          %add3A_944 = arith.constant 4 : i32
          %add3A_945 = vector.broadcast %add3A_944 : i32 to vector<16xi32>
          %add3A_946 = arith.addi %add3A_831, %add3A_945 : vector<16xi32>
          scf.yield %add3A_946 : vector<16xi32>
        }
        %scan3A_488 = arith.constant 128 : i32
      } else {
      }
      %jit3A_412 = arith.constant 2 : i32
      %eq3A_413 = arith.constant 0 : i32
      %eq3A_414 = arith.cmpi eq, %jit3A_412, %eq3A_413 : i32
      %jit3A_415 = arith.constant 1 : i32
      %select_n3A_416 = arith.select %eq3A_414, %jit3A_415, %jit3A_412 : i32
      %rem3A_417 = arith.remsi %scan3A_183, %select_n3A_416 : i32
      %ne3A_418 = arith.constant 0 : i32
      %ne3A_419 = arith.cmpi ne, %rem3A_417, %ne3A_418 : i32
      %lt3A_420 = arith.constant 0 : i32
      %lt3A_421 = arith.cmpi slt, %rem3A_417, %lt3A_420 : i32
      %lt3A_422 = arith.constant 0 : i32
      %lt3A_423 = arith.cmpi slt, %select_n3A_416, %lt3A_422 : i32
      %ne3A_424 = arith.xori %lt3A_421, %lt3A_423 : i1
      %and3A_425 = arith.andi %ne3A_424, %ne3A_419 : i1
      %add3A_426 = arith.addi %rem3A_417, %select_n3A_416 : i32
      %select_n3A_427 = arith.select %and3A_425, %add3A_426, %rem3A_417 : i32
      %eq3A_428 = arith.constant 1 : i32
      %eq3A_429 = arith.cmpi eq, %select_n3A_427, %eq3A_428 : i32
      %convert_element_type3A_430 = arith.extui %eq3A_429 : i1 to i32
      %cond3A_431 = arith.constant 0 : i32
      %cond3A_432 = arith.cmpi ne, %convert_element_type3A_430, %cond3A_431 : i32
      scf.if %cond3A_432 {
        %broadcast_in_dim3A = arith.constant 512 : i32
        %broadcast_in_dim3A_482 = vector.broadcast %broadcast_in_dim3A : i32 to vector<16xi32>
        %scan3A_483 = arith.constant 0 : i32
        %scan3A_484 = arith.constant 128 : i32
        %scan3A_485 = arith.addi %scan3A_483, %scan3A_484 : i32
        %scan3A_486 = arith.constant 4 : i32
        %scan3A_487 = scf.for %scan3A_489 = %scan3A_483 to %scan3A_485 step %scan3A_486 iter_args(%scan3A_490 = %broadcast_in_dim3A_482) -> (vector<16xi32>)  : i32 {
          %mul3A_491 = arith.constant 4 : i32
          %mul3A_492 = arith.muli %scan3A_489, %mul3A_491 : i32
          %add3A_493 = arith.constant 0 : i32
          %add3A_494 = arith.addi %mul3A_492, %add3A_493 : i32
          %get3A = arith.constant 1 : i32
          %get3A_495 = arith.index_cast %get3A : i32 to index
          %get3A_496 = arith.index_cast %add3A_494 : i32 to index
          %get3A_497 = arith.constant 0 : index
          %get3A_498 = tpu.vector_load %arg6[%get3A_495, %get3A_496, %get3A_497] {strides = array<i32>} : memref<2x512x32xf32, #tpu.memory_space<vmem>>, vector<16xf32>,
          %add3A_499 = arith.constant 0 : i32
          %add3A_500 = arith.addi %mul3A_492, %add3A_499 : i32
          %get3A_501 = arith.constant 1 : i32
          %get3A_502 = arith.index_cast %get3A_501 : i32 to index
          %get3A_503 = arith.index_cast %add3A_500 : i32 to index
          %get3A_504 = arith.constant 16 : index
          %get3A_505 = tpu.vector_load %arg6[%get3A_502, %get3A_503, %get3A_504] {strides = array<i32>} : memref<2x512x32xf32, #tpu.memory_space<vmem>>, vector<16xf32>,
          %add3A_506 = arith.constant 1 : i32
          %add3A_507 = arith.addi %mul3A_492, %add3A_506 : i32
          %get3A_508 = arith.constant 1 : i32
          %get3A_509 = arith.index_cast %get3A_508 : i32 to index
          %get3A_510 = arith.index_cast %add3A_507 : i32 to index
          %get3A_511 = arith.constant 0 : index
          %get3A_512 = tpu.vector_load %arg6[%get3A_509, %get3A_510, %get3A_511] {strides = array<i32>} : memref<2x512x32xf32, #tpu.memory_space<vmem>>, vector<16xf32>,
          %add3A_513 = arith.constant 1 : i32
          %add3A_514 = arith.addi %mul3A_492, %add3A_513 : i32
          %get3A_515 = arith.constant 1 : i32
          %get3A_516 = arith.index_cast %get3A_515 : i32 to index
          %get3A_517 = arith.index_cast %add3A_514 : i32 to index
          %get3A_518 = arith.constant 16 : index
          %get3A_519 = tpu.vector_load %arg6[%get3A_516, %get3A_517, %get3A_518] {strides = array<i32>} : memref<2x512x32xf32, #tpu.memory_space<vmem>>, vector<16xf32>,
          %add3A_520 = arith.constant 2 : i32
          %add3A_521 = arith.addi %mul3A_492, %add3A_520 : i32
          %get3A_522 = arith.constant 1 : i32
          %get3A_523 = arith.index_cast %get3A_522 : i32 to index
          %get3A_524 = arith.index_cast %add3A_521 : i32 to index
          %get3A_525 = arith.constant 0 : index
          %get3A_526 = tpu.vector_load %arg6[%get3A_523, %get3A_524, %get3A_525] {strides = array<i32>} : memref<2x512x32xf32, #tpu.memory_space<vmem>>, vector<16xf32>,
          %add3A_527 = arith.constant 2 : i32
          %add3A_528 = arith.addi %mul3A_492, %add3A_527 : i32
          %get3A_529 = arith.constant 1 : i32
          %get3A_530 = arith.index_cast %get3A_529 : i32 to index
          %get3A_531 = arith.index_cast %add3A_528 : i32 to index
          %get3A_532 = arith.constant 16 : index
          %get3A_533 = tpu.vector_load %arg6[%get3A_530, %get3A_531, %get3A_532] {strides = array<i32>} : memref<2x512x32xf32, #tpu.memory_space<vmem>>, vector<16xf32>,
          %add3A_534 = arith.constant 3 : i32
          %add3A_535 = arith.addi %mul3A_492, %add3A_534 : i32
          %get3A_536 = arith.constant 1 : i32
          %get3A_537 = arith.index_cast %get3A_536 : i32 to index
          %get3A_538 = arith.index_cast %add3A_535 : i32 to index
          %get3A_539 = arith.constant 0 : index
          %get3A_540 = tpu.vector_load %arg6[%get3A_537, %get3A_538, %get3A_539] {strides = array<i32>} : memref<2x512x32xf32, #tpu.memory_space<vmem>>, vector<16xf32>,
          %add3A_541 = arith.constant 3 : i32
          %add3A_542 = arith.addi %mul3A_492, %add3A_541 : i32
          %get3A_543 = arith.constant 1 : i32
          %get3A_544 = arith.index_cast %get3A_543 : i32 to index
          %get3A_545 = arith.index_cast %add3A_542 : i32 to index
          %get3A_546 = arith.constant 16 : index
          %get3A_547 = tpu.vector_load %arg6[%get3A_544, %get3A_545, %get3A_546] {strides = array<i32>} : memref<2x512x32xf32, #tpu.memory_space<vmem>>, vector<16xf32>,
          %add3A_548 = arith.constant 0 : i32
          %add3A_549 = vector.broadcast %add3A_548 : i32 to vector<16xi32>
          %add3A_550 = arith.addi %scan3A_490, %add3A_549 : vector<16xi32>
          %scatter3A = arith.constant 1 : i32
          %scatter3A_551 = arith.constant 0 : i32
          %scatter3A_552 = arith.constant 0 : i32
          %scatter3A_553 = tpu.memref_slice %arg7[%scatter3A, %scatter3A_551, %scatter3A_552] : memref<2x32x1025xf32, #tpu.memory_space<vmem>> -> memref<1x32x1025xf32, #tpu.memory_space<vmem>>
          %scatter3A_554 = tpu.memref_squeeze %scatter3A_553 : memref<1x32x1025xf32, #tpu.memory_space<vmem>> -> memref<32x1025xf32, #tpu.memory_space<vmem>>
          tpu.vector_store_idx %scatter3A_554[%iota3A, %add3A_550], %get3A_498 : memref<32x1025xf32, #tpu.memory_space<vmem>>[vector<16xi32>, vector<16xi32>], vector<16xf32>,
          %scatter3A_555 = arith.constant 1 : i32
          %scatter3A_556 = arith.constant 0 : i32
          %scatter3A_557 = arith.constant 0 : i32
          %scatter3A_558 = tpu.memref_slice %arg7[%scatter3A_555, %scatter3A_556, %scatter3A_557] : memref<2x32x1025xf32, #tpu.memory_space<vmem>> -> memref<1x32x1025xf32, #tpu.memory_space<vmem>>
          %scatter3A_559 = tpu.memref_squeeze %scatter3A_558 : memref<1x32x1025xf32, #tpu.memory_space<vmem>> -> memref<32x1025xf32, #tpu.memory_space<vmem>>
          tpu.vector_store_idx %scatter3A_559[%add3A_14, %add3A_550], %get3A_505 : memref<32x1025xf32, #tpu.memory_space<vmem>>[vector<16xi32>, vector<16xi32>], vector<16xf32>,
          %add3A_560 = arith.constant 1 : i32
          %add3A_561 = vector.broadcast %add3A_560 : i32 to vector<16xi32>
          %add3A_562 = arith.addi %scan3A_490, %add3A_561 : vector<16xi32>
          %scatter3A_563 = arith.constant 1 : i32
          %scatter3A_564 = arith.constant 0 : i32
          %scatter3A_565 = arith.constant 0 : i32
          %scatter3A_566 = tpu.memref_slice %arg7[%scatter3A_563, %scatter3A_564, %scatter3A_565] : memref<2x32x1025xf32, #tpu.memory_space<vmem>> -> memref<1x32x1025xf32, #tpu.memory_space<vmem>>
          %scatter3A_567 = tpu.memref_squeeze %scatter3A_566 : memref<1x32x1025xf32, #tpu.memory_space<vmem>> -> memref<32x1025xf32, #tpu.memory_space<vmem>>
          tpu.vector_store_idx %scatter3A_567[%iota3A, %add3A_562], %get3A_512 : memref<32x1025xf32, #tpu.memory_space<vmem>>[vector<16xi32>, vector<16xi32>], vector<16xf32>,
          %scatter3A_568 = arith.constant 1 : i32
          %scatter3A_569 = arith.constant 0 : i32
          %scatter3A_570 = arith.constant 0 : i32
          %scatter3A_571 = tpu.memref_slice %arg7[%scatter3A_568, %scatter3A_569, %scatter3A_570] : memref<2x32x1025xf32, #tpu.memory_space<vmem>> -> memref<1x32x1025xf32, #tpu.memory_space<vmem>>
          %scatter3A_572 = tpu.memref_squeeze %scatter3A_571 : memref<1x32x1025xf32, #tpu.memory_space<vmem>> -> memref<32x1025xf32, #tpu.memory_space<vmem>>
          tpu.vector_store_idx %scatter3A_572[%add3A_14, %add3A_562], %get3A_519 : memref<32x1025xf32, #tpu.memory_space<vmem>>[vector<16xi32>, vector<16xi32>], vector<16xf32>,
          %add3A_573 = arith.constant 2 : i32
          %add3A_574 = vector.broadcast %add3A_573 : i32 to vector<16xi32>
          %add3A_575 = arith.addi %scan3A_490, %add3A_574 : vector<16xi32>
          %scatter3A_576 = arith.constant 1 : i32
          %scatter3A_577 = arith.constant 0 : i32
          %scatter3A_578 = arith.constant 0 : i32
          %scatter3A_579 = tpu.memref_slice %arg7[%scatter3A_576, %scatter3A_577, %scatter3A_578] : memref<2x32x1025xf32, #tpu.memory_space<vmem>> -> memref<1x32x1025xf32, #tpu.memory_space<vmem>>
          %scatter3A_580 = tpu.memref_squeeze %scatter3A_579 : memref<1x32x1025xf32, #tpu.memory_space<vmem>> -> memref<32x1025xf32, #tpu.memory_space<vmem>>
          tpu.vector_store_idx %scatter3A_580[%iota3A, %add3A_575], %get3A_526 : memref<32x1025xf32, #tpu.memory_space<vmem>>[vector<16xi32>, vector<16xi32>], vector<16xf32>,
          %scatter3A_581 = arith.constant 1 : i32
          %scatter3A_582 = arith.constant 0 : i32
          %scatter3A_583 = arith.constant 0 : i32
          %scatter3A_584 = tpu.memref_slice %arg7[%scatter3A_581, %scatter3A_582, %scatter3A_583] : memref<2x32x1025xf32, #tpu.memory_space<vmem>> -> memref<1x32x1025xf32, #tpu.memory_space<vmem>>
          %scatter3A_585 = tpu.memref_squeeze %scatter3A_584 : memref<1x32x1025xf32, #tpu.memory_space<vmem>> -> memref<32x1025xf32, #tpu.memory_space<vmem>>
          tpu.vector_store_idx %scatter3A_585[%add3A_14, %add3A_575], %get3A_533 : memref<32x1025xf32, #tpu.memory_space<vmem>>[vector<16xi32>, vector<16xi32>], vector<16xf32>,
          %add3A_586 = arith.constant 3 : i32
          %add3A_587 = vector.broadcast %add3A_586 : i32 to vector<16xi32>
          %add3A_588 = arith.addi %scan3A_490, %add3A_587 : vector<16xi32>
          %scatter3A_589 = arith.constant 1 : i32
          %scatter3A_590 = arith.constant 0 : i32
          %scatter3A_591 = arith.constant 0 : i32
          %scatter3A_592 = tpu.memref_slice %arg7[%scatter3A_589, %scatter3A_590, %scatter3A_591] : memref<2x32x1025xf32, #tpu.memory_space<vmem>> -> memref<1x32x1025xf32, #tpu.memory_space<vmem>>
          %scatter3A_593 = tpu.memref_squeeze %scatter3A_592 : memref<1x32x1025xf32, #tpu.memory_space<vmem>> -> memref<32x1025xf32, #tpu.memory_space<vmem>>
          tpu.vector_store_idx %scatter3A_593[%iota3A, %add3A_588], %get3A_540 : memref<32x1025xf32, #tpu.memory_space<vmem>>[vector<16xi32>, vector<16xi32>], vector<16xf32>,
          %scatter3A_594 = arith.constant 1 : i32
          %scatter3A_595 = arith.constant 0 : i32
          %scatter3A_596 = arith.constant 0 : i32
          %scatter3A_597 = tpu.memref_slice %arg7[%scatter3A_594, %scatter3A_595, %scatter3A_596] : memref<2x32x1025xf32, #tpu.memory_space<vmem>> -> memref<1x32x1025xf32, #tpu.memory_space<vmem>>
          %scatter3A_598 = tpu.memref_squeeze %scatter3A_597 : memref<1x32x1025xf32, #tpu.memory_space<vmem>> -> memref<32x1025xf32, #tpu.memory_space<vmem>>
          tpu.vector_store_idx %scatter3A_598[%add3A_14, %add3A_588], %get3A_547 : memref<32x1025xf32, #tpu.memory_space<vmem>>[vector<16xi32>, vector<16xi32>], vector<16xf32>,
          %add3A_599 = arith.constant 4 : i32
          %add3A_600 = vector.broadcast %add3A_599 : i32 to vector<16xi32>
          %add3A_601 = arith.addi %scan3A_490, %add3A_600 : vector<16xi32>
          %scan3A_602 = arith.constant 1 : i32
          %scan3A_603 = arith.addi %scan3A_489, %scan3A_602 : i32
          %mul3A_604 = arith.constant 4 : i32
          %mul3A_605 = arith.muli %scan3A_603, %mul3A_604 : i32
          %add3A_606 = arith.constant 0 : i32
          %add3A_607 = arith.addi %mul3A_605, %add3A_606 : i32
          %get3A_608 = arith.constant 1 : i32
          %get3A_609 = arith.index_cast %get3A_608 : i32 to index
          %get3A_610 = arith.index_cast %add3A_607 : i32 to index
          %get3A_611 = arith.constant 0 : index
          %get3A_612 = tpu.vector_load %arg6[%get3A_609, %get3A_610, %get3A_611] {strides = array<i32>} : memref<2x512x32xf32, #tpu.memory_space<vmem>>, vector<16xf32>,
          %add3A_613 = arith.constant 0 : i32
          %add3A_614 = arith.addi %mul3A_605, %add3A_613 : i32
          %get3A_615 = arith.constant 1 : i32
          %get3A_616 = arith.index_cast %get3A_615 : i32 to index
          %get3A_617 = arith.index_cast %add3A_614 : i32 to index
          %get3A_618 = arith.constant 16 : index
          %get3A_619 = tpu.vector_load %arg6[%get3A_616, %get3A_617, %get3A_618] {strides = array<i32>} : memref<2x512x32xf32, #tpu.memory_space<vmem>>, vector<16xf32>,
          %add3A_620 = arith.constant 1 : i32
          %add3A_621 = arith.addi %mul3A_605, %add3A_620 : i32
          %get3A_622 = arith.constant 1 : i32
          %get3A_623 = arith.index_cast %get3A_622 : i32 to index
          %get3A_624 = arith.index_cast %add3A_621 : i32 to index
          %get3A_625 = arith.constant 0 : index
          %get3A_626 = tpu.vector_load %arg6[%get3A_623, %get3A_624, %get3A_625] {strides = array<i32>} : memref<2x512x32xf32, #tpu.memory_space<vmem>>, vector<16xf32>,
          %add3A_627 = arith.constant 1 : i32
          %add3A_628 = arith.addi %mul3A_605, %add3A_627 : i32
          %get3A_629 = arith.constant 1 : i32
          %get3A_630 = arith.index_cast %get3A_629 : i32 to index
          %get3A_631 = arith.index_cast %add3A_628 : i32 to index
          %get3A_632 = arith.constant 16 : index
          %get3A_633 = tpu.vector_load %arg6[%get3A_630, %get3A_631, %get3A_632] {strides = array<i32>} : memref<2x512x32xf32, #tpu.memory_space<vmem>>, vector<16xf32>,
          %add3A_634 = arith.constant 2 : i32
          %add3A_635 = arith.addi %mul3A_605, %add3A_634 : i32
          %get3A_636 = arith.constant 1 : i32
          %get3A_637 = arith.index_cast %get3A_636 : i32 to index
          %get3A_638 = arith.index_cast %add3A_635 : i32 to index
          %get3A_639 = arith.constant 0 : index
          %get3A_640 = tpu.vector_load %arg6[%get3A_637, %get3A_638, %get3A_639] {strides = array<i32>} : memref<2x512x32xf32, #tpu.memory_space<vmem>>, vector<16xf32>,
          %add3A_641 = arith.constant 2 : i32
          %add3A_642 = arith.addi %mul3A_605, %add3A_641 : i32
          %get3A_643 = arith.constant 1 : i32
          %get3A_644 = arith.index_cast %get3A_643 : i32 to index
          %get3A_645 = arith.index_cast %add3A_642 : i32 to index
          %get3A_646 = arith.constant 16 : index
          %get3A_647 = tpu.vector_load %arg6[%get3A_644, %get3A_645, %get3A_646] {strides = array<i32>} : memref<2x512x32xf32, #tpu.memory_space<vmem>>, vector<16xf32>,
          %add3A_648 = arith.constant 3 : i32
          %add3A_649 = arith.addi %mul3A_605, %add3A_648 : i32
          %get3A_650 = arith.constant 1 : i32
          %get3A_651 = arith.index_cast %get3A_650 : i32 to index
          %get3A_652 = arith.index_cast %add3A_649 : i32 to index
          %get3A_653 = arith.constant 0 : index
          %get3A_654 = tpu.vector_load %arg6[%get3A_651, %get3A_652, %get3A_653] {strides = array<i32>} : memref<2x512x32xf32, #tpu.memory_space<vmem>>, vector<16xf32>,
          %add3A_655 = arith.constant 3 : i32
          %add3A_656 = arith.addi %mul3A_605, %add3A_655 : i32
          %get3A_657 = arith.constant 1 : i32
          %get3A_658 = arith.index_cast %get3A_657 : i32 to index
          %get3A_659 = arith.index_cast %add3A_656 : i32 to index
          %get3A_660 = arith.constant 16 : index
          %get3A_661 = tpu.vector_load %arg6[%get3A_658, %get3A_659, %get3A_660] {strides = array<i32>} : memref<2x512x32xf32, #tpu.memory_space<vmem>>, vector<16xf32>,
          %add3A_662 = arith.constant 0 : i32
          %add3A_663 = vector.broadcast %add3A_662 : i32 to vector<16xi32>
          %add3A_664 = arith.addi %add3A_601, %add3A_663 : vector<16xi32>
          %scatter3A_665 = arith.constant 1 : i32
          %scatter3A_666 = arith.constant 0 : i32
          %scatter3A_667 = arith.constant 0 : i32
          %scatter3A_668 = tpu.memref_slice %arg7[%scatter3A_665, %scatter3A_666, %scatter3A_667] : memref<2x32x1025xf32, #tpu.memory_space<vmem>> -> memref<1x32x1025xf32, #tpu.memory_space<vmem>>
          %scatter3A_669 = tpu.memref_squeeze %scatter3A_668 : memref<1x32x1025xf32, #tpu.memory_space<vmem>> -> memref<32x1025xf32, #tpu.memory_space<vmem>>
          tpu.vector_store_idx %scatter3A_669[%iota3A, %add3A_664], %get3A_612 : memref<32x1025xf32, #tpu.memory_space<vmem>>[vector<16xi32>, vector<16xi32>], vector<16xf32>,
          %scatter3A_670 = arith.constant 1 : i32
          %scatter3A_671 = arith.constant 0 : i32
          %scatter3A_672 = arith.constant 0 : i32
          %scatter3A_673 = tpu.memref_slice %arg7[%scatter3A_670, %scatter3A_671, %scatter3A_672] : memref<2x32x1025xf32, #tpu.memory_space<vmem>> -> memref<1x32x1025xf32, #tpu.memory_space<vmem>>
          %scatter3A_674 = tpu.memref_squeeze %scatter3A_673 : memref<1x32x1025xf32, #tpu.memory_space<vmem>> -> memref<32x1025xf32, #tpu.memory_space<vmem>>
          tpu.vector_store_idx %scatter3A_674[%add3A_14, %add3A_664], %get3A_619 : memref<32x1025xf32, #tpu.memory_space<vmem>>[vector<16xi32>, vector<16xi32>], vector<16xf32>,
          %add3A_675 = arith.constant 1 : i32
          %add3A_676 = vector.broadcast %add3A_675 : i32 to vector<16xi32>
          %add3A_677 = arith.addi %add3A_601, %add3A_676 : vector<16xi32>
          %scatter3A_678 = arith.constant 1 : i32
          %scatter3A_679 = arith.constant 0 : i32
          %scatter3A_680 = arith.constant 0 : i32
          %scatter3A_681 = tpu.memref_slice %arg7[%scatter3A_678, %scatter3A_679, %scatter3A_680] : memref<2x32x1025xf32, #tpu.memory_space<vmem>> -> memref<1x32x1025xf32, #tpu.memory_space<vmem>>
          %scatter3A_682 = tpu.memref_squeeze %scatter3A_681 : memref<1x32x1025xf32, #tpu.memory_space<vmem>> -> memref<32x1025xf32, #tpu.memory_space<vmem>>
          tpu.vector_store_idx %scatter3A_682[%iota3A, %add3A_677], %get3A_626 : memref<32x1025xf32, #tpu.memory_space<vmem>>[vector<16xi32>, vector<16xi32>], vector<16xf32>,
          %scatter3A_683 = arith.constant 1 : i32
          %scatter3A_684 = arith.constant 0 : i32
          %scatter3A_685 = arith.constant 0 : i32
          %scatter3A_686 = tpu.memref_slice %arg7[%scatter3A_683, %scatter3A_684, %scatter3A_685] : memref<2x32x1025xf32, #tpu.memory_space<vmem>> -> memref<1x32x1025xf32, #tpu.memory_space<vmem>>
          %scatter3A_687 = tpu.memref_squeeze %scatter3A_686 : memref<1x32x1025xf32, #tpu.memory_space<vmem>> -> memref<32x1025xf32, #tpu.memory_space<vmem>>
          tpu.vector_store_idx %scatter3A_687[%add3A_14, %add3A_677], %get3A_633 : memref<32x1025xf32, #tpu.memory_space<vmem>>[vector<16xi32>, vector<16xi32>], vector<16xf32>,
          %add3A_688 = arith.constant 2 : i32
          %add3A_689 = vector.broadcast %add3A_688 : i32 to vector<16xi32>
          %add3A_690 = arith.addi %add3A_601, %add3A_689 : vector<16xi32>
          %scatter3A_691 = arith.constant 1 : i32
          %scatter3A_692 = arith.constant 0 : i32
          %scatter3A_693 = arith.constant 0 : i32
          %scatter3A_694 = tpu.memref_slice %arg7[%scatter3A_691, %scatter3A_692, %scatter3A_693] : memref<2x32x1025xf32, #tpu.memory_space<vmem>> -> memref<1x32x1025xf32, #tpu.memory_space<vmem>>
          %scatter3A_695 = tpu.memref_squeeze %scatter3A_694 : memref<1x32x1025xf32, #tpu.memory_space<vmem>> -> memref<32x1025xf32, #tpu.memory_space<vmem>>
          tpu.vector_store_idx %scatter3A_695[%iota3A, %add3A_690], %get3A_640 : memref<32x1025xf32, #tpu.memory_space<vmem>>[vector<16xi32>, vector<16xi32>], vector<16xf32>,
          %scatter3A_696 = arith.constant 1 : i32
          %scatter3A_697 = arith.constant 0 : i32
          %scatter3A_698 = arith.constant 0 : i32
          %scatter3A_699 = tpu.memref_slice %arg7[%scatter3A_696, %scatter3A_697, %scatter3A_698] : memref<2x32x1025xf32, #tpu.memory_space<vmem>> -> memref<1x32x1025xf32, #tpu.memory_space<vmem>>
          %scatter3A_700 = tpu.memref_squeeze %scatter3A_699 : memref<1x32x1025xf32, #tpu.memory_space<vmem>> -> memref<32x1025xf32, #tpu.memory_space<vmem>>
          tpu.vector_store_idx %scatter3A_700[%add3A_14, %add3A_690], %get3A_647 : memref<32x1025xf32, #tpu.memory_space<vmem>>[vector<16xi32>, vector<16xi32>], vector<16xf32>,
          %add3A_701 = arith.constant 3 : i32
          %add3A_702 = vector.broadcast %add3A_701 : i32 to vector<16xi32>
          %add3A_703 = arith.addi %add3A_601, %add3A_702 : vector<16xi32>
          %scatter3A_704 = arith.constant 1 : i32
          %scatter3A_705 = arith.constant 0 : i32
          %scatter3A_706 = arith.constant 0 : i32
          %scatter3A_707 = tpu.memref_slice %arg7[%scatter3A_704, %scatter3A_705, %scatter3A_706] : memref<2x32x1025xf32, #tpu.memory_space<vmem>> -> memref<1x32x1025xf32, #tpu.memory_space<vmem>>
          %scatter3A_708 = tpu.memref_squeeze %scatter3A_707 : memref<1x32x1025xf32, #tpu.memory_space<vmem>> -> memref<32x1025xf32, #tpu.memory_space<vmem>>
          tpu.vector_store_idx %scatter3A_708[%iota3A, %add3A_703], %get3A_654 : memref<32x1025xf32, #tpu.memory_space<vmem>>[vector<16xi32>, vector<16xi32>], vector<16xf32>,
          %scatter3A_709 = arith.constant 1 : i32
          %scatter3A_710 = arith.constant 0 : i32
          %scatter3A_711 = arith.constant 0 : i32
          %scatter3A_712 = tpu.memref_slice %arg7[%scatter3A_709, %scatter3A_710, %scatter3A_711] : memref<2x32x1025xf32, #tpu.memory_space<vmem>> -> memref<1x32x1025xf32, #tpu.memory_space<vmem>>
          %scatter3A_713 = tpu.memref_squeeze %scatter3A_712 : memref<1x32x1025xf32, #tpu.memory_space<vmem>> -> memref<32x1025xf32, #tpu.memory_space<vmem>>
          tpu.vector_store_idx %scatter3A_713[%add3A_14, %add3A_703], %get3A_661 : memref<32x1025xf32, #tpu.memory_space<vmem>>[vector<16xi32>, vector<16xi32>], vector<16xf32>,
          %add3A_714 = arith.constant 4 : i32
          %add3A_715 = vector.broadcast %add3A_714 : i32 to vector<16xi32>
          %add3A_716 = arith.addi %add3A_601, %add3A_715 : vector<16xi32>
          %scan3A_717 = arith.constant 2 : i32
          %scan3A_718 = arith.addi %scan3A_489, %scan3A_717 : i32
          %mul3A_719 = arith.constant 4 : i32
          %mul3A_720 = arith.muli %scan3A_718, %mul3A_719 : i32
          %add3A_721 = arith.constant 0 : i32
          %add3A_722 = arith.addi %mul3A_720, %add3A_721 : i32
          %get3A_723 = arith.constant 1 : i32
          %get3A_724 = arith.index_cast %get3A_723 : i32 to index
          %get3A_725 = arith.index_cast %add3A_722 : i32 to index
          %get3A_726 = arith.constant 0 : index
          %get3A_727 = tpu.vector_load %arg6[%get3A_724, %get3A_725, %get3A_726] {strides = array<i32>} : memref<2x512x32xf32, #tpu.memory_space<vmem>>, vector<16xf32>,
          %add3A_728 = arith.constant 0 : i32
          %add3A_729 = arith.addi %mul3A_720, %add3A_728 : i32
          %get3A_730 = arith.constant 1 : i32
          %get3A_731 = arith.index_cast %get3A_730 : i32 to index
          %get3A_732 = arith.index_cast %add3A_729 : i32 to index
          %get3A_733 = arith.constant 16 : index
          %get3A_734 = tpu.vector_load %arg6[%get3A_731, %get3A_732, %get3A_733] {strides = array<i32>} : memref<2x512x32xf32, #tpu.memory_space<vmem>>, vector<16xf32>,
          %add3A_735 = arith.constant 1 : i32
          %add3A_736 = arith.addi %mul3A_720, %add3A_735 : i32
          %get3A_737 = arith.constant 1 : i32
          %get3A_738 = arith.index_cast %get3A_737 : i32 to index
          %get3A_739 = arith.index_cast %add3A_736 : i32 to index
          %get3A_740 = arith.constant 0 : index
          %get3A_741 = tpu.vector_load %arg6[%get3A_738, %get3A_739, %get3A_740] {strides = array<i32>} : memref<2x512x32xf32, #tpu.memory_space<vmem>>, vector<16xf32>,
          %add3A_742 = arith.constant 1 : i32
          %add3A_743 = arith.addi %mul3A_720, %add3A_742 : i32
          %get3A_744 = arith.constant 1 : i32
          %get3A_745 = arith.index_cast %get3A_744 : i32 to index
          %get3A_746 = arith.index_cast %add3A_743 : i32 to index
          %get3A_747 = arith.constant 16 : index
          %get3A_748 = tpu.vector_load %arg6[%get3A_745, %get3A_746, %get3A_747] {strides = array<i32>} : memref<2x512x32xf32, #tpu.memory_space<vmem>>, vector<16xf32>,
          %add3A_749 = arith.constant 2 : i32
          %add3A_750 = arith.addi %mul3A_720, %add3A_749 : i32
          %get3A_751 = arith.constant 1 : i32
          %get3A_752 = arith.index_cast %get3A_751 : i32 to index
          %get3A_753 = arith.index_cast %add3A_750 : i32 to index
          %get3A_754 = arith.constant 0 : index
          %get3A_755 = tpu.vector_load %arg6[%get3A_752, %get3A_753, %get3A_754] {strides = array<i32>} : memref<2x512x32xf32, #tpu.memory_space<vmem>>, vector<16xf32>,
          %add3A_756 = arith.constant 2 : i32
          %add3A_757 = arith.addi %mul3A_720, %add3A_756 : i32
          %get3A_758 = arith.constant 1 : i32
          %get3A_759 = arith.index_cast %get3A_758 : i32 to index
          %get3A_760 = arith.index_cast %add3A_757 : i32 to index
          %get3A_761 = arith.constant 16 : index
          %get3A_762 = tpu.vector_load %arg6[%get3A_759, %get3A_760, %get3A_761] {strides = array<i32>} : memref<2x512x32xf32, #tpu.memory_space<vmem>>, vector<16xf32>,
          %add3A_763 = arith.constant 3 : i32
          %add3A_764 = arith.addi %mul3A_720, %add3A_763 : i32
          %get3A_765 = arith.constant 1 : i32
          %get3A_766 = arith.index_cast %get3A_765 : i32 to index
          %get3A_767 = arith.index_cast %add3A_764 : i32 to index
          %get3A_768 = arith.constant 0 : index
          %get3A_769 = tpu.vector_load %arg6[%get3A_766, %get3A_767, %get3A_768] {strides = array<i32>} : memref<2x512x32xf32, #tpu.memory_space<vmem>>, vector<16xf32>,
          %add3A_770 = arith.constant 3 : i32
          %add3A_771 = arith.addi %mul3A_720, %add3A_770 : i32
          %get3A_772 = arith.constant 1 : i32
          %get3A_773 = arith.index_cast %get3A_772 : i32 to index
          %get3A_774 = arith.index_cast %add3A_771 : i32 to index
          %get3A_775 = arith.constant 16 : index
          %get3A_776 = tpu.vector_load %arg6[%get3A_773, %get3A_774, %get3A_775] {strides = array<i32>} : memref<2x512x32xf32, #tpu.memory_space<vmem>>, vector<16xf32>,
          %add3A_777 = arith.constant 0 : i32
          %add3A_778 = vector.broadcast %add3A_777 : i32 to vector<16xi32>
          %add3A_779 = arith.addi %add3A_716, %add3A_778 : vector<16xi32>
          %scatter3A_780 = arith.constant 1 : i32
          %scatter3A_781 = arith.constant 0 : i32
          %scatter3A_782 = arith.constant 0 : i32
          %scatter3A_783 = tpu.memref_slice %arg7[%scatter3A_780, %scatter3A_781, %scatter3A_782] : memref<2x32x1025xf32, #tpu.memory_space<vmem>> -> memref<1x32x1025xf32, #tpu.memory_space<vmem>>
          %scatter3A_784 = tpu.memref_squeeze %scatter3A_783 : memref<1x32x1025xf32, #tpu.memory_space<vmem>> -> memref<32x1025xf32, #tpu.memory_space<vmem>>
          tpu.vector_store_idx %scatter3A_784[%iota3A, %add3A_779], %get3A_727 : memref<32x1025xf32, #tpu.memory_space<vmem>>[vector<16xi32>, vector<16xi32>], vector<16xf32>,
          %scatter3A_785 = arith.constant 1 : i32
          %scatter3A_786 = arith.constant 0 : i32
          %scatter3A_787 = arith.constant 0 : i32
          %scatter3A_788 = tpu.memref_slice %arg7[%scatter3A_785, %scatter3A_786, %scatter3A_787] : memref<2x32x1025xf32, #tpu.memory_space<vmem>> -> memref<1x32x1025xf32, #tpu.memory_space<vmem>>
          %scatter3A_789 = tpu.memref_squeeze %scatter3A_788 : memref<1x32x1025xf32, #tpu.memory_space<vmem>> -> memref<32x1025xf32, #tpu.memory_space<vmem>>
          tpu.vector_store_idx %scatter3A_789[%add3A_14, %add3A_779], %get3A_734 : memref<32x1025xf32, #tpu.memory_space<vmem>>[vector<16xi32>, vector<16xi32>], vector<16xf32>,
          %add3A_790 = arith.constant 1 : i32
          %add3A_791 = vector.broadcast %add3A_790 : i32 to vector<16xi32>
          %add3A_792 = arith.addi %add3A_716, %add3A_791 : vector<16xi32>
          %scatter3A_793 = arith.constant 1 : i32
          %scatter3A_794 = arith.constant 0 : i32
          %scatter3A_795 = arith.constant 0 : i32
          %scatter3A_796 = tpu.memref_slice %arg7[%scatter3A_793, %scatter3A_794, %scatter3A_795] : memref<2x32x1025xf32, #tpu.memory_space<vmem>> -> memref<1x32x1025xf32, #tpu.memory_space<vmem>>
          %scatter3A_797 = tpu.memref_squeeze %scatter3A_796 : memref<1x32x1025xf32, #tpu.memory_space<vmem>> -> memref<32x1025xf32, #tpu.memory_space<vmem>>
          tpu.vector_store_idx %scatter3A_797[%iota3A, %add3A_792], %get3A_741 : memref<32x1025xf32, #tpu.memory_space<vmem>>[vector<16xi32>, vector<16xi32>], vector<16xf32>,
          %scatter3A_798 = arith.constant 1 : i32
          %scatter3A_799 = arith.constant 0 : i32
          %scatter3A_800 = arith.constant 0 : i32
          %scatter3A_801 = tpu.memref_slice %arg7[%scatter3A_798, %scatter3A_799, %scatter3A_800] : memref<2x32x1025xf32, #tpu.memory_space<vmem>> -> memref<1x32x1025xf32, #tpu.memory_space<vmem>>
          %scatter3A_802 = tpu.memref_squeeze %scatter3A_801 : memref<1x32x1025xf32, #tpu.memory_space<vmem>> -> memref<32x1025xf32, #tpu.memory_space<vmem>>
          tpu.vector_store_idx %scatter3A_802[%add3A_14, %add3A_792], %get3A_748 : memref<32x1025xf32, #tpu.memory_space<vmem>>[vector<16xi32>, vector<16xi32>], vector<16xf32>,
          %add3A_803 = arith.constant 2 : i32
          %add3A_804 = vector.broadcast %add3A_803 : i32 to vector<16xi32>
          %add3A_805 = arith.addi %add3A_716, %add3A_804 : vector<16xi32>
          %scatter3A_806 = arith.constant 1 : i32
          %scatter3A_807 = arith.constant 0 : i32
          %scatter3A_808 = arith.constant 0 : i32
          %scatter3A_809 = tpu.memref_slice %arg7[%scatter3A_806, %scatter3A_807, %scatter3A_808] : memref<2x32x1025xf32, #tpu.memory_space<vmem>> -> memref<1x32x1025xf32, #tpu.memory_space<vmem>>
          %scatter3A_810 = tpu.memref_squeeze %scatter3A_809 : memref<1x32x1025xf32, #tpu.memory_space<vmem>> -> memref<32x1025xf32, #tpu.memory_space<vmem>>
          tpu.vector_store_idx %scatter3A_810[%iota3A, %add3A_805], %get3A_755 : memref<32x1025xf32, #tpu.memory_space<vmem>>[vector<16xi32>, vector<16xi32>], vector<16xf32>,
          %scatter3A_811 = arith.constant 1 : i32
          %scatter3A_812 = arith.constant 0 : i32
          %scatter3A_813 = arith.constant 0 : i32
          %scatter3A_814 = tpu.memref_slice %arg7[%scatter3A_811, %scatter3A_812, %scatter3A_813] : memref<2x32x1025xf32, #tpu.memory_space<vmem>> -> memref<1x32x1025xf32, #tpu.memory_space<vmem>>
          %scatter3A_815 = tpu.memref_squeeze %scatter3A_814 : memref<1x32x1025xf32, #tpu.memory_space<vmem>> -> memref<32x1025xf32, #tpu.memory_space<vmem>>
          tpu.vector_store_idx %scatter3A_815[%add3A_14, %add3A_805], %get3A_762 : memref<32x1025xf32, #tpu.memory_space<vmem>>[vector<16xi32>, vector<16xi32>], vector<16xf32>,
          %add3A_816 = arith.constant 3 : i32
          %add3A_817 = vector.broadcast %add3A_816 : i32 to vector<16xi32>
          %add3A_818 = arith.addi %add3A_716, %add3A_817 : vector<16xi32>
          %scatter3A_819 = arith.constant 1 : i32
          %scatter3A_820 = arith.constant 0 : i32
          %scatter3A_821 = arith.constant 0 : i32
          %scatter3A_822 = tpu.memref_slice %arg7[%scatter3A_819, %scatter3A_820, %scatter3A_821] : memref<2x32x1025xf32, #tpu.memory_space<vmem>> -> memref<1x32x1025xf32, #tpu.memory_space<vmem>>
          %scatter3A_823 = tpu.memref_squeeze %scatter3A_822 : memref<1x32x1025xf32, #tpu.memory_space<vmem>> -> memref<32x1025xf32, #tpu.memory_space<vmem>>
          tpu.vector_store_idx %scatter3A_823[%iota3A, %add3A_818], %get3A_769 : memref<32x1025xf32, #tpu.memory_space<vmem>>[vector<16xi32>, vector<16xi32>], vector<16xf32>,
          %scatter3A_824 = arith.constant 1 : i32
          %scatter3A_825 = arith.constant 0 : i32
          %scatter3A_826 = arith.constant 0 : i32
          %scatter3A_827 = tpu.memref_slice %arg7[%scatter3A_824, %scatter3A_825, %scatter3A_826] : memref<2x32x1025xf32, #tpu.memory_space<vmem>> -> memref<1x32x1025xf32, #tpu.memory_space<vmem>>
          %scatter3A_828 = tpu.memref_squeeze %scatter3A_827 : memref<1x32x1025xf32, #tpu.memory_space<vmem>> -> memref<32x1025xf32, #tpu.memory_space<vmem>>
          tpu.vector_store_idx %scatter3A_828[%add3A_14, %add3A_818], %get3A_776 : memref<32x1025xf32, #tpu.memory_space<vmem>>[vector<16xi32>, vector<16xi32>], vector<16xf32>,
          %add3A_829 = arith.constant 4 : i32
          %add3A_830 = vector.broadcast %add3A_829 : i32 to vector<16xi32>
          %add3A_831 = arith.addi %add3A_716, %add3A_830 : vector<16xi32>
          %scan3A_832 = arith.constant 3 : i32
          %scan3A_833 = arith.addi %scan3A_489, %scan3A_832 : i32
          %mul3A_834 = arith.constant 4 : i32
          %mul3A_835 = arith.muli %scan3A_833, %mul3A_834 : i32
          %add3A_836 = arith.constant 0 : i32
          %add3A_837 = arith.addi %mul3A_835, %add3A_836 : i32
          %get3A_838 = arith.constant 1 : i32
          %get3A_839 = arith.index_cast %get3A_838 : i32 to index
          %get3A_840 = arith.index_cast %add3A_837 : i32 to index
          %get3A_841 = arith.constant 0 : index
          %get3A_842 = tpu.vector_load %arg6[%get3A_839, %get3A_840, %get3A_841] {strides = array<i32>} : memref<2x512x32xf32, #tpu.memory_space<vmem>>, vector<16xf32>,
          %add3A_843 = arith.constant 0 : i32
          %add3A_844 = arith.addi %mul3A_835, %add3A_843 : i32
          %get3A_845 = arith.constant 1 : i32
          %get3A_846 = arith.index_cast %get3A_845 : i32 to index
          %get3A_847 = arith.index_cast %add3A_844 : i32 to index
          %get3A_848 = arith.constant 16 : index
          %get3A_849 = tpu.vector_load %arg6[%get3A_846, %get3A_847, %get3A_848] {strides = array<i32>} : memref<2x512x32xf32, #tpu.memory_space<vmem>>, vector<16xf32>,
          %add3A_850 = arith.constant 1 : i32
          %add3A_851 = arith.addi %mul3A_835, %add3A_850 : i32
          %get3A_852 = arith.constant 1 : i32
          %get3A_853 = arith.index_cast %get3A_852 : i32 to index
          %get3A_854 = arith.index_cast %add3A_851 : i32 to index
          %get3A_855 = arith.constant 0 : index
          %get3A_856 = tpu.vector_load %arg6[%get3A_853, %get3A_854, %get3A_855] {strides = array<i32>} : memref<2x512x32xf32, #tpu.memory_space<vmem>>, vector<16xf32>,
          %add3A_857 = arith.constant 1 : i32
          %add3A_858 = arith.addi %mul3A_835, %add3A_857 : i32
          %get3A_859 = arith.constant 1 : i32
          %get3A_860 = arith.index_cast %get3A_859 : i32 to index
          %get3A_861 = arith.index_cast %add3A_858 : i32 to index
          %get3A_862 = arith.constant 16 : index
          %get3A_863 = tpu.vector_load %arg6[%get3A_860, %get3A_861, %get3A_862] {strides = array<i32>} : memref<2x512x32xf32, #tpu.memory_space<vmem>>, vector<16xf32>,
          %add3A_864 = arith.constant 2 : i32
          %add3A_865 = arith.addi %mul3A_835, %add3A_864 : i32
          %get3A_866 = arith.constant 1 : i32
          %get3A_867 = arith.index_cast %get3A_866 : i32 to index
          %get3A_868 = arith.index_cast %add3A_865 : i32 to index
          %get3A_869 = arith.constant 0 : index
          %get3A_870 = tpu.vector_load %arg6[%get3A_867, %get3A_868, %get3A_869] {strides = array<i32>} : memref<2x512x32xf32, #tpu.memory_space<vmem>>, vector<16xf32>,
          %add3A_871 = arith.constant 2 : i32
          %add3A_872 = arith.addi %mul3A_835, %add3A_871 : i32
          %get3A_873 = arith.constant 1 : i32
          %get3A_874 = arith.index_cast %get3A_873 : i32 to index
          %get3A_875 = arith.index_cast %add3A_872 : i32 to index
          %get3A_876 = arith.constant 16 : index
          %get3A_877 = tpu.vector_load %arg6[%get3A_874, %get3A_875, %get3A_876] {strides = array<i32>} : memref<2x512x32xf32, #tpu.memory_space<vmem>>, vector<16xf32>,
          %add3A_878 = arith.constant 3 : i32
          %add3A_879 = arith.addi %mul3A_835, %add3A_878 : i32
          %get3A_880 = arith.constant 1 : i32
          %get3A_881 = arith.index_cast %get3A_880 : i32 to index
          %get3A_882 = arith.index_cast %add3A_879 : i32 to index
          %get3A_883 = arith.constant 0 : index
          %get3A_884 = tpu.vector_load %arg6[%get3A_881, %get3A_882, %get3A_883] {strides = array<i32>} : memref<2x512x32xf32, #tpu.memory_space<vmem>>, vector<16xf32>,
          %add3A_885 = arith.constant 3 : i32
          %add3A_886 = arith.addi %mul3A_835, %add3A_885 : i32
          %get3A_887 = arith.constant 1 : i32
          %get3A_888 = arith.index_cast %get3A_887 : i32 to index
          %get3A_889 = arith.index_cast %add3A_886 : i32 to index
          %get3A_890 = arith.constant 16 : index
          %get3A_891 = tpu.vector_load %arg6[%get3A_888, %get3A_889, %get3A_890] {strides = array<i32>} : memref<2x512x32xf32, #tpu.memory_space<vmem>>, vector<16xf32>,
          %add3A_892 = arith.constant 0 : i32
          %add3A_893 = vector.broadcast %add3A_892 : i32 to vector<16xi32>
          %add3A_894 = arith.addi %add3A_831, %add3A_893 : vector<16xi32>
          %scatter3A_895 = arith.constant 1 : i32
          %scatter3A_896 = arith.constant 0 : i32
          %scatter3A_897 = arith.constant 0 : i32
          %scatter3A_898 = tpu.memref_slice %arg7[%scatter3A_895, %scatter3A_896, %scatter3A_897] : memref<2x32x1025xf32, #tpu.memory_space<vmem>> -> memref<1x32x1025xf32, #tpu.memory_space<vmem>>
          %scatter3A_899 = tpu.memref_squeeze %scatter3A_898 : memref<1x32x1025xf32, #tpu.memory_space<vmem>> -> memref<32x1025xf32, #tpu.memory_space<vmem>>
          tpu.vector_store_idx %scatter3A_899[%iota3A, %add3A_894], %get3A_842 : memref<32x1025xf32, #tpu.memory_space<vmem>>[vector<16xi32>, vector<16xi32>], vector<16xf32>,
          %scatter3A_900 = arith.constant 1 : i32
          %scatter3A_901 = arith.constant 0 : i32
          %scatter3A_902 = arith.constant 0 : i32
          %scatter3A_903 = tpu.memref_slice %arg7[%scatter3A_900, %scatter3A_901, %scatter3A_902] : memref<2x32x1025xf32, #tpu.memory_space<vmem>> -> memref<1x32x1025xf32, #tpu.memory_space<vmem>>
          %scatter3A_904 = tpu.memref_squeeze %scatter3A_903 : memref<1x32x1025xf32, #tpu.memory_space<vmem>> -> memref<32x1025xf32, #tpu.memory_space<vmem>>
          tpu.vector_store_idx %scatter3A_904[%add3A_14, %add3A_894], %get3A_849 : memref<32x1025xf32, #tpu.memory_space<vmem>>[vector<16xi32>, vector<16xi32>], vector<16xf32>,
          %add3A_905 = arith.constant 1 : i32
          %add3A_906 = vector.broadcast %add3A_905 : i32 to vector<16xi32>
          %add3A_907 = arith.addi %add3A_831, %add3A_906 : vector<16xi32>
          %scatter3A_908 = arith.constant 1 : i32
          %scatter3A_909 = arith.constant 0 : i32
          %scatter3A_910 = arith.constant 0 : i32
          %scatter3A_911 = tpu.memref_slice %arg7[%scatter3A_908, %scatter3A_909, %scatter3A_910] : memref<2x32x1025xf32, #tpu.memory_space<vmem>> -> memref<1x32x1025xf32, #tpu.memory_space<vmem>>
          %scatter3A_912 = tpu.memref_squeeze %scatter3A_911 : memref<1x32x1025xf32, #tpu.memory_space<vmem>> -> memref<32x1025xf32, #tpu.memory_space<vmem>>
          tpu.vector_store_idx %scatter3A_912[%iota3A, %add3A_907], %get3A_856 : memref<32x1025xf32, #tpu.memory_space<vmem>>[vector<16xi32>, vector<16xi32>], vector<16xf32>,
          %scatter3A_913 = arith.constant 1 : i32
          %scatter3A_914 = arith.constant 0 : i32
          %scatter3A_915 = arith.constant 0 : i32
          %scatter3A_916 = tpu.memref_slice %arg7[%scatter3A_913, %scatter3A_914, %scatter3A_915] : memref<2x32x1025xf32, #tpu.memory_space<vmem>> -> memref<1x32x1025xf32, #tpu.memory_space<vmem>>
          %scatter3A_917 = tpu.memref_squeeze %scatter3A_916 : memref<1x32x1025xf32, #tpu.memory_space<vmem>> -> memref<32x1025xf32, #tpu.memory_space<vmem>>
          tpu.vector_store_idx %scatter3A_917[%add3A_14, %add3A_907], %get3A_863 : memref<32x1025xf32, #tpu.memory_space<vmem>>[vector<16xi32>, vector<16xi32>], vector<16xf32>,
          %add3A_918 = arith.constant 2 : i32
          %add3A_919 = vector.broadcast %add3A_918 : i32 to vector<16xi32>
          %add3A_920 = arith.addi %add3A_831, %add3A_919 : vector<16xi32>
          %scatter3A_921 = arith.constant 1 : i32
          %scatter3A_922 = arith.constant 0 : i32
          %scatter3A_923 = arith.constant 0 : i32
          %scatter3A_924 = tpu.memref_slice %arg7[%scatter3A_921, %scatter3A_922, %scatter3A_923] : memref<2x32x1025xf32, #tpu.memory_space<vmem>> -> memref<1x32x1025xf32, #tpu.memory_space<vmem>>
          %scatter3A_925 = tpu.memref_squeeze %scatter3A_924 : memref<1x32x1025xf32, #tpu.memory_space<vmem>> -> memref<32x1025xf32, #tpu.memory_space<vmem>>
          tpu.vector_store_idx %scatter3A_925[%iota3A, %add3A_920], %get3A_870 : memref<32x1025xf32, #tpu.memory_space<vmem>>[vector<16xi32>, vector<16xi32>], vector<16xf32>,
          %scatter3A_926 = arith.constant 1 : i32
          %scatter3A_927 = arith.constant 0 : i32
          %scatter3A_928 = arith.constant 0 : i32
          %scatter3A_929 = tpu.memref_slice %arg7[%scatter3A_926, %scatter3A_927, %scatter3A_928] : memref<2x32x1025xf32, #tpu.memory_space<vmem>> -> memref<1x32x1025xf32, #tpu.memory_space<vmem>>
          %scatter3A_930 = tpu.memref_squeeze %scatter3A_929 : memref<1x32x1025xf32, #tpu.memory_space<vmem>> -> memref<32x1025xf32, #tpu.memory_space<vmem>>
          tpu.vector_store_idx %scatter3A_930[%add3A_14, %add3A_920], %get3A_877 : memref<32x1025xf32, #tpu.memory_space<vmem>>[vector<16xi32>, vector<16xi32>], vector<16xf32>,
          %add3A_931 = arith.constant 3 : i32
          %add3A_932 = vector.broadcast %add3A_931 : i32 to vector<16xi32>
          %add3A_933 = arith.addi %add3A_831, %add3A_932 : vector<16xi32>
          %scatter3A_934 = arith.constant 1 : i32
          %scatter3A_935 = arith.constant 0 : i32
          %scatter3A_936 = arith.constant 0 : i32
          %scatter3A_937 = tpu.memref_slice %arg7[%scatter3A_934, %scatter3A_935, %scatter3A_936] : memref<2x32x1025xf32, #tpu.memory_space<vmem>> -> memref<1x32x1025xf32, #tpu.memory_space<vmem>>
          %scatter3A_938 = tpu.memref_squeeze %scatter3A_937 : memref<1x32x1025xf32, #tpu.memory_space<vmem>> -> memref<32x1025xf32, #tpu.memory_space<vmem>>
          tpu.vector_store_idx %scatter3A_938[%iota3A, %add3A_933], %get3A_884 : memref<32x1025xf32, #tpu.memory_space<vmem>>[vector<16xi32>, vector<16xi32>], vector<16xf32>,
          %scatter3A_939 = arith.constant 1 : i32
          %scatter3A_940 = arith.constant 0 : i32
          %scatter3A_941 = arith.constant 0 : i32
          %scatter3A_942 = tpu.memref_slice %arg7[%scatter3A_939, %scatter3A_940, %scatter3A_941] : memref<2x32x1025xf32, #tpu.memory_space<vmem>> -> memref<1x32x1025xf32, #tpu.memory_space<vmem>>
          %scatter3A_943 = tpu.memref_squeeze %scatter3A_942 : memref<1x32x1025xf32, #tpu.memory_space<vmem>> -> memref<32x1025xf32, #tpu.memory_space<vmem>>
          tpu.vector_store_idx %scatter3A_943[%add3A_14, %add3A_933], %get3A_891 : memref<32x1025xf32, #tpu.memory_space<vmem>>[vector<16xi32>, vector<16xi32>], vector<16xf32>,
          %add3A_944 = arith.constant 4 : i32
          %add3A_945 = vector.broadcast %add3A_944 : i32 to vector<16xi32>
          %add3A_946 = arith.addi %add3A_831, %add3A_945 : vector<16xi32>
          scf.yield %add3A_946 : vector<16xi32>
        }
        %scan3A_488 = arith.constant 128 : i32
      } else {
      }
      %add3A_433 = arith.constant 1 : i32
      %add3A_434 = arith.addi %scan3A_183, %add3A_433 : i32
      %lt3A_435 = arith.constant 25 : i32
      %lt3A_436 = arith.cmpi slt, %add3A_434, %lt3A_435 : i32
      %convert_element_type3A_437 = arith.extui %lt3A_436 : i1 to i32
      %cond3A_438 = arith.constant 0 : i32
      %cond3A_439 = arith.cmpi ne, %convert_element_type3A_437, %cond3A_438 : i32
      scf.if %cond3A_439 {
        %add3A_482 = arith.constant 1 : i32
        %add3A_483 = arith.addi %scan3A_183, %add3A_482 : i32
        %dma_start3A_484 = arith.constant 4 : i32
        %dma_start3A_485 = arith.constant 1 : i32
        %dma_start3A_486 = arith.constant 0 : i32
        %dma_start3A_487 = arith.constant 0 : i32
        %dma_start3A_488 = tpu.memref_slice %arg6[%dma_start3A_485, %dma_start3A_486, %dma_start3A_487] : memref<2x512x32xf32, #tpu.memory_space<vmem>> -> memref<1x512x32xf32, #tpu.memory_space<vmem>>
        %dma_start3A_489 = tpu.memref_squeeze %dma_start3A_488 : memref<1x512x32xf32, #tpu.memory_space<vmem>> -> memref<512x32xf32, #tpu.memory_space<vmem>>
        %dma_start3A_490 = arith.constant 0 : i32
        %dma_start3A_491 = arith.constant 0 : i32
        %dma_start3A_492 = tpu.memref_slice %dma_start3A_489[%dma_start3A_490, %dma_start3A_491] : memref<512x32xf32, #tpu.memory_space<vmem>> -> memref<128x32xf32, #tpu.memory_space<vmem>>
        %dma_start3A_493 = arith.constant 0 : i32
        %dma_start3A_494 = tpu.memref_slice %arg5[%add3A_483, %dma_start3A_484, %dma_start3A_493] : memref<25x8x128xi32, #tpu.memory_space<vmem>> -> memref<1x1x128xi32, #tpu.memory_space<vmem>>
        %dma_start3A_495 = tpu.memref_squeeze %dma_start3A_494 : memref<1x1x128xi32, #tpu.memory_space<vmem>> -> memref<128xi32, #tpu.memory_space<vmem>>
        %dma_start3A_496 = arith.constant 0 : i32
        %dma_start3A_497 = arith.constant 0 : i32
        %dma_start3A_498 = tpu.memref_slice %arg3[%dma_start3A_496, %dma_start3A_497] : memref<1000000x32xf32, #tpu.memory_space<hbm>> -> memref<1000000x32xf32, #tpu.memory_space<hbm>>
        tpu.enqueue_indirect_dma source(%dma_start3A_498 : memref<1000000x32xf32, #tpu.memory_space<hbm>>) target(%dma_start3A_492 : memref<128x32xf32, #tpu.memory_space<vmem>>) offsets(%dma_start3A_495 : memref<128xi32, #tpu.memory_space<vmem>>) semaphore(%arg9 : memref<!tpu.dma_semaphore, #tpu.memory_space<semaphore_mem>>)
        %dma_start3A_499 = arith.constant 5 : i32
        %dma_start3A_500 = arith.constant 1 : i32
        %dma_start3A_501 = arith.constant 0 : i32
        %dma_start3A_502 = arith.constant 0 : i32
        %dma_start3A_503 = tpu.memref_slice %arg6[%dma_start3A_500, %dma_start3A_501, %dma_start3A_502] : memref<2x512x32xf32, #tpu.memory_space<vmem>> -> memref<1x512x32xf32, #tpu.memory_space<vmem>>
        %dma_start3A_504 = tpu.memref_squeeze %dma_start3A_503 : memref<1x512x32xf32, #tpu.memory_space<vmem>> -> memref<512x32xf32, #tpu.memory_space<vmem>>
        %dma_start3A_505 = arith.constant 128 : i32
        %dma_start3A_506 = arith.constant 0 : i32
        %dma_start3A_507 = tpu.memref_slice %dma_start3A_504[%dma_start3A_505, %dma_start3A_506] : memref<512x32xf32, #tpu.memory_space<vmem>> -> memref<128x32xf32, #tpu.memory_space<vmem>>
        %dma_start3A_508 = arith.constant 0 : i32
        %dma_start3A_509 = tpu.memref_slice %arg5[%add3A_483, %dma_start3A_499, %dma_start3A_508] : memref<25x8x128xi32, #tpu.memory_space<vmem>> -> memref<1x1x128xi32, #tpu.memory_space<vmem>>
        %dma_start3A_510 = tpu.memref_squeeze %dma_start3A_509 : memref<1x1x128xi32, #tpu.memory_space<vmem>> -> memref<128xi32, #tpu.memory_space<vmem>>
        %dma_start3A_511 = arith.constant 0 : i32
        %dma_start3A_512 = arith.constant 0 : i32
        %dma_start3A_513 = tpu.memref_slice %arg3[%dma_start3A_511, %dma_start3A_512] : memref<1000000x32xf32, #tpu.memory_space<hbm>> -> memref<1000000x32xf32, #tpu.memory_space<hbm>>
        tpu.enqueue_indirect_dma source(%dma_start3A_513 : memref<1000000x32xf32, #tpu.memory_space<hbm>>) target(%dma_start3A_507 : memref<128x32xf32, #tpu.memory_space<vmem>>) offsets(%dma_start3A_510 : memref<128xi32, #tpu.memory_space<vmem>>) semaphore(%arg9 : memref<!tpu.dma_semaphore, #tpu.memory_space<semaphore_mem>>)
        %dma_start3A_514 = arith.constant 6 : i32
        %dma_start3A_515 = arith.constant 1 : i32
        %dma_start3A_516 = arith.constant 0 : i32
        %dma_start3A_517 = arith.constant 0 : i32
        %dma_start3A_518 = tpu.memref_slice %arg6[%dma_start3A_515, %dma_start3A_516, %dma_start3A_517] : memref<2x512x32xf32, #tpu.memory_space<vmem>> -> memref<1x512x32xf32, #tpu.memory_space<vmem>>
        %dma_start3A_519 = tpu.memref_squeeze %dma_start3A_518 : memref<1x512x32xf32, #tpu.memory_space<vmem>> -> memref<512x32xf32, #tpu.memory_space<vmem>>
        %dma_start3A_520 = arith.constant 256 : i32
        %dma_start3A_521 = arith.constant 0 : i32
        %dma_start3A_522 = tpu.memref_slice %dma_start3A_519[%dma_start3A_520, %dma_start3A_521] : memref<512x32xf32, #tpu.memory_space<vmem>> -> memref<128x32xf32, #tpu.memory_space<vmem>>
        %dma_start3A_523 = arith.constant 0 : i32
        %dma_start3A_524 = tpu.memref_slice %arg5[%add3A_483, %dma_start3A_514, %dma_start3A_523] : memref<25x8x128xi32, #tpu.memory_space<vmem>> -> memref<1x1x128xi32, #tpu.memory_space<vmem>>
        %dma_start3A_525 = tpu.memref_squeeze %dma_start3A_524 : memref<1x1x128xi32, #tpu.memory_space<vmem>> -> memref<128xi32, #tpu.memory_space<vmem>>
        %dma_start3A_526 = arith.constant 0 : i32
        %dma_start3A_527 = arith.constant 0 : i32
        %dma_start3A_528 = tpu.memref_slice %arg3[%dma_start3A_526, %dma_start3A_527] : memref<1000000x32xf32, #tpu.memory_space<hbm>> -> memref<1000000x32xf32, #tpu.memory_space<hbm>>
        tpu.enqueue_indirect_dma source(%dma_start3A_528 : memref<1000000x32xf32, #tpu.memory_space<hbm>>) target(%dma_start3A_522 : memref<128x32xf32, #tpu.memory_space<vmem>>) offsets(%dma_start3A_525 : memref<128xi32, #tpu.memory_space<vmem>>) semaphore(%arg9 : memref<!tpu.dma_semaphore, #tpu.memory_space<semaphore_mem>>)
        %dma_start3A_529 = arith.constant 7 : i32
        %dma_start3A_530 = arith.constant 1 : i32
        %dma_start3A_531 = arith.constant 0 : i32
        %dma_start3A_532 = arith.constant 0 : i32
        %dma_start3A_533 = tpu.memref_slice %arg6[%dma_start3A_530, %dma_start3A_531, %dma_start3A_532] : memref<2x512x32xf32, #tpu.memory_space<vmem>> -> memref<1x512x32xf32, #tpu.memory_space<vmem>>
        %dma_start3A_534 = tpu.memref_squeeze %dma_start3A_533 : memref<1x512x32xf32, #tpu.memory_space<vmem>> -> memref<512x32xf32, #tpu.memory_space<vmem>>
        %dma_start3A_535 = arith.constant 384 : i32
        %dma_start3A_536 = arith.constant 0 : i32
        %dma_start3A_537 = tpu.memref_slice %dma_start3A_534[%dma_start3A_535, %dma_start3A_536] : memref<512x32xf32, #tpu.memory_space<vmem>> -> memref<128x32xf32, #tpu.memory_space<vmem>>
        %dma_start3A_538 = arith.constant 0 : i32
        %dma_start3A_539 = tpu.memref_slice %arg5[%add3A_483, %dma_start3A_529, %dma_start3A_538] : memref<25x8x128xi32, #tpu.memory_space<vmem>> -> memref<1x1x128xi32, #tpu.memory_space<vmem>>
        %dma_start3A_540 = tpu.memref_squeeze %dma_start3A_539 : memref<1x1x128xi32, #tpu.memory_space<vmem>> -> memref<128xi32, #tpu.memory_space<vmem>>
        %dma_start3A_541 = arith.constant 0 : i32
        %dma_start3A_542 = arith.constant 0 : i32
        %dma_start3A_543 = tpu.memref_slice %arg3[%dma_start3A_541, %dma_start3A_542] : memref<1000000x32xf32, #tpu.memory_space<hbm>> -> memref<1000000x32xf32, #tpu.memory_space<hbm>>
        tpu.enqueue_indirect_dma source(%dma_start3A_543 : memref<1000000x32xf32, #tpu.memory_space<hbm>>) target(%dma_start3A_537 : memref<128x32xf32, #tpu.memory_space<vmem>>) offsets(%dma_start3A_540 : memref<128xi32, #tpu.memory_space<vmem>>) semaphore(%arg9 : memref<!tpu.dma_semaphore, #tpu.memory_space<semaphore_mem>>)
      } else {
      }
      %jit3A_440 = arith.constant 2 : i32
      %eq3A_441 = arith.constant 0 : i32
      %eq3A_442 = arith.cmpi eq, %jit3A_440, %eq3A_441 : i32
      %jit3A_443 = arith.constant 1 : i32
      %select_n3A_444 = arith.select %eq3A_442, %jit3A_443, %jit3A_440 : i32
      %rem3A_445 = arith.remsi %scan3A_183, %select_n3A_444 : i32
      %ne3A_446 = arith.constant 0 : i32
      %ne3A_447 = arith.cmpi ne, %rem3A_445, %ne3A_446 : i32
      %lt3A_448 = arith.constant 0 : i32
      %lt3A_449 = arith.cmpi slt, %rem3A_445, %lt3A_448 : i32
      %lt3A_450 = arith.constant 0 : i32
      %lt3A_451 = arith.cmpi slt, %select_n3A_444, %lt3A_450 : i32
      %ne3A_452 = arith.xori %lt3A_449, %lt3A_451 : i1
      %and3A_453 = arith.andi %ne3A_452, %ne3A_447 : i1
      %add3A_454 = arith.addi %rem3A_445, %select_n3A_444 : i32
      %select_n3A_455 = arith.select %and3A_453, %add3A_454, %rem3A_445 : i32
      %eq3A_456 = arith.constant 0 : i32
      %eq3A_457 = arith.cmpi eq, %select_n3A_455, %eq3A_456 : i32
      %convert_element_type3A_458 = arith.extui %eq3A_457 : i1 to i32
      %cond3A_459 = arith.constant 0 : i32
      %cond3A_460 = arith.cmpi ne, %convert_element_type3A_458, %cond3A_459 : i32
      scf.if %cond3A_460 {
        %dma_start3A_482 = arith.constant 0 : i32
        %dma_start3A_483 = arith.constant 0 : i32
        %dma_start3A_484 = arith.constant 0 : i32
        %dma_start3A_485 = tpu.memref_slice %arg7[%dma_start3A_482, %dma_start3A_483, %dma_start3A_484] : memref<2x32x1025xf32, #tpu.memory_space<vmem>> -> memref<1x32x1024xf32, #tpu.memory_space<vmem>>
        %dma_start3A_486 = tpu.memref_squeeze %dma_start3A_485 : memref<1x32x1024xf32, #tpu.memory_space<vmem>> -> memref<32x1024xf32, #tpu.memory_space<vmem>>
        %dma_start3A_487 = arith.constant 0 : i32
        %dma_start3A_488 = arith.constant 0 : i32
        %dma_start3A_489 = tpu.memref_slice %arg4[%dma_start3A_487, %scan3A_183, %add3A, %dma_start3A_488] : memref<32x25x32x1024xf32, #tpu.memory_space<hbm>> -> memref<32x1x1x1024xf32, #tpu.memory_space<hbm>>
        %dma_start3A_490 = tpu.memref_squeeze %dma_start3A_489 : memref<32x1x1x1024xf32, #tpu.memory_space<hbm>> -> memref<32x1024xf32, #tpu.memory_space<hbm>>
        %dma_start3A_491 = arith.constant 0 : i32
        %dma_start3A_492 = arith.constant 0 : i32
        %dma_start3A_493 = tpu.memref_slice %arg4[%dma_start3A_491, %scan3A_183, %add3A, %dma_start3A_492] : memref<32x25x32x1024xf32, #tpu.memory_space<hbm>> -> memref<32x1x1x1024xf32, #tpu.memory_space<hbm>>
        %dma_start3A_494 = tpu.memref_squeeze %dma_start3A_493 : memref<32x1x1x1024xf32, #tpu.memory_space<hbm>> -> memref<32x1024xf32, #tpu.memory_space<hbm>>
        %dma_start3A_495 = arith.constant 0 : i32
        %dma_start3A_496 = arith.constant 0 : i32
        %dma_start3A_497 = tpu.memref_slice %arg7[%dma_start3A_482, %dma_start3A_495, %dma_start3A_496] : memref<2x32x1025xf32, #tpu.memory_space<vmem>> -> memref<1x32x1024xf32, #tpu.memory_space<vmem>>
        %dma_start3A_498 = tpu.memref_squeeze %dma_start3A_497 : memref<1x32x1024xf32, #tpu.memory_space<vmem>> -> memref<32x1024xf32, #tpu.memory_space<vmem>>
        tpu.enqueue_dma source(%dma_start3A_498 : memref<32x1024xf32, #tpu.memory_space<vmem>>) target(%dma_start3A_494 : memref<32x1024xf32, #tpu.memory_space<hbm>>) target_semaphore(%arg10 : memref<!tpu.dma_semaphore, #tpu.memory_space<semaphore_mem>>)
      } else {
      }
      %jit3A_461 = arith.constant 2 : i32
      %eq3A_462 = arith.constant 0 : i32
      %eq3A_463 = arith.cmpi eq, %jit3A_461, %eq3A_462 : i32
      %jit3A_464 = arith.constant 1 : i32
      %select_n3A_465 = arith.select %eq3A_463, %jit3A_464, %jit3A_461 : i32
      %rem3A_466 = arith.remsi %scan3A_183, %select_n3A_465 : i32
      %ne3A_467 = arith.constant 0 : i32
      %ne3A_468 = arith.cmpi ne, %rem3A_466, %ne3A_467 : i32
      %lt3A_469 = arith.constant 0 : i32
      %lt3A_470 = arith.cmpi slt, %rem3A_466, %lt3A_469 : i32
      %lt3A_471 = arith.constant 0 : i32
      %lt3A_472 = arith.cmpi slt, %select_n3A_465, %lt3A_471 : i32
      %ne3A_473 = arith.xori %lt3A_470, %lt3A_472 : i1
      %and3A_474 = arith.andi %ne3A_473, %ne3A_468 : i1
      %add3A_475 = arith.addi %rem3A_466, %select_n3A_465 : i32
      %select_n3A_476 = arith.select %and3A_474, %add3A_475, %rem3A_466 : i32
      %eq3A_477 = arith.constant 1 : i32
      %eq3A_478 = arith.cmpi eq, %select_n3A_476, %eq3A_477 : i32
      %convert_element_type3A_479 = arith.extui %eq3A_478 : i1 to i32
      %cond3A_480 = arith.constant 0 : i32
      %cond3A_481 = arith.cmpi ne, %convert_element_type3A_479, %cond3A_480 : i32
      scf.if %cond3A_481 {
        %dma_start3A_482 = arith.constant 1 : i32
        %dma_start3A_483 = arith.constant 0 : i32
        %dma_start3A_484 = arith.constant 0 : i32
        %dma_start3A_485 = tpu.memref_slice %arg7[%dma_start3A_482, %dma_start3A_483, %dma_start3A_484] : memref<2x32x1025xf32, #tpu.memory_space<vmem>> -> memref<1x32x1024xf32, #tpu.memory_space<vmem>>
        %dma_start3A_486 = tpu.memref_squeeze %dma_start3A_485 : memref<1x32x1024xf32, #tpu.memory_space<vmem>> -> memref<32x1024xf32, #tpu.memory_space<vmem>>
        %dma_start3A_487 = arith.constant 0 : i32
        %dma_start3A_488 = arith.constant 0 : i32
        %dma_start3A_489 = tpu.memref_slice %arg4[%dma_start3A_487, %scan3A_183, %add3A, %dma_start3A_488] : memref<32x25x32x1024xf32, #tpu.memory_space<hbm>> -> memref<32x1x1x1024xf32, #tpu.memory_space<hbm>>
        %dma_start3A_490 = tpu.memref_squeeze %dma_start3A_489 : memref<32x1x1x1024xf32, #tpu.memory_space<hbm>> -> memref<32x1024xf32, #tpu.memory_space<hbm>>
        %dma_start3A_491 = arith.constant 0 : i32
        %dma_start3A_492 = arith.constant 0 : i32
        %dma_start3A_493 = tpu.memref_slice %arg4[%dma_start3A_491, %scan3A_183, %add3A, %dma_start3A_492] : memref<32x25x32x1024xf32, #tpu.memory_space<hbm>> -> memref<32x1x1x1024xf32, #tpu.memory_space<hbm>>
        %dma_start3A_494 = tpu.memref_squeeze %dma_start3A_493 : memref<32x1x1x1024xf32, #tpu.memory_space<hbm>> -> memref<32x1024xf32, #tpu.memory_space<hbm>>
        %dma_start3A_495 = arith.constant 0 : i32
        %dma_start3A_496 = arith.constant 0 : i32
        %dma_start3A_497 = tpu.memref_slice %arg7[%dma_start3A_482, %dma_start3A_495, %dma_start3A_496] : memref<2x32x1025xf32, #tpu.memory_space<vmem>> -> memref<1x32x1024xf32, #tpu.memory_space<vmem>>
        %dma_start3A_498 = tpu.memref_squeeze %dma_start3A_497 : memref<1x32x1024xf32, #tpu.memory_space<vmem>> -> memref<32x1024xf32, #tpu.memory_space<vmem>>
        tpu.enqueue_dma source(%dma_start3A_498 : memref<32x1024xf32, #tpu.memory_space<vmem>>) target(%dma_start3A_494 : memref<32x1024xf32, #tpu.memory_space<hbm>>) target_semaphore(%arg11 : memref<!tpu.dma_semaphore, #tpu.memory_space<semaphore_mem>>)
      } else {
      }
    }
    %scan3A_147 = arith.constant 25 : i32
    %dma_wait3A = arith.constant 1 : i32
    %dma_wait3A_148 = arith.constant 23 : i32
    %dma_wait3A_149 = arith.constant 0 : i32
    %dma_wait3A_150 = arith.constant 0 : i32
    %dma_wait3A_151 = tpu.memref_slice %arg7[%dma_wait3A, %dma_wait3A_149, %dma_wait3A_150] : memref<2x32x1025xf32, #tpu.memory_space<vmem>> -> memref<1x32x1024xf32, #tpu.memory_space<vmem>>
    %dma_wait3A_152 = tpu.memref_squeeze %dma_wait3A_151 : memref<1x32x1024xf32, #tpu.memory_space<vmem>> -> memref<32x1024xf32, #tpu.memory_space<vmem>>
    %dma_wait3A_153 = arith.constant 0 : i32
    %dma_wait3A_154 = arith.constant 0 : i32
    %dma_wait3A_155 = tpu.memref_slice %arg4[%dma_wait3A_153, %dma_wait3A_148, %add3A, %dma_wait3A_154] : memref<32x25x32x1024xf32, #tpu.memory_space<hbm>> -> memref<32x1x1x1024xf32, #tpu.memory_space<hbm>>
    %dma_wait3A_156 = tpu.memref_squeeze %dma_wait3A_155 : memref<32x1x1x1024xf32, #tpu.memory_space<hbm>> -> memref<32x1024xf32, #tpu.memory_space<hbm>>
    %dma_wait3A_157 = arith.constant 0 : i32
    %dma_wait3A_158 = arith.constant 0 : i32
    %dma_wait3A_159 = tpu.memref_slice %arg4[%dma_wait3A_157, %dma_wait3A_148, %add3A, %dma_wait3A_158] : memref<32x25x32x1024xf32, #tpu.memory_space<hbm>> -> memref<32x1x1x1024xf32, #tpu.memory_space<hbm>>
    %dma_wait3A_160 = tpu.memref_squeeze %dma_wait3A_159 : memref<32x1x1x1024xf32, #tpu.memory_space<hbm>> -> memref<32x1024xf32, #tpu.memory_space<hbm>>
    %dma_wait3A_161 = arith.constant 0 : i32
    %dma_wait3A_162 = arith.constant 0 : i32
    %dma_wait3A_163 = tpu.memref_slice %arg7[%dma_wait3A, %dma_wait3A_161, %dma_wait3A_162] : memref<2x32x1025xf32, #tpu.memory_space<vmem>> -> memref<1x32x1024xf32, #tpu.memory_space<vmem>>
    %dma_wait3A_164 = tpu.memref_squeeze %dma_wait3A_163 : memref<1x32x1024xf32, #tpu.memory_space<vmem>> -> memref<32x1024xf32, #tpu.memory_space<vmem>>
    tpu.wait_dma2 semaphore(%arg11 : memref<!tpu.dma_semaphore, #tpu.memory_space<semaphore_mem>>) src(%dma_wait3A_164 : memref<32x1024xf32, #tpu.memory_space<vmem>>) dst(%dma_wait3A_160 : memref<32x1024xf32, #tpu.memory_space<hbm>>)
    %dma_wait3A_165 = arith.constant 0 : i32
    %dma_wait3A_166 = arith.constant 24 : i32
    %dma_wait3A_167 = arith.constant 0 : i32
    %dma_wait3A_168 = arith.constant 0 : i32
    %dma_wait3A_169 = tpu.memref_slice %arg7[%dma_wait3A_165, %dma_wait3A_167, %dma_wait3A_168] : memref<2x32x1025xf32, #tpu.memory_space<vmem>> -> memref<1x32x1024xf32, #tpu.memory_space<vmem>>
    %dma_wait3A_170 = tpu.memref_squeeze %dma_wait3A_169 : memref<1x32x1024xf32, #tpu.memory_space<vmem>> -> memref<32x1024xf32, #tpu.memory_space<vmem>>
    %dma_wait3A_171 = arith.constant 0 : i32
    %dma_wait3A_172 = arith.constant 0 : i32
    %dma_wait3A_173 = tpu.memref_slice %arg4[%dma_wait3A_171, %dma_wait3A_166, %add3A, %dma_wait3A_172] : memref<32x25x32x1024xf32, #tpu.memory_space<hbm>> -> memref<32x1x1x1024xf32, #tpu.memory_space<hbm>>
    %dma_wait3A_174 = tpu.memref_squeeze %dma_wait3A_173 : memref<32x1x1x1024xf32, #tpu.memory_space<hbm>> -> memref<32x1024xf32, #tpu.memory_space<hbm>>
    %dma_wait3A_175 = arith.constant 0 : i32
    %dma_wait3A_176 = arith.constant 0 : i32
    %dma_wait3A_177 = tpu.memref_slice %arg4[%dma_wait3A_175, %dma_wait3A_166, %add3A, %dma_wait3A_176] : memref<32x25x32x1024xf32, #tpu.memory_space<hbm>> -> memref<32x1x1x1024xf32, #tpu.memory_space<hbm>>
    %dma_wait3A_178 = tpu.memref_squeeze %dma_wait3A_177 : memref<32x1x1x1024xf32, #tpu.memory_space<hbm>> -> memref<32x1024xf32, #tpu.memory_space<hbm>>
    %dma_wait3A_179 = arith.constant 0 : i32
    %dma_wait3A_180 = arith.constant 0 : i32
    %dma_wait3A_181 = tpu.memref_slice %arg7[%dma_wait3A_165, %dma_wait3A_179, %dma_wait3A_180] : memref<2x32x1025xf32, #tpu.memory_space<vmem>> -> memref<1x32x1024xf32, #tpu.memory_space<vmem>>
    %dma_wait3A_182 = tpu.memref_squeeze %dma_wait3A_181 : memref<1x32x1024xf32, #tpu.memory_space<vmem>> -> memref<32x1024xf32, #tpu.memory_space<vmem>>
    tpu.wait_dma2 semaphore(%arg10 : memref<!tpu.dma_semaphore, #tpu.memory_space<semaphore_mem>>) src(%dma_wait3A_182 : memref<32x1024xf32, #tpu.memory_space<vmem>>) dst(%dma_wait3A_178 : memref<32x1024xf32, #tpu.memory_space<hbm>>)
    return
  }
}

</mosaic_0001>

<sc_bundles>
// kernel: _embed.3.cloned.1.call-start
scs
__scs_entry_jumppad:
0x0: {  	(pc) =	sbr.rel $0x88, $3  }
0x1: {  	(tag) =	ssettag $0x0;
	lr =	simm.s32 $0x1  }
0x2: {  	[smem:$0x3F9F] =	sst lr;
	_ =	strace $0xD0000000  }
0x3: {  	_ = 	snop  }
0x4: {  	_ = 	snop  }
0x5: {  	_ = 	snop  }
0x6: {  	_ = 	snop  }
0x7: {  	_ = 	snop  }
__scs_overlays_trampoline_lowered:
0x8: {  	[smem:$0x3FAE] =	sst s0  }
0x9: {  	[smem:$0x3FAF] =	sst s1  }
0xa: {  	[smem:$0x3FB0] =	sst s2  }
0xb: {  	[smem:$0x3FB1] =	sst s3  }
0xc: {  	[smem:$0x3FB2] =	sst s4  }
0xd: {  	[smem:$0x3FB3] =	sst s5  }
0xe: {  	[smem:$0x3FB4] =	sst s6  }
0xf: {  	[smem:$0x3FB5] =	sst s7  }
0x10: {  	[smem:$0x3FB6] =	sst s8  }
0x11: {  	[smem:$0x3FB7] =	sst s9;
	s0 =	simm.s32 @!p0 $0x0  }
0x12: {  	s1 =	sld [smem:$0x3F9D];
	s0 =	simm.s32 @p0 $0x1  }
0x13: {  	[smem:$0x3FB8] =	sst s0;
	s0 =	simm.s32 @!p1 $0x0  }
0x14: {  	s2 =	sld [smem:$0x3F9C];
	s0 =	simm.s32 @p1 $0x1  }
0x15: {  	[smem:$0x3FB9] =	sst s0;
	s0 =	simm.s32 @!p2 $0x0  }
0x16: {  	s3 =	sld [smem:$0x3FDB];
	s0 =	simm.s32 @p2 $0x1  }
0x17: {  	s4 =	simm.s32 $0x1BF5;
	[smem:$0x3FBB] =	sst s0  }
0x18: {  	s0 =	sld [smem:$0x3F9E];
	_ =	swait.ge [sflag:s4], $0x0  }
0x19: {  	s7 =	sld [smem:$0x3F9F]  }
0x1a: {  	s8 =	sadd.s32 $0xFFFFE003, lr  }
0x1b: {  	s9 =	sadd.s32 $0xFFFFFEF7, lr;
	s5 =	simm.s32 $0xFFFFFFFF;
	p2 =	slt.u32 s8, $0xFFFFF086  }
0x1c: {  	p1 =	slt.u32 s9, $0xF7A;
	s5 =	simm.s32 @!p2 $0x0  }
0x1d: {  	s5 =	simm.s32 @p1 $0x1;
	p0 =	seq.s32 s7, s2  }
0x1e: {  	s7 =	smul.u32 @!p0 $0xF7A, s2;
	p2 =	seq.s32 @!p0 s5, $0x0  }
0x1f: {  	s9 =	smul.u32 $0xF7A, s1;
	s8 =	simm.s32 @!p0 $0x1BF5;
	p2 =	por !p2, p0  }
0x20: {  	[sflag:s8] =	ssyncset.s32 @!p0 $0xFFFFF086;
	s6 =	sadd.s32 @!p0 s3, s7;
	s7 =	simm.s32 @!p0 $0x108  }
0x21: {  	s3 =	sadd.s32 s3, s9;
	s6 =	sadd.s32 @!p0 $0x88, s6;
	s7 =	simm.s32 @p2 $0x1082  }
0x22: {  	[simem:s7], [sflag:s8] =	dma.local @!p0 [hbm:s6], $0xF7A  }
0x23: {  	s9 =	sor.u32 $0xD0000000, s2;
	s6 =	simm.s32 $0x108;
	_ =	swait.ge @!p0 [sflag:s8], $0x0  }
0x24: {  	s3 =	sadd.s32 $0x88, s3;
	s6 =	simm.s32 @!p1 $0x1082;
	[sflag:s4] =	ssyncset.s32 $0xFFFFF086  }
0x25: {  	[simem:s6], [sflag:s4] =	dma.local [hbm:s3], $0xF7A  }
0x26: {  	[smem:$0x3F9F] =	sst s1;
	(tag) =	ssettag s2;
	_ =	strace s9  }
0x27: {  	s1 =	sld [smem:$0x3FAF]  }
0x28: {  	s2 =	sld [smem:$0x3FB0]  }
0x29: {  	s4 =	sld [smem:$0x3FB2]  }
0x2a: {  	p0 =	seq.s32 s5, $0x0;
	s5 =	sld [smem:$0x3FB3]  }
0x2b: {  	s6 =	sld [smem:$0x3FB4]  }
0x2c: {  	s7 =	sld [smem:$0x3FB5]  }
0x2d: {  	s3 =	simm.s32 $0x108;
	s8 =	sld [smem:$0x3FB6]  }
0x2e: {  	s3 =	simm.s32 @!p0 $0x1082;
	s9 =	sld [smem:$0x3FB7]  }
0x2f: {  	lr =	sadd.s32 s0, s3;
	s0 =	sld [smem:$0x3FAE]  }
0x30: {  	s3 =	sld [smem:$0x3FB1]  }
0x31: {  	[smem:$0x3FBA] =	sst s10  }
0x32: {  	s10 =	sld [smem:$0x3FB8];
	_ =	sdelay $0x3  }
0x33: {  	p0 =	seq.s32 s10, $0x1;
	s10 =	sld [smem:$0x3FBA];
	_ =	sdelay $0x3  }
0x34: {  	[smem:$0x3FBA] =	sst s10  }
0x35: {  	s10 =	sld [smem:$0x3FB9];
	_ =	sdelay $0x3  }
0x36: {  	p1 =	seq.s32 s10, $0x1;
	s10 =	sld [smem:$0x3FBA];
	_ =	sdelay $0x3  }
0x37: {  	[smem:$0x3FBA] =	sst s10  }
0x38: {  	s10 =	sld [smem:$0x3FBB]  }
0x39: {  	_ = 	snop;
	(pc) =	sbr.ind lr, $3  }
0x3a: {  	_ = 	snop  }
0x3b: {  	_ = 	snop  }
0x3c: {  	p2 =	seq.s32 s10, $0x1;
	s10 =	sld [smem:$0x3FBA]  }
0x3d: {  	_ =	shalt  }
0x3e: {  	_ =	shalt  }
0x3f: {  	_ =	shalt  }
0x40: {  	_ =	shalt  }
0x41: {  	_ =	shalt  }
0x42: {  	_ =	shalt  }
0x43: {  	_ =	shalt  }
0x44: {  	_ =	shalt  }
0x45: {  	_ =	shalt  }
0x46: {  	_ =	shalt  }
0x47: {  	_ =	shalt  }
0x48: {  	_ =	shalt  }
0x49: {  	_ =	shalt  }
0x4a: {  	_ =	shalt  }
0x4b: {  	_ =	shalt  }
0x4c: {  	_ =	shalt  }
0x4d: {  	_ =	shalt  }
0x4e: {  	_ =	shalt  }
0x4f: {  	_ =	shalt  }
0x50: {  	_ =	shalt  }
0x51: {  	_ =	shalt  }
0x52: {  	_ =	shalt  }
0x53: {  	_ =	shalt  }
0x54: {  	_ =	shalt  }
0x55: {  	_ =	shalt  }
0x56: {  	_ =	shalt  }
0x57: {  	_ =	shalt  }
0x58: {  	_ =	shalt  }
0x59: {  	_ =	shalt  }
0x5a: {  	_ =	shalt  }
0x5b: {  	_ =	shalt  }
0x5c: {  	_ =	shalt  }
0x5d: {  	_ =	shalt  }
0x5e: {  	_ =	shalt  }
0x5f: {  	_ =	shalt  }
0x60: {  	_ =	shalt  }
0x61: {  	_ =	shalt  }
0x62: {  	_ =	shalt  }
0x63: {  	_ =	shalt  }
0x64: {  	_ =	shalt  }
0x65: {  	_ =	shalt  }
0x66: {  	_ =	shalt  }
0x67: {  	_ =	shalt  }
0x68: {  	_ =	shalt  }
0x69: {  	_ =	shalt  }
0x6a: {  	_ =	shalt  }
0x6b: {  	_ =	shalt  }
0x6c: {  	_ =	shalt  }
0x6d: {  	_ =	shalt  }
0x6e: {  	_ =	shalt  }
0x6f: {  	_ =	shalt  }
0x70: {  	_ =	shalt  }
0x71: {  	_ =	shalt  }
0x72: {  	_ =	shalt  }
0x73: {  	_ =	shalt  }
0x74: {  	_ =	shalt  }
0x75: {  	_ =	shalt  }
0x76: {  	_ =	shalt  }
0x77: {  	_ =	shalt  }
0x78: {  	_ =	shalt  }
0x79: {  	_ =	shalt  }
0x7a: {  	_ =	shalt  }
0x7b: {  	_ =	shalt  }
0x7c: {  	_ =	shalt  }
0x7d: {  	_ =	shalt  }
0x7e: {  	_ =	shalt  }
0x7f: {  	_ =	shalt  }
0x80: {  	_ =	shalt  }
0x81: {  	_ =	shalt  }
0x82: {  	_ =	shalt  }
0x83: {  	_ =	shalt  }
0x84: {  	_ =	shalt  }
0x85: {  	_ =	shalt  }
0x86: {  	_ =	shalt  }
0x87: {  	_ =	shalt  }
.Lfunc_end0:
.L_simem_size_0:
called_computation_lowered:
.L_overlay_start_0:
0x88: {  	s2 =	sld [smem:$0x3FD9]  }
0x89: {  	s3 =	sld [smem:$0x3FFE];
	_ =	sdelay $0x1  }
0x8a: {  	s1 =	srdreg.scid  }
0x8b: {  	s0 =	sand.u32 $0x1, s1  }
0x8c: {  	s17 =	sshll.u32 s0, $0xA;
	s2 =	sadd.s32 s3, s2  }
0x8d: {  	s2 =	sadd.s32 s2, s17  }
0x8e: {  	[smem:$0x3FC6] =	sst s2  }
0x8f: {  	_ = 	snop  }
0x90: {  	s2 =	sld [smem:$0x3FC9];
	(tm) =	ssettm $0x1  }
0x91: {  	s18 =	sld [smem:$0x3FFB];
	_ =	sdelay $0x3  }
0x92: {  	_ =	strace s18  }
0x93: {  	s3 =	sld [smem:$0x3FFC];
	_ =	sdelay $0x3  }
0x94: {  	_ =	strace s3  }
0x95: {  	s3 =	sld [smem:$0x3FFD];
	_ =	sdelay $0x3  }
0x96: {  	_ =	strace s3  }
0x97: {  	_ =	strace $0x8FFFFFFF  }
0x98: {  	s19 =	sld [smem:$0x3FDB];
	_ =	sdelay $0x1  }
0x99: {  	s4 =	simm.s32 $_scs_section_size  }
0x9a: {  	s5 =	simm.s32 $_size__tile_overlayer_lowered;
	s6 =	simm.s32 $_tile_overlayer_lowered  }
0x9b: {  	s22 =	simm.s32 $0x1BFF;
	s21 =	sshll.u32 s6, $0x1;
	s3 =	sadd.s32 s4, s19  }
0x9c: {  	s7 =	simm.s32 $0x0;
	s20 =	sshll.u32 s5, $0x1;
	s5 =	sadd.s32 s21, s3  }
0x9d: {  	[timem:s7], [sflag:s22] =	dma.local [hbm:s5], s20  }
0x9e: {  	_ =	swait.ge [sflag:s22], s20  }
0x9f: {  	s4 =	ssub.s32 $0x0, s20;
	[sflag:s22] =	ssyncset.done $0x0  }
0xa0: {  	[sflag:s22] =	ssyncadd.s32 s4;
	_ =	sdelay $0x1  }
0xa1: {  	s23 =	simm.s32 $0x1B8B  }
0xa2: {  	_ =	swait.ge [sflag:s23], $0x1  }
0xa3: {  	[sflag:s23] =	ssyncset.done $0x0  }
0xa4: {  	s25 =	simm.s32 $0x1B8E;
	s24 =	sld [smem:$0x3FFE];
	[sflag:s23] =	ssyncadd.s32 $0xFFFFFFFF  }
0xa5: {  	s26 =	simm.s32 $execute0_lowered;
	[smem:$0x3FD2] =	sst s25  }
0xa6: {  	s5 =	sshll.u32 s26, $0x1;
	_ =	strace $0x80000046;
	[dreg:$0x1] =	wrdreg $0xFFFFFFFF  }
0xa7: {  	s28 =	simm.s32 $_size_execute0_lowered;
	s3 =	sadd.s32 s3, s5;
	[dreg:$0x0] =	wrdreg $0x0  }
0xa8: {  	s5 =	sshll.u32 s28, $0x1;
	[dreg:$0x2] =	wrdreg s3  }
0xa9: {  	[dreg:$0x3] =	wrdreg s5  }
0xaa: {  	[dreg:$0x4] =	wrdreg $0xC0  }
0xab: {  	_ =	task [dreg:s7], $0x5FFFF  }
0xac: {  	[dreg:$0x1] =	wrdreg $0xFFFFFFFF  }
0xad: {  	[dreg:$0x0] =	wrdreg $0x60  }
0xae: {  	[dreg:$0x2] =	wrdreg s2  }
0xaf: {  	[dreg:$0x3] =	wrdreg s24  }
0xb0: {  	[dreg:$0x4] =	wrdreg $0x9  }
0xb1: {  	_ =	task.clear_ibuf [dreg:s7], $0x5FFFF;
	_ =	strace $0x90000046  }
0xb2: {  	s29 =	simm.s32 $0x9;
	_ =	strace $0x80000048  }
0xb3: {  	_ =	swait.ge [sflag:s29], $0x1  }
0xb4: {  	[sflag:s29] =	ssyncadd.s32 $0xFFFFFFFF  }
0xb5: {  	_ =	strace $0x90000048  }
0xb6: {  	_ =	sfence  }
0xb7: {  	s30 =	sld [smem:$0x0];
	_ =	sdelay $0x2  }
0xb8: {  	s31 =	sshll.u32 s1, $0xD;
	s1 =	sshrl.u32 s1, $0x2  }
0xb9: {  	s3 =	sand.u32 $0x4000, s31;
	s1 =	sadd.s32 s1, s30  }
0xba: {  	s0 =	sor.u32 s3, s0;
	s1 =	sshll.u32 s1, $0x11  }
0xbb: {  	s0 =	sor.u32 s1, s0  }
0xbc: {  	s0 =	sadd.s32 $0x8F2B, s0  }
0xbd: {  	[sflag:s0] =	ssyncadd.remote.s32 $0x1  }
0xbe: {  	_ =	sfence.sel $0xFFFF  }
0xbf: {  	[dreg:$0x0] =	wrdreg $0xFFFFFFFF;
	(pc) =	sbr.abs _section_cstart, $3  }
0xc0: {  	[dreg:$0x1] =	wrdreg $0xFFFFFFFF  }
0xc1: {  	_ =	task.clear_ibuf [dreg:s7], $0x2FFFF;
	_ =	strace $0x9FFFFFFF  }
0xc2: {  	(tm) =	ssettm $0x7FFFFFFF  }
0xc3: {  	_ =	shalt  }
tec
execute0_lowered:
.L_overlay_start_1:
0x0: {  	(tag) =	ssettag $0x1  }
0x1: {  	s0 =	rddreg [dreg:$0x0];
	v0 =	vlaneseq.u32  }
0x2: {  	s1 =	rddreg [dreg:$0x1];
	s3 =	srdreg.scid;
	s2 =	simm.s32 $0x0;
	v0 =	vmul.u32 $0x408, v0  }
0x3: {  	s4 =	stileid.u32;
	s8 =	simm.s32 $0x80;
	s12 =	simm.s32 $0x8400  }
0x4: {  	s13 =	simm.s32 $0x180;
	s14 =	simm.s32 $0x9400;
	s15 =	simm.s32 $0x200;
	v1 =	vadd.s32 $0x4080, v0  }
0x5: {  	s16 =	simm.s32 $0xA400;
	s17 =	simm.s32 $0x280;
	s18 =	simm.s32 $0xB400;
	v2 =	vor.u32 $0x1, v0;
	v3 =	vadd.s32 $0x4081, v0;
	v4 =	vor.u32 $0x2, v0  }
0x6: {  	s19 =	simm.s32 $0x300;
	s20 =	simm.s32 $0xC400;
	s21 =	simm.s32 $0x380;
	v5 =	vadd.s32 $0x4082, v0;
	v6 =	vor.u32 $0x3, v0;
	v7 =	vadd.s32 $0x4083, v0  }
0x7: {  	s22 =	simm.s32 $0xD400;
	s23 =	simm.s32 $0x1;
	s24 =	simm.s32 $0xE400;
	v8 =	vor.u32 $0x4, v0;
	v9 =	vadd.s32 $0x4084, v0;
	v10 =	vor.u32 $0x5, v0  }
0x8: {  	s25 =	simm.s32 $0x16500;
	s26 =	simm.s32 $0x2;
	s28 =	simm.s32 $0x4;
	v11 =	vadd.s32 $0x4085, v0;
	v12 =	vor.u32 $0x6, v0;
	v13 =	vadd.s32 $0x4086, v0  }
0x9: {  	s29 =	simm.s32 $0x0;
	s3 =	sand.u32 $0x1, s3;
	[smem:$0x7FF] =	sst s2;
	v14 =	vor.u32 $0x7, v0;
	v15 =	vadd.s32 $0x4087, v0;
	v16 =	vadd.s32 $0x8, v0  }
.Ltmp0:
0xa: {  	s5 =	sshll.u32 s4, $0x8;
	_ =	strace $0x80000047;
	v17 =	vadd.s32 $0x4088, v0;
	v18 =	vadd.s32 $0x9, v0;
	v19 =	vadd.s32 $0x4089, v0;
	(pc) =	sbr.rel .LBB2_1-.Ltmp0, $4  }
0xb: {  	s6 =	sshll.u32 s3, $0x7;
	s7 =	ssub.s32 $0x2, s3;
	s3 =	sadd.s32 $0xF42800, s1;
	v20 =	vadd.s32 $0xA, v0;
	v21 =	vadd.s32 $0x408A, v0;
	v22 =	vadd.s32 $0xB, v0  }
0xc: {  	s0 =	sadd.s32 s5, s0;
	s4 =	sor.u32 s6, s5;
	s31 =	sshrl.u32 s7, $0x1;
	v23 =	vadd.s32 $0x408B, v0;
	v24 =	vadd.s32 $0xC, v0;
	v25 =	vadd.s32 $0x408C, v0  }
0xd: {  	s6 =	sadd.s32 s6, s0;
	v26 =	vadd.s32 $0xD, v0;
	v27 =	vadd.s32 $0x408D, v0;
	v28 =	vadd.s32 $0xE, v0;
	s1 =	sadd.s32 s4, s1;
	s7 =	ssub.s32 s7, s31  }
0xe: {  	v29 =	vadd.s32 $0x408E, v0;
	v30 =	vadd.s32 $0xF, v0;
	v31 =	vadd.s32 $0x408F, v0;
	s4 =	sadd.s32 $0x400, s1;
	s5 =	smax.u32 s7, $0x1;
	s7 =	simm.s32 $0x3  }
.LBB2_27:
0xf: {  	s29 =	sadd.s32 $0x1, s29  }
0x10: {  	_ =	swait.ge [sflag:s28], $0x8000;
	p0 =	sne.s32 s29, s5  }
.Ltmp1:
0x11: {  	[sflag:s28] =	ssyncset.done $0x0;
	(pc) =	sbr.rel @!p0 .LBB2_28-.Ltmp1, $4  }
0x12: {  	[sflag:s28] =	ssyncadd.s32 $0xFFFF8000  }
0x13: {  	_ =	swait.ge [sflag:s7], $0x8000  }
0x14: {  	[sflag:s7] =	ssyncset.done $0x0  }
0x15: {  	[sflag:s7] =	ssyncadd.s32 $0xFFFF8000  }
.LBB2_1:
0x16: {  	s0 =	simm.s32 $0x1000;
	s1 =	simm.s32 $0x0;
	s9 =	sadd.s32 $0x0, s6  }
.LBB2_2:
0x17: {  	[tilespmem:s1], [sflag:$0x3] =	stream.linear.gather [hbm4b:s9+s2], $0x400, $0x38;
	[tilespmem:$0x1E600] =	vst v63  }
0x18: {  	s9 =	smov.u32 s0;
	p0 =	sne.s32 s0, $0x18000  }
.Ltmp2:
0x19: {  	s0 =	sadd.s32 $0x1000, s0;
	(pc) =	sbr.rel @p0 .LBB2_2-.Ltmp2, $2  }
0x1a: {  	_ =	sdelay $0x2  }
0x1b: {  	s1 =	sshra.s32 s9, $0x2;
	s9 =	sadd.s32 s9, s6  }
0x1c: {  	[tilespmem:s1], [sflag:$0x3] =	stream.linear.gather [hbm4b:s9+s2], $0x400, $0x38;
	[tilespmem:$0x1E600] =	vst v63  }
0x1d: {  	_ =	swait.ge [sflag:s7], $0x400  }
0x1e: {  	[sflag:s7] =	ssyncset.done $0x0  }
0x1f: {  	[sflag:s7] =	ssyncadd.s32 $0xFFFFFC00  }
0x20: {  	_ =	swait.ge [sflag:s7], $0x400  }
0x21: {  	[sflag:s7] =	ssyncset.done $0x0  }
0x22: {  	[sflag:s7] =	ssyncadd.s32 $0xFFFFFC00  }
0x23: {  	_ =	swait.ge [sflag:s7], $0x400  }
0x24: {  	[sflag:s7] =	ssyncset.done $0x0  }
0x25: {  	[sflag:s7] =	ssyncadd.s32 $0xFFFFFC00  }
0x26: {  	_ =	swait.ge [sflag:s7], $0x400  }
0x27: {  	[sflag:s7] =	ssyncset.done $0x0  }
0x28: {  	[sflag:s7] =	ssyncadd.s32 $0xFFFFFC00  }
0x29: {  	_ =	swait.ge [sflag:s7], $0x400  }
0x2a: {  	[sflag:s7] =	ssyncset.done $0x0  }
0x2b: {  	[sflag:s7] =	ssyncadd.s32 $0xFFFFFC00  }
0x2c: {  	_ =	swait.ge [sflag:s7], $0x400  }
0x2d: {  	[sflag:s7] =	ssyncset.done $0x0  }
0x2e: {  	[sflag:s7] =	ssyncadd.s32 $0xFFFFFC00  }
0x2f: {  	_ =	swait.ge [sflag:s7], $0x400  }
0x30: {  	[sflag:s7] =	ssyncset.done $0x0  }
0x31: {  	[sflag:s7] =	ssyncadd.s32 $0xFFFFFC00  }
0x32: {  	_ =	swait.ge [sflag:s7], $0x400  }
0x33: {  	[sflag:s7] =	ssyncset.done $0x0  }
0x34: {  	[sflag:s7] =	ssyncadd.s32 $0xFFFFFC00  }
0x35: {  	_ =	swait.ge [sflag:s7], $0x400  }
0x36: {  	[sflag:s7] =	ssyncset.done $0x0  }
0x37: {  	[sflag:s7] =	ssyncadd.s32 $0xFFFFFC00  }
0x38: {  	_ =	swait.ge [sflag:s7], $0x400  }
0x39: {  	[sflag:s7] =	ssyncset.done $0x0  }
0x3a: {  	[sflag:s7] =	ssyncadd.s32 $0xFFFFFC00  }
0x3b: {  	_ =	swait.ge [sflag:s7], $0x400  }
0x3c: {  	[sflag:s7] =	ssyncset.done $0x0  }
0x3d: {  	[sflag:s7] =	ssyncadd.s32 $0xFFFFFC00  }
0x3e: {  	_ =	swait.ge [sflag:s7], $0x400  }
0x3f: {  	[sflag:s7] =	ssyncset.done $0x0  }
0x40: {  	[sflag:s7] =	ssyncadd.s32 $0xFFFFFC00  }
0x41: {  	_ =	swait.ge [sflag:s7], $0x400  }
0x42: {  	[sflag:s7] =	ssyncset.done $0x0  }
0x43: {  	[sflag:s7] =	ssyncadd.s32 $0xFFFFFC00  }
0x44: {  	_ =	swait.ge [sflag:s7], $0x400  }
0x45: {  	[sflag:s7] =	ssyncset.done $0x0  }
0x46: {  	[sflag:s7] =	ssyncadd.s32 $0xFFFFFC00  }
0x47: {  	_ =	swait.ge [sflag:s7], $0x400  }
0x48: {  	[sflag:s7] =	ssyncset.done $0x0  }
0x49: {  	[sflag:s7] =	ssyncadd.s32 $0xFFFFFC00  }
0x4a: {  	_ =	swait.ge [sflag:s7], $0x400  }
0x4b: {  	[sflag:s7] =	ssyncset.done $0x0  }
0x4c: {  	[sflag:s7] =	ssyncadd.s32 $0xFFFFFC00  }
0x4d: {  	_ =	swait.ge [sflag:s7], $0x400  }
0x4e: {  	[sflag:s7] =	ssyncset.done $0x0  }
0x4f: {  	[sflag:s7] =	ssyncadd.s32 $0xFFFFFC00  }
0x50: {  	_ =	swait.ge [sflag:s7], $0x400  }
0x51: {  	[sflag:s7] =	ssyncset.done $0x0  }
0x52: {  	[sflag:s7] =	ssyncadd.s32 $0xFFFFFC00  }
0x53: {  	_ =	swait.ge [sflag:s7], $0x400  }
0x54: {  	[sflag:s7] =	ssyncset.done $0x0  }
0x55: {  	[sflag:s7] =	ssyncadd.s32 $0xFFFFFC00  }
0x56: {  	_ =	swait.ge [sflag:s7], $0x400  }
0x57: {  	[sflag:s7] =	ssyncset.done $0x0  }
0x58: {  	[sflag:s7] =	ssyncadd.s32 $0xFFFFFC00  }
0x59: {  	_ =	swait.ge [sflag:s7], $0x400  }
0x5a: {  	[sflag:s7] =	ssyncset.done $0x0  }
0x5b: {  	[sflag:s7] =	ssyncadd.s32 $0xFFFFFC00  }
0x5c: {  	_ =	swait.ge [sflag:s7], $0x400  }
0x5d: {  	[sflag:s7] =	ssyncset.done $0x0  }
0x5e: {  	[sflag:s7] =	ssyncadd.s32 $0xFFFFFC00  }
0x5f: {  	_ =	swait.ge [sflag:s7], $0x400  }
0x60: {  	[sflag:s7] =	ssyncset.done $0x0  }
0x61: {  	[sflag:s7] =	ssyncadd.s32 $0xFFFFFC00  }
0x62: {  	_ =	swait.ge [sflag:s7], $0x400  }
0x63: {  	[sflag:s7] =	ssyncset.done $0x0  }
0x64: {  	[sflag:s7] =	ssyncadd.s32 $0xFFFFFC00  }
0x65: {  	_ =	swait.ge [sflag:s7], $0x400  }
0x66: {  	[sflag:s7] =	ssyncset.done $0x0  }
0x67: {  	s30 =	simm.s32 $0x0;
	s0 =	simm.s32 $0x6400;
	[sflag:s7] =	ssyncadd.s32 $0xFFFFFC00  }
0x68: {  	[tilespmem:s0], [sflag:$0x1] =	stream.indirect.gather [hbm4b:s3+s8], $0x20, s30, s8, $0xb8;
	[tilespmem:$0x1E600] =	vst v63  }
0x69: {  	s11 =	simm.s32 $0x7400  }
0x6a: {  	[tilespmem:s11], [sflag:$0x1] =	stream.indirect.gather [hbm4b:s3+s8], $0x20, s8, s8, $0xb8;
	[tilespmem:$0x1E600] =	vst v63  }
0x6b: {  	s31 =	simm.s32 $0x100  }
0x6c: {  	[tilespmem:s12], [sflag:$0x1] =	stream.indirect.gather [hbm4b:s3+s8], $0x20, s31, s8, $0xb8;
	[tilespmem:$0x1E600] =	vst v63  }
0x6d: {  	_ = 	snop  }
0x6e: {  	[tilespmem:s14], [sflag:$0x1] =	stream.indirect.gather [hbm4b:s3+s8], $0x20, s13, s8, $0xb8;
	[tilespmem:$0x1E600] =	vst v63  }
0x6f: {  	_ = 	snop  }
0x70: {  	[tilespmem:s16], [sflag:$0x2] =	stream.indirect.gather [hbm4b:s3+s8], $0x20, s15, s8, $0xb8;
	[tilespmem:$0x1E600] =	vst v63  }
0x71: {  	_ = 	snop  }
0x72: {  	[tilespmem:s18], [sflag:$0x2] =	stream.indirect.gather [hbm4b:s3+s8], $0x20, s17, s8, $0xb8;
	[tilespmem:$0x1E600] =	vst v63  }
.Ltmp3:
0x73: {  	_ = 	snop;
	(pc) =	sbr.rel .LBB2_4-.Ltmp3, $4  }
0x74: {  	_ = 	snop  }
0x75: {  	[tilespmem:s20], [sflag:$0x2] =	stream.indirect.gather [hbm4b:s3+s8], $0x20, s19, s8, $0xb8;
	[tilespmem:$0x1E600] =	vst v63  }
0x76: {  	_ = 	snop  }
0x77: {  	[tilespmem:s22], [sflag:$0x2] =	stream.indirect.gather [hbm4b:s3+s8], $0x20, s21, s8, $0xb8;
	[tilespmem:$0x1E600] =	vst v63  }
.LBB2_26:
0x78: {  	p0 =	sne.s32 s0, $0x19  }
.Ltmp4:
0x79: {  	_ = 	snop;
	(pc) =	sbr.rel @!p0 .LBB2_27-.Ltmp4, $2  }
0x7a: {  	_ =	sdelay $0x2  }
0x7b: {  	s30 =	smov.u32 s0  }
.LBB2_4:
0x7c: {  	p1 =	slt.u32 s30, $0x2;
	s31 =	sand.u32 $0x1, s30  }
0x7d: {  	p0 =	sne.s32 @!p1 s31, $0x0  }
0x7e: {  	p2 =	por p0, p1  }
0x7f: {  	s0 =	simm.s32 @!p2 $0x3  }
0x80: {  	p0 =	seq.s32 s31, $0x1;
	_ =	swait.ge @!p2 [sflag:s0], $0x8000  }
0x81: {  	p1 =	por !p0, p1;
	[sflag:s0] =	ssyncset.done @!p2 $0x0  }
0x82: {  	[sflag:s0] =	ssyncadd.s32 @!p2 $0xFFFF8000;
	s0 =	simm.s32 @!p1 $0x4  }
0x83: {  	_ =	swait.ge @!p1 [sflag:s0], $0x8000  }
0x84: {  	[sflag:s0] =	ssyncset.done @!p1 $0x0  }
0x85: {  	[sflag:s0] =	ssyncadd.s32 @!p1 $0xFFFF8000  }
0x86: {  	_ =	swait.ge [sflag:s23], $0x1000  }
0x87: {  	[sflag:s23] =	ssyncset.done $0x0  }
0x88: {  	[sflag:s23] =	ssyncadd.s32 $0xFFFFF000  }
0x89: {  	_ =	swait.ge [sflag:s23], $0x1000  }
0x8a: {  	[sflag:s23] =	ssyncset.done $0x0  }
0x8b: {  	[sflag:s23] =	ssyncadd.s32 $0xFFFFF000  }
0x8c: {  	p2 =	sne.s32 s31, $0x0;
	_ =	swait.ge [sflag:s23], $0x1000  }
.Ltmp5:
0x8d: {  	[sflag:s23] =	ssyncset.done $0x0;
	(pc) =	sbr.rel @p2 .LBB2_8-.Ltmp5, $4  }
0x8e: {  	[sflag:s23] =	ssyncadd.s32 $0xFFFFF000  }
0x8f: {  	_ =	swait.ge [sflag:s23], $0x1000  }
0x90: {  	[sflag:s23] =	ssyncset.done $0x0  }
0x91: {  	[sflag:s23] =	ssyncadd.s32 $0xFFFFF000  }
0x92: {  	s0 =	simm.s32 $0x6500  }
0x93: {  	v33 =	vld [tilespmem:s0+$0xFFFFFF70]  }
0x94: {  	v32 =	vimm.s32 $0x0;
	v34 =	vld [tilespmem:s0+$0xFFFFFF60]  }
0x95: {  	v36 =	vld [tilespmem:s0+$0xFFFFFF00];
	v37 =	vadd.s32 v0, v32  }
0x96: {  	v38 =	vld [tilespmem:s0+$0xFFFFFF10];
	v39 =	vadd.s32 v1, v32  }
0x97: {  	v40 =	vld [tilespmem:s0+$0xFFFFFF20];
	v41 =	vadd.s32 v2, v32  }
0x98: {  	v42 =	vld [tilespmem:s0+$0xFFFFFF30];
	v43 =	vadd.s32 v3, v32  }
0x99: {  	v44 =	vld [tilespmem:s0+$0xFFFFFF40];
	v45 =	vadd.s32 v4, v32  }
0x9a: {  	v35 =	vld [tilespmem:s0+$0xFFFFFF50];
	v63 =	vadd.s32 v5, v32;
	[tilespmem:v37+s24+$0x0] =	vst.idx.msk $0xffff, v36  }
0x9b: {  	v46 =	vadd.s32 v6, v32;
	[tilespmem:v39+s24+$0x0] =	vst.idx.msk $0xffff, v38  }
0x9c: {  	v47 =	vadd.s32 v7, v32;
	[tilespmem:v41+s24+$0x0] =	vst.idx.msk $0xffff, v40  }
0x9d: {  	[tilespmem:v43+s24+$0x0] =	vst.idx.msk $0xffff, v42  }
0x9e: {  	[tilespmem:v45+s24+$0x0] =	vst.idx.msk $0xffff, v44  }
0x9f: {  	[tilespmem:v63+s24+$0x0] =	vst.idx.msk $0xffff, v35  }
0xa0: {  	[tilespmem:v46+s24+$0x0] =	vst.idx.msk $0xffff, v34  }
0xa1: {  	[tilespmem:v47+s24+$0x0] =	vst.idx.msk $0xffff, v33  }
0xa2: {  	v33 =	vld [tilespmem:s0+$0xFFFFFFB0]  }
0xa3: {  	v34 =	vld [tilespmem:s0+$0xFFFFFFA0]  }
0xa4: {  	v48 =	vadd.s32 v8, v32;
	v36 =	vld [tilespmem:s0+$0xFFFFFF80]  }
0xa5: {  	v49 =	vadd.s32 v9, v32;
	v35 =	vld [tilespmem:s0+$0xFFFFFF90]  }
0xa6: {  	v50 =	vadd.s32 v10, v32;
	v38 =	vld [tilespmem:s0+$0xFFFFFFC0]  }
0xa7: {  	v51 =	vadd.s32 v11, v32;
	v40 =	vld [tilespmem:s0+$0xFFFFFFD0]  }
0xa8: {  	v52 =	vadd.s32 v12, v32;
	v42 =	vld [tilespmem:s0+$0xFFFFFFE0]  }
0xa9: {  	v53 =	vadd.s32 v13, v32;
	v44 =	vld [tilespmem:s0+$0xFFFFFFF0];
	[tilespmem:v48+s24+$0x0] =	vst.idx.msk $0xffff, v36  }
0xaa: {  	v54 =	vadd.s32 v14, v32;
	[tilespmem:v49+s24+$0x0] =	vst.idx.msk $0xffff, v35  }
0xab: {  	v55 =	vadd.s32 v15, v32;
	[tilespmem:v50+s24+$0x0] =	vst.idx.msk $0xffff, v34  }
0xac: {  	[tilespmem:v51+s24+$0x0] =	vst.idx.msk $0xffff, v33  }
0xad: {  	[tilespmem:v52+s24+$0x0] =	vst.idx.msk $0xffff, v38  }
0xae: {  	[tilespmem:v53+s24+$0x0] =	vst.idx.msk $0xffff, v40  }
0xaf: {  	[tilespmem:v54+s24+$0x0] =	vst.idx.msk $0xffff, v42  }
0xb0: {  	[tilespmem:v55+s24+$0x0] =	vst.idx.msk $0xffff, v44  }
0xb1: {  	v33 =	vld [tilespmem:s0+$0x60]  }
0xb2: {  	v34 =	vld [tilespmem:s0+$0x70]  }
0xb3: {  	v56 =	vadd.s32 v16, v32;
	v36 =	vld [tilespmem:s0+$0x0]  }
0xb4: {  	v57 =	vadd.s32 v17, v32;
	v35 =	vld [tilespmem:s0+$0x10]  }
0xb5: {  	v58 =	vadd.s32 v18, v32;
	v38 =	vld [tilespmem:s0+$0x20]  }
0xb6: {  	v59 =	vadd.s32 v19, v32;
	v40 =	vld [tilespmem:s0+$0x30]  }
0xb7: {  	v60 =	vadd.s32 v20, v32;
	v42 =	vld [tilespmem:s0+$0x40]  }
0xb8: {  	v61 =	vadd.s32 v21, v32;
	v44 =	vld [tilespmem:s0+$0x50];
	[tilespmem:v56+s24+$0x0] =	vst.idx.msk $0xffff, v36  }
0xb9: {  	v62 =	vadd.s32 v22, v32;
	[tilespmem:v57+s24+$0x0] =	vst.idx.msk $0xffff, v35  }
0xba: {  	v63 =	vadd.s32 v23, v32;
	[tilespmem:v58+s24+$0x0] =	vst.idx.msk $0xffff, v38  }
0xbb: {  	[tilespmem:v59+s24+$0x0] =	vst.idx.msk $0xffff, v40  }
0xbc: {  	[tilespmem:v60+s24+$0x0] =	vst.idx.msk $0xffff, v42  }
0xbd: {  	[tilespmem:v61+s24+$0x0] =	vst.idx.msk $0xffff, v44  }
0xbe: {  	[tilespmem:v62+s24+$0x0] =	vst.idx.msk $0xffff, v33  }
0xbf: {  	[tilespmem:v63+s24+$0x0] =	vst.idx.msk $0xffff, v34  }
0xc0: {  	v35 =	vld [tilespmem:s0+$0xF0]  }
0xc1: {  	v37 =	vld [tilespmem:s0+$0x90]  }
0xc2: {  	v36 =	vld [tilespmem:s0+$0xA0]  }
0xc3: {  	v43 =	vadd.s32 v24, v32;
	v42 =	vld [tilespmem:s0+$0x80]  }
0xc4: {  	v39 =	vadd.s32 v25, v32;
	v40 =	vadd.s32 v26, v32;
	v38 =	vld [tilespmem:s0+$0xC0]  }
0xc5: {  	s1 =	simm.s32 $0x0;
	s9 =	simm.s32 $0x6500;
	v44 =	vadd.s32 v27, v32;
	v33 =	vadd.s32 v28, v32;
	v34 =	vadd.s32 $0x10, v32;
	v41 =	vld [tilespmem:s0+$0xB0]  }
.LBB2_6:
0xc6: {  	v45 =	vadd.s32 v28, v34;
	s1 =	sadd.s32 $0x4, s1;
	v46 =	vld [tilespmem:s0+$0xE0];
	s9 =	sadd.s32 $0x200, s9  }
0xc7: {  	v48 =	vadd.s32 v29, v32;
	p1 =	slt.u32 s1, $0x7C;
	v47 =	vld [tilespmem:s0+$0xD0];
	s0 =	smov.u32 s9  }
0xc8: {  	[tilespmem:v43+s24+$0x0] =	vst.idx.msk $0xffff, v42;
	v42 =	vadd.s32 v30, v32  }
0xc9: {  	[tilespmem:v39+s24+$0x0] =	vst.idx.msk $0xffff, v37;
	v37 =	vadd.s32 v31, v32;
	v32 =	vmov v34  }
0xca: {  	[tilespmem:v40+s24+$0x0] =	vst.idx.msk $0xffff, v36  }
0xcb: {  	[tilespmem:v44+s24+$0x0] =	vst.idx.msk $0xffff, v41  }
0xcc: {  	[tilespmem:v33+s24+$0x0] =	vst.idx.msk $0xffff, v38;
	v33 =	vmov v45  }
0xcd: {  	[tilespmem:v48+s24+$0x0] =	vst.idx.msk $0xffff, v47  }
0xce: {  	[tilespmem:v42+s24+$0x0] =	vst.idx.msk $0xffff, v46  }
0xcf: {  	[tilespmem:v37+s24+$0x0] =	vst.idx.msk $0xffff, v35  }
0xd0: {  	v35 =	vld [tilespmem:s9+$0xFFFFFF70]  }
0xd1: {  	v36 =	vld [tilespmem:s9+$0xFFFFFF60]  }
0xd2: {  	v37 =	vld [tilespmem:s9+$0xFFFFFF50]  }
0xd3: {  	v39 =	vadd.s32 v0, v34;
	v38 =	vld [tilespmem:s9+$0xFFFFFF00]  }
0xd4: {  	v41 =	vadd.s32 v1, v34;
	v40 =	vld [tilespmem:s9+$0xFFFFFF10]  }
0xd5: {  	v43 =	vadd.s32 v2, v34;
	v42 =	vld [tilespmem:s9+$0xFFFFFF20]  }
0xd6: {  	v45 =	vadd.s32 v3, v34;
	v44 =	vld [tilespmem:s9+$0xFFFFFF30]  }
0xd7: {  	v47 =	vadd.s32 v4, v34;
	v46 =	vld [tilespmem:s9+$0xFFFFFF40]  }
0xd8: {  	[tilespmem:v39+s24+$0x0] =	vst.idx.msk $0xffff, v38;
	v38 =	vadd.s32 v5, v34  }
0xd9: {  	v39 =	vadd.s32 v6, v34;
	[tilespmem:v41+s24+$0x0] =	vst.idx.msk $0xffff, v40  }
0xda: {  	v40 =	vadd.s32 v7, v34;
	[tilespmem:v43+s24+$0x0] =	vst.idx.msk $0xffff, v42  }
0xdb: {  	[tilespmem:v45+s24+$0x0] =	vst.idx.msk $0xffff, v44  }
0xdc: {  	[tilespmem:v47+s24+$0x0] =	vst.idx.msk $0xffff, v46  }
0xdd: {  	[tilespmem:v38+s24+$0x0] =	vst.idx.msk $0xffff, v37  }
0xde: {  	[tilespmem:v39+s24+$0x0] =	vst.idx.msk $0xffff, v36  }
0xdf: {  	[tilespmem:v40+s24+$0x0] =	vst.idx.msk $0xffff, v35  }
0xe0: {  	v35 =	vld [tilespmem:s9+$0xFFFFFFB0]  }
0xe1: {  	v36 =	vld [tilespmem:s9+$0xFFFFFFA0]  }
0xe2: {  	v37 =	vld [tilespmem:s9+$0xFFFFFF90]  }
0xe3: {  	v39 =	vadd.s32 v8, v34;
	v38 =	vld [tilespmem:s9+$0xFFFFFF80]  }
0xe4: {  	v41 =	vadd.s32 v9, v34;
	v40 =	vld [tilespmem:s9+$0xFFFFFFC0]  }
0xe5: {  	v43 =	vadd.s32 v10, v34;
	v42 =	vld [tilespmem:s9+$0xFFFFFFD0]  }
0xe6: {  	v45 =	vadd.s32 v11, v34;
	v44 =	vld [tilespmem:s9+$0xFFFFFFE0]  }
0xe7: {  	v47 =	vadd.s32 v12, v34;
	v46 =	vld [tilespmem:s9+$0xFFFFFFF0]  }
0xe8: {  	[tilespmem:v39+s24+$0x0] =	vst.idx.msk $0xffff, v38;
	v38 =	vadd.s32 v13, v34  }
0xe9: {  	[tilespmem:v41+s24+$0x0] =	vst.idx.msk $0xffff, v37;
	v37 =	vadd.s32 v14, v34  }
0xea: {  	[tilespmem:v43+s24+$0x0] =	vst.idx.msk $0xffff, v36;
	v36 =	vadd.s32 v15, v34  }
0xeb: {  	[tilespmem:v45+s24+$0x0] =	vst.idx.msk $0xffff, v35  }
0xec: {  	[tilespmem:v47+s24+$0x0] =	vst.idx.msk $0xffff, v40  }
0xed: {  	[tilespmem:v38+s24+$0x0] =	vst.idx.msk $0xffff, v42  }
0xee: {  	[tilespmem:v37+s24+$0x0] =	vst.idx.msk $0xffff, v44  }
0xef: {  	[tilespmem:v36+s24+$0x0] =	vst.idx.msk $0xffff, v46  }
0xf0: {  	v35 =	vld [tilespmem:s9+$0x60]  }
0xf1: {  	v36 =	vld [tilespmem:s9+$0x70]  }
0xf2: {  	v37 =	vld [tilespmem:s9+$0x10]  }
0xf3: {  	v39 =	vadd.s32 v16, v34;
	v38 =	vld [tilespmem:s9+$0x0]  }
0xf4: {  	v41 =	vadd.s32 v17, v34;
	v40 =	vld [tilespmem:s9+$0x20]  }
0xf5: {  	v43 =	vadd.s32 v18, v34;
	v42 =	vld [tilespmem:s9+$0x30]  }
0xf6: {  	v45 =	vadd.s32 v19, v34;
	v44 =	vld [tilespmem:s9+$0x40]  }
0xf7: {  	v47 =	vadd.s32 v20, v34;
	v46 =	vld [tilespmem:s9+$0x50]  }
0xf8: {  	[tilespmem:v39+s24+$0x0] =	vst.idx.msk $0xffff, v38;
	v38 =	vadd.s32 v21, v34  }
0xf9: {  	[tilespmem:v41+s24+$0x0] =	vst.idx.msk $0xffff, v37;
	v37 =	vadd.s32 v22, v34  }
0xfa: {  	v39 =	vadd.s32 v23, v34;
	[tilespmem:v43+s24+$0x0] =	vst.idx.msk $0xffff, v40  }
0xfb: {  	[tilespmem:v45+s24+$0x0] =	vst.idx.msk $0xffff, v42  }
0xfc: {  	[tilespmem:v47+s24+$0x0] =	vst.idx.msk $0xffff, v44  }
0xfd: {  	[tilespmem:v38+s24+$0x0] =	vst.idx.msk $0xffff, v46  }
0xfe: {  	[tilespmem:v37+s24+$0x0] =	vst.idx.msk $0xffff, v35  }
0xff: {  	[tilespmem:v39+s24+$0x0] =	vst.idx.msk $0xffff, v36  }
0x100: {  	v35 =	vld [tilespmem:s9+$0xF0]  }
.Ltmp6:
0x101: {  	v37 =	vld [tilespmem:s9+$0x90];
	(pc) =	sbr.rel @p1 .LBB2_6-.Ltmp6, $4  }
0x102: {  	v43 =	vadd.s32 v24, v34;
	v36 =	vld [tilespmem:s9+$0xA0]  }
0x103: {  	v39 =	vadd.s32 v25, v34;
	v42 =	vld [tilespmem:s9+$0x80]  }
0x104: {  	v40 =	vadd.s32 v26, v34;
	v38 =	vld [tilespmem:s9+$0xC0]  }
0x105: {  	v44 =	vadd.s32 v27, v32;
	v34 =	vadd.s32 $0x10, v34;
	v41 =	vld [tilespmem:s9+$0xB0]  }
0x106: {  	_ =	sdelay $0x2  }
0x107: {  	v34 =	vld [tilespmem:s0+$0xE0]  }
0x108: {  	v45 =	vld [tilespmem:s0+$0xD0];
	v46 =	vadd.s32 v29, v32;
	[tilespmem:v43+s24+$0x0] =	vst.idx.msk $0xffff, v42  }
0x109: {  	v62 =	vadd.s32 v30, v32;
	[tilespmem:v39+s24+$0x0] =	vst.idx.msk $0xffff, v37  }
0x10a: {  	v63 =	vadd.s32 v31, v32;
	[tilespmem:v40+s24+$0x0] =	vst.idx.msk $0xffff, v36  }
0x10b: {  	[tilespmem:v44+s24+$0x0] =	vst.idx.msk $0xffff, v41  }
0x10c: {  	[tilespmem:v33+s24+$0x0] =	vst.idx.msk $0xffff, v38  }
0x10d: {  	[tilespmem:v46+s24+$0x0] =	vst.idx.msk $0xffff, v45  }
0x10e: {  	[tilespmem:v62+s24+$0x0] =	vst.idx.msk $0xffff, v34  }
0x10f: {  	[tilespmem:v63+s24+$0x0] =	vst.idx.msk $0xffff, v35  }
.LBB2_8:
.Ltmp7:
0x110: {  	(pc) =	sbr.rel @!p0 .LBB2_12-.Ltmp7, $1  }
0x111: {  	_ =	sdelay $0x3  }
0x112: {  	s0 =	simm.s32 $0x6500  }
0x113: {  	v33 =	vld [tilespmem:s0+$0xFFFFFF70]  }
0x114: {  	v32 =	vimm.s32 $0x0;
	v34 =	vld [tilespmem:s0+$0xFFFFFF60]  }
0x115: {  	v36 =	vld [tilespmem:s0+$0xFFFFFF00];
	v37 =	vadd.s32 v0, v32  }
0x116: {  	v38 =	vld [tilespmem:s0+$0xFFFFFF10];
	v39 =	vadd.s32 v1, v32  }
0x117: {  	v40 =	vld [tilespmem:s0+$0xFFFFFF20];
	v41 =	vadd.s32 v2, v32  }
0x118: {  	v42 =	vld [tilespmem:s0+$0xFFFFFF30];
	v43 =	vadd.s32 v3, v32  }
0x119: {  	v44 =	vld [tilespmem:s0+$0xFFFFFF40];
	v45 =	vadd.s32 v4, v32  }
0x11a: {  	v35 =	vld [tilespmem:s0+$0xFFFFFF50];
	v63 =	vadd.s32 v5, v32;
	[tilespmem:v37+s25+$0x0] =	vst.idx.msk $0xffff, v36  }
0x11b: {  	v46 =	vadd.s32 v6, v32;
	[tilespmem:v39+s25+$0x0] =	vst.idx.msk $0xffff, v38  }
0x11c: {  	v47 =	vadd.s32 v7, v32;
	[tilespmem:v41+s25+$0x0] =	vst.idx.msk $0xffff, v40  }
0x11d: {  	[tilespmem:v43+s25+$0x0] =	vst.idx.msk $0xffff, v42  }
0x11e: {  	[tilespmem:v45+s25+$0x0] =	vst.idx.msk $0xffff, v44  }
0x11f: {  	[tilespmem:v63+s25+$0x0] =	vst.idx.msk $0xffff, v35  }
0x120: {  	[tilespmem:v46+s25+$0x0] =	vst.idx.msk $0xffff, v34  }
0x121: {  	[tilespmem:v47+s25+$0x0] =	vst.idx.msk $0xffff, v33  }
0x122: {  	v33 =	vld [tilespmem:s0+$0xFFFFFFB0]  }
0x123: {  	v34 =	vld [tilespmem:s0+$0xFFFFFFA0]  }
0x124: {  	v48 =	vadd.s32 v8, v32;
	v36 =	vld [tilespmem:s0+$0xFFFFFF80]  }
0x125: {  	v49 =	vadd.s32 v9, v32;
	v35 =	vld [tilespmem:s0+$0xFFFFFF90]  }
0x126: {  	v50 =	vadd.s32 v10, v32;
	v38 =	vld [tilespmem:s0+$0xFFFFFFC0]  }
0x127: {  	v51 =	vadd.s32 v11, v32;
	v40 =	vld [tilespmem:s0+$0xFFFFFFD0]  }
0x128: {  	v52 =	vadd.s32 v12, v32;
	v42 =	vld [tilespmem:s0+$0xFFFFFFE0]  }
0x129: {  	v53 =	vadd.s32 v13, v32;
	v44 =	vld [tilespmem:s0+$0xFFFFFFF0];
	[tilespmem:v48+s25+$0x0] =	vst.idx.msk $0xffff, v36  }
0x12a: {  	v54 =	vadd.s32 v14, v32;
	[tilespmem:v49+s25+$0x0] =	vst.idx.msk $0xffff, v35  }
0x12b: {  	v55 =	vadd.s32 v15, v32;
	[tilespmem:v50+s25+$0x0] =	vst.idx.msk $0xffff, v34  }
0x12c: {  	[tilespmem:v51+s25+$0x0] =	vst.idx.msk $0xffff, v33  }
0x12d: {  	[tilespmem:v52+s25+$0x0] =	vst.idx.msk $0xffff, v38  }
0x12e: {  	[tilespmem:v53+s25+$0x0] =	vst.idx.msk $0xffff, v40  }
0x12f: {  	[tilespmem:v54+s25+$0x0] =	vst.idx.msk $0xffff, v42  }
0x130: {  	[tilespmem:v55+s25+$0x0] =	vst.idx.msk $0xffff, v44  }
0x131: {  	v33 =	vld [tilespmem:s0+$0x60]  }
0x132: {  	v34 =	vld [tilespmem:s0+$0x70]  }
0x133: {  	v56 =	vadd.s32 v16, v32;
	v36 =	vld [tilespmem:s0+$0x0]  }
0x134: {  	v57 =	vadd.s32 v17, v32;
	v35 =	vld [tilespmem:s0+$0x10]  }
0x135: {  	v58 =	vadd.s32 v18, v32;
	v38 =	vld [tilespmem:s0+$0x20]  }
0x136: {  	v59 =	vadd.s32 v19, v32;
	v40 =	vld [tilespmem:s0+$0x30]  }
0x137: {  	v60 =	vadd.s32 v20, v32;
	v42 =	vld [tilespmem:s0+$0x40]  }
0x138: {  	v61 =	vadd.s32 v21, v32;
	v44 =	vld [tilespmem:s0+$0x50];
	[tilespmem:v56+s25+$0x0] =	vst.idx.msk $0xffff, v36  }
0x139: {  	v62 =	vadd.s32 v22, v32;
	[tilespmem:v57+s25+$0x0] =	vst.idx.msk $0xffff, v35  }
0x13a: {  	v63 =	vadd.s32 v23, v32;
	[tilespmem:v58+s25+$0x0] =	vst.idx.msk $0xffff, v38  }
0x13b: {  	[tilespmem:v59+s25+$0x0] =	vst.idx.msk $0xffff, v40  }
0x13c: {  	[tilespmem:v60+s25+$0x0] =	vst.idx.msk $0xffff, v42  }
0x13d: {  	[tilespmem:v61+s25+$0x0] =	vst.idx.msk $0xffff, v44  }
0x13e: {  	[tilespmem:v62+s25+$0x0] =	vst.idx.msk $0xffff, v33  }
0x13f: {  	[tilespmem:v63+s25+$0x0] =	vst.idx.msk $0xffff, v34  }
0x140: {  	v35 =	vld [tilespmem:s0+$0xF0]  }
0x141: {  	v37 =	vld [tilespmem:s0+$0x90]  }
0x142: {  	v36 =	vld [tilespmem:s0+$0xA0]  }
0x143: {  	v43 =	vadd.s32 v24, v32;
	v42 =	vld [tilespmem:s0+$0x80]  }
0x144: {  	v39 =	vadd.s32 v25, v32;
	v40 =	vadd.s32 v26, v32;
	v38 =	vld [tilespmem:s0+$0xC0]  }
0x145: {  	s1 =	simm.s32 $0x0;
	s9 =	simm.s32 $0x6500;
	v44 =	vadd.s32 v27, v32;
	v33 =	vadd.s32 v28, v32;
	v34 =	vadd.s32 $0x10, v32;
	v41 =	vld [tilespmem:s0+$0xB0]  }
.LBB2_10:
0x146: {  	v45 =	vadd.s32 v28, v34;
	s1 =	sadd.s32 $0x4, s1;
	v46 =	vld [tilespmem:s0+$0xE0];
	s9 =	sadd.s32 $0x200, s9  }
0x147: {  	v48 =	vadd.s32 v29, v32;
	p1 =	slt.u32 s1, $0x7C;
	v47 =	vld [tilespmem:s0+$0xD0];
	s0 =	smov.u32 s9  }
0x148: {  	[tilespmem:v43+s25+$0x0] =	vst.idx.msk $0xffff, v42;
	v42 =	vadd.s32 v30, v32  }
0x149: {  	[tilespmem:v39+s25+$0x0] =	vst.idx.msk $0xffff, v37;
	v37 =	vadd.s32 v31, v32;
	v32 =	vmov v34  }
0x14a: {  	[tilespmem:v40+s25+$0x0] =	vst.idx.msk $0xffff, v36  }
0x14b: {  	[tilespmem:v44+s25+$0x0] =	vst.idx.msk $0xffff, v41  }
0x14c: {  	[tilespmem:v33+s25+$0x0] =	vst.idx.msk $0xffff, v38;
	v33 =	vmov v45  }
0x14d: {  	[tilespmem:v48+s25+$0x0] =	vst.idx.msk $0xffff, v47  }
0x14e: {  	[tilespmem:v42+s25+$0x0] =	vst.idx.msk $0xffff, v46  }
0x14f: {  	[tilespmem:v37+s25+$0x0] =	vst.idx.msk $0xffff, v35  }
0x150: {  	v35 =	vld [tilespmem:s9+$0xFFFFFF70]  }
0x151: {  	v36 =	vld [tilespmem:s9+$0xFFFFFF60]  }
0x152: {  	v37 =	vld [tilespmem:s9+$0xFFFFFF50]  }
0x153: {  	v39 =	vadd.s32 v0, v34;
	v38 =	vld [tilespmem:s9+$0xFFFFFF00]  }
0x154: {  	v41 =	vadd.s32 v1, v34;
	v40 =	vld [tilespmem:s9+$0xFFFFFF10]  }
0x155: {  	v43 =	vadd.s32 v2, v34;
	v42 =	vld [tilespmem:s9+$0xFFFFFF20]  }
0x156: {  	v45 =	vadd.s32 v3, v34;
	v44 =	vld [tilespmem:s9+$0xFFFFFF30]  }
0x157: {  	v47 =	vadd.s32 v4, v34;
	v46 =	vld [tilespmem:s9+$0xFFFFFF40]  }
0x158: {  	[tilespmem:v39+s25+$0x0] =	vst.idx.msk $0xffff, v38;
	v38 =	vadd.s32 v5, v34  }
0x159: {  	v39 =	vadd.s32 v6, v34;
	[tilespmem:v41+s25+$0x0] =	vst.idx.msk $0xffff, v40  }
0x15a: {  	v40 =	vadd.s32 v7, v34;
	[tilespmem:v43+s25+$0x0] =	vst.idx.msk $0xffff, v42  }
0x15b: {  	[tilespmem:v45+s25+$0x0] =	vst.idx.msk $0xffff, v44  }
0x15c: {  	[tilespmem:v47+s25+$0x0] =	vst.idx.msk $0xffff, v46  }
0x15d: {  	[tilespmem:v38+s25+$0x0] =	vst.idx.msk $0xffff, v37  }
0x15e: {  	[tilespmem:v39+s25+$0x0] =	vst.idx.msk $0xffff, v36  }
0x15f: {  	[tilespmem:v40+s25+$0x0] =	vst.idx.msk $0xffff, v35  }
0x160: {  	v35 =	vld [tilespmem:s9+$0xFFFFFFB0]  }
0x161: {  	v36 =	vld [tilespmem:s9+$0xFFFFFFA0]  }
0x162: {  	v37 =	vld [tilespmem:s9+$0xFFFFFF90]  }
0x163: {  	v39 =	vadd.s32 v8, v34;
	v38 =	vld [tilespmem:s9+$0xFFFFFF80]  }
0x164: {  	v41 =	vadd.s32 v9, v34;
	v40 =	vld [tilespmem:s9+$0xFFFFFFC0]  }
0x165: {  	v43 =	vadd.s32 v10, v34;
	v42 =	vld [tilespmem:s9+$0xFFFFFFD0]  }
0x166: {  	v45 =	vadd.s32 v11, v34;
	v44 =	vld [tilespmem:s9+$0xFFFFFFE0]  }
0x167: {  	v47 =	vadd.s32 v12, v34;
	v46 =	vld [tilespmem:s9+$0xFFFFFFF0]  }
0x168: {  	[tilespmem:v39+s25+$0x0] =	vst.idx.msk $0xffff, v38;
	v38 =	vadd.s32 v13, v34  }
0x169: {  	[tilespmem:v41+s25+$0x0] =	vst.idx.msk $0xffff, v37;
	v37 =	vadd.s32 v14, v34  }
0x16a: {  	[tilespmem:v43+s25+$0x0] =	vst.idx.msk $0xffff, v36;
	v36 =	vadd.s32 v15, v34  }
0x16b: {  	[tilespmem:v45+s25+$0x0] =	vst.idx.msk $0xffff, v35  }
0x16c: {  	[tilespmem:v47+s25+$0x0] =	vst.idx.msk $0xffff, v40  }
0x16d: {  	[tilespmem:v38+s25+$0x0] =	vst.idx.msk $0xffff, v42  }
0x16e: {  	[tilespmem:v37+s25+$0x0] =	vst.idx.msk $0xffff, v44  }
0x16f: {  	[tilespmem:v36+s25+$0x0] =	vst.idx.msk $0xffff, v46  }
0x170: {  	v35 =	vld [tilespmem:s9+$0x60]  }
0x171: {  	v36 =	vld [tilespmem:s9+$0x70]  }
0x172: {  	v37 =	vld [tilespmem:s9+$0x10]  }
0x173: {  	v39 =	vadd.s32 v16, v34;
	v38 =	vld [tilespmem:s9+$0x0]  }
0x174: {  	v41 =	vadd.s32 v17, v34;
	v40 =	vld [tilespmem:s9+$0x20]  }
0x175: {  	v43 =	vadd.s32 v18, v34;
	v42 =	vld [tilespmem:s9+$0x30]  }
0x176: {  	v45 =	vadd.s32 v19, v34;
	v44 =	vld [tilespmem:s9+$0x40]  }
0x177: {  	v47 =	vadd.s32 v20, v34;
	v46 =	vld [tilespmem:s9+$0x50]  }
0x178: {  	[tilespmem:v39+s25+$0x0] =	vst.idx.msk $0xffff, v38;
	v38 =	vadd.s32 v21, v34  }
0x179: {  	[tilespmem:v41+s25+$0x0] =	vst.idx.msk $0xffff, v37;
	v37 =	vadd.s32 v22, v34  }
0x17a: {  	v39 =	vadd.s32 v23, v34;
	[tilespmem:v43+s25+$0x0] =	vst.idx.msk $0xffff, v40  }
0x17b: {  	[tilespmem:v45+s25+$0x0] =	vst.idx.msk $0xffff, v42  }
0x17c: {  	[tilespmem:v47+s25+$0x0] =	vst.idx.msk $0xffff, v44  }
0x17d: {  	[tilespmem:v38+s25+$0x0] =	vst.idx.msk $0xffff, v46  }
0x17e: {  	[tilespmem:v37+s25+$0x0] =	vst.idx.msk $0xffff, v35  }
0x17f: {  	[tilespmem:v39+s25+$0x0] =	vst.idx.msk $0xffff, v36  }
0x180: {  	v35 =	vld [tilespmem:s9+$0xF0]  }
.Ltmp8:
0x181: {  	v37 =	vld [tilespmem:s9+$0x90];
	(pc) =	sbr.rel @p1 .LBB2_10-.Ltmp8, $4  }
0x182: {  	v43 =	vadd.s32 v24, v34;
	v36 =	vld [tilespmem:s9+$0xA0]  }
0x183: {  	v39 =	vadd.s32 v25, v34;
	v42 =	vld [tilespmem:s9+$0x80]  }
0x184: {  	v40 =	vadd.s32 v26, v34;
	v38 =	vld [tilespmem:s9+$0xC0]  }
0x185: {  	v44 =	vadd.s32 v27, v32;
	v34 =	vadd.s32 $0x10, v34;
	v41 =	vld [tilespmem:s9+$0xB0]  }
0x186: {  	_ =	sdelay $0x2  }
0x187: {  	v34 =	vld [tilespmem:s0+$0xE0]  }
0x188: {  	v45 =	vld [tilespmem:s0+$0xD0];
	v46 =	vadd.s32 v29, v32;
	[tilespmem:v43+s25+$0x0] =	vst.idx.msk $0xffff, v42  }
0x189: {  	v62 =	vadd.s32 v30, v32;
	[tilespmem:v39+s25+$0x0] =	vst.idx.msk $0xffff, v37  }
0x18a: {  	v63 =	vadd.s32 v31, v32;
	[tilespmem:v40+s25+$0x0] =	vst.idx.msk $0xffff, v36  }
0x18b: {  	[tilespmem:v44+s25+$0x0] =	vst.idx.msk $0xffff, v41  }
0x18c: {  	[tilespmem:v33+s25+$0x0] =	vst.idx.msk $0xffff, v38  }
0x18d: {  	[tilespmem:v46+s25+$0x0] =	vst.idx.msk $0xffff, v45  }
0x18e: {  	[tilespmem:v62+s25+$0x0] =	vst.idx.msk $0xffff, v34  }
0x18f: {  	[tilespmem:v63+s25+$0x0] =	vst.idx.msk $0xffff, v35  }
.LBB2_12:
0x190: {  	s0 =	sadd.s32 $0x1, s30;
	p1 =	seq.s32 s30, $0x18  }
0x191: {  	s1 =	sshll.u32 @!p1 s0, $0xA  }
0x192: {  	s9 =	simm.s32 @!p1 $0x80;
	s10 =	simm.s32 @!p1 $0x6400;
	s1 =	sand.u32 @!p1 $0x3FFFFC00, s1  }
0x193: {  	[tilespmem:s10], [sflag:$0x1] =	stream.indirect.gather @!p1 [hbm4b:s3+s9], $0x20, s1, s9, $0xb8;
	[tilespmem:$0x1E600] =	vst v63  }
0x194: {  	s11 =	simm.s32 @!p1 $0x7400;
	s10 =	sor.u32 @!p1 $0x80, s1  }
0x195: {  	[tilespmem:s11], [sflag:$0x1] =	stream.indirect.gather @!p1 [hbm4b:s3+s9], $0x20, s10, s9, $0xb8;
	[tilespmem:$0x1E600] =	vst v63  }
0x196: {  	s10 =	sor.u32 @!p1 $0x100, s1;
	s11 =	simm.s32 @!p1 $0x8400  }
0x197: {  	[tilespmem:s11], [sflag:$0x1] =	stream.indirect.gather @!p1 [hbm4b:s3+s9], $0x20, s10, s9, $0xb8;
	[tilespmem:$0x1E600] =	vst v63  }
0x198: {  	s10 =	sor.u32 @!p1 $0x180, s1;
	s11 =	simm.s32 @!p1 $0x9400  }
0x199: {  	[tilespmem:s11], [sflag:$0x1] =	stream.indirect.gather @!p1 [hbm4b:s3+s9], $0x20, s10, s9, $0xb8;
	[tilespmem:$0x1E600] =	vst v63  }
0x19a: {  	_ =	swait.ge [sflag:s26], $0x1000  }
0x19b: {  	[sflag:s26] =	ssyncset.done $0x0  }
0x19c: {  	[sflag:s26] =	ssyncadd.s32 $0xFFFFF000  }
0x19d: {  	_ =	swait.ge [sflag:s26], $0x1000  }
0x19e: {  	[sflag:s26] =	ssyncset.done $0x0  }
0x19f: {  	[sflag:s26] =	ssyncadd.s32 $0xFFFFF000  }
0x1a0: {  	_ =	swait.ge [sflag:s26], $0x1000  }
.Ltmp9:
0x1a1: {  	[sflag:s26] =	ssyncset.done $0x0;
	(pc) =	sbr.rel @p2 .LBB2_16-.Ltmp9, $4  }
0x1a2: {  	[sflag:s26] =	ssyncadd.s32 $0xFFFFF000  }
0x1a3: {  	_ =	swait.ge [sflag:s26], $0x1000  }
0x1a4: {  	[sflag:s26] =	ssyncset.done $0x0  }
0x1a5: {  	[sflag:s26] =	ssyncadd.s32 $0xFFFFF000  }
0x1a6: {  	s9 =	simm.s32 $0xA400  }
0x1a7: {  	v33 =	vld [tilespmem:s9+$0x70]  }
0x1a8: {  	v32 =	vimm.s32 $0x200;
	v34 =	vld [tilespmem:s9+$0x60]  }
0x1a9: {  	v36 =	vld [tilespmem:s9+$0x0];
	v37 =	vadd.s32 v0, v32  }
0x1aa: {  	v38 =	vld [tilespmem:s9+$0x10];
	v39 =	vadd.s32 v1, v32  }
0x1ab: {  	v40 =	vld [tilespmem:s9+$0x20];
	v41 =	vadd.s32 v2, v32  }
0x1ac: {  	v42 =	vld [tilespmem:s9+$0x30];
	v43 =	vadd.s32 v3, v32  }
0x1ad: {  	v44 =	vld [tilespmem:s9+$0x40];
	v45 =	vadd.s32 v4, v32  }
0x1ae: {  	v35 =	vld [tilespmem:s9+$0x50];
	v63 =	vadd.s32 v5, v32;
	[tilespmem:v37+s24+$0x0] =	vst.idx.msk $0xffff, v36  }
0x1af: {  	v46 =	vadd.s32 v6, v32;
	[tilespmem:v39+s24+$0x0] =	vst.idx.msk $0xffff, v38  }
0x1b0: {  	v47 =	vadd.s32 v7, v32;
	[tilespmem:v41+s24+$0x0] =	vst.idx.msk $0xffff, v40  }
0x1b1: {  	[tilespmem:v43+s24+$0x0] =	vst.idx.msk $0xffff, v42  }
0x1b2: {  	[tilespmem:v45+s24+$0x0] =	vst.idx.msk $0xffff, v44  }
0x1b3: {  	[tilespmem:v63+s24+$0x0] =	vst.idx.msk $0xffff, v35  }
0x1b4: {  	[tilespmem:v46+s24+$0x0] =	vst.idx.msk $0xffff, v34  }
0x1b5: {  	[tilespmem:v47+s24+$0x0] =	vst.idx.msk $0xffff, v33  }
0x1b6: {  	v33 =	vld [tilespmem:s9+$0xB0]  }
0x1b7: {  	v34 =	vld [tilespmem:s9+$0xA0]  }
0x1b8: {  	v48 =	vadd.s32 v8, v32;
	v36 =	vld [tilespmem:s9+$0x80]  }
0x1b9: {  	v49 =	vadd.s32 v9, v32;
	v35 =	vld [tilespmem:s9+$0x90]  }
0x1ba: {  	v50 =	vadd.s32 v10, v32;
	v38 =	vld [tilespmem:s9+$0xC0]  }
0x1bb: {  	v51 =	vadd.s32 v11, v32;
	v40 =	vld [tilespmem:s9+$0xD0]  }
0x1bc: {  	v52 =	vadd.s32 v12, v32;
	v42 =	vld [tilespmem:s9+$0xE0]  }
0x1bd: {  	v53 =	vadd.s32 v13, v32;
	v44 =	vld [tilespmem:s9+$0xF0];
	[tilespmem:v48+s24+$0x0] =	vst.idx.msk $0xffff, v36  }
0x1be: {  	v54 =	vadd.s32 v14, v32;
	[tilespmem:v49+s24+$0x0] =	vst.idx.msk $0xffff, v35  }
0x1bf: {  	v55 =	vadd.s32 v15, v32;
	[tilespmem:v50+s24+$0x0] =	vst.idx.msk $0xffff, v34  }
0x1c0: {  	[tilespmem:v51+s24+$0x0] =	vst.idx.msk $0xffff, v33  }
0x1c1: {  	[tilespmem:v52+s24+$0x0] =	vst.idx.msk $0xffff, v38  }
0x1c2: {  	[tilespmem:v53+s24+$0x0] =	vst.idx.msk $0xffff, v40  }
0x1c3: {  	[tilespmem:v54+s24+$0x0] =	vst.idx.msk $0xffff, v42  }
0x1c4: {  	[tilespmem:v55+s24+$0x0] =	vst.idx.msk $0xffff, v44  }
0x1c5: {  	v33 =	vld [tilespmem:s9+$0x160]  }
0x1c6: {  	v34 =	vld [tilespmem:s9+$0x170]  }
0x1c7: {  	v56 =	vadd.s32 v16, v32;
	v36 =	vld [tilespmem:s9+$0x100]  }
0x1c8: {  	v57 =	vadd.s32 v17, v32;
	v35 =	vld [tilespmem:s9+$0x110]  }
0x1c9: {  	v58 =	vadd.s32 v18, v32;
	v38 =	vld [tilespmem:s9+$0x120]  }
0x1ca: {  	v59 =	vadd.s32 v19, v32;
	v40 =	vld [tilespmem:s9+$0x130]  }
0x1cb: {  	v60 =	vadd.s32 v20, v32;
	v42 =	vld [tilespmem:s9+$0x140]  }
0x1cc: {  	v61 =	vadd.s32 v21, v32;
	v44 =	vld [tilespmem:s9+$0x150];
	[tilespmem:v56+s24+$0x0] =	vst.idx.msk $0xffff, v36  }
0x1cd: {  	v62 =	vadd.s32 v22, v32;
	[tilespmem:v57+s24+$0x0] =	vst.idx.msk $0xffff, v35  }
0x1ce: {  	v63 =	vadd.s32 v23, v32;
	[tilespmem:v58+s24+$0x0] =	vst.idx.msk $0xffff, v38  }
0x1cf: {  	[tilespmem:v59+s24+$0x0] =	vst.idx.msk $0xffff, v40  }
0x1d0: {  	[tilespmem:v60+s24+$0x0] =	vst.idx.msk $0xffff, v42  }
0x1d1: {  	[tilespmem:v61+s24+$0x0] =	vst.idx.msk $0xffff, v44  }
0x1d2: {  	[tilespmem:v62+s24+$0x0] =	vst.idx.msk $0xffff, v33  }
0x1d3: {  	[tilespmem:v63+s24+$0x0] =	vst.idx.msk $0xffff, v34  }
0x1d4: {  	v35 =	vld [tilespmem:s9+$0x1F0]  }
0x1d5: {  	v37 =	vld [tilespmem:s9+$0x190]  }
0x1d6: {  	v36 =	vld [tilespmem:s9+$0x1A0]  }
0x1d7: {  	v43 =	vadd.s32 v24, v32;
	v42 =	vld [tilespmem:s9+$0x180]  }
0x1d8: {  	v39 =	vadd.s32 v25, v32;
	v40 =	vadd.s32 v26, v32;
	v38 =	vld [tilespmem:s9+$0x1C0]  }
0x1d9: {  	s10 =	simm.s32 $0x0;
	s11 =	simm.s32 $0xA400;
	v44 =	vadd.s32 v27, v32;
	v33 =	vadd.s32 v28, v32;
	v34 =	vadd.s32 $0x10, v32;
	v41 =	vld [tilespmem:s9+$0x1B0]  }
.LBB2_14:
0x1da: {  	v45 =	vadd.s32 v28, v34;
	s10 =	sadd.s32 $0x4, s10;
	v46 =	vld [tilespmem:s9+$0x1E0];
	s11 =	sadd.s32 $0x200, s11  }
0x1db: {  	v48 =	vadd.s32 v29, v32;
	p2 =	slt.u32 s10, $0x7C;
	v47 =	vld [tilespmem:s9+$0x1D0];
	s9 =	smov.u32 s11  }
0x1dc: {  	[tilespmem:v43+s24+$0x0] =	vst.idx.msk $0xffff, v42;
	v42 =	vadd.s32 v30, v32  }
0x1dd: {  	[tilespmem:v39+s24+$0x0] =	vst.idx.msk $0xffff, v37;
	v37 =	vadd.s32 v31, v32;
	v32 =	vmov v34  }
0x1de: {  	[tilespmem:v40+s24+$0x0] =	vst.idx.msk $0xffff, v36  }
0x1df: {  	[tilespmem:v44+s24+$0x0] =	vst.idx.msk $0xffff, v41  }
0x1e0: {  	[tilespmem:v33+s24+$0x0] =	vst.idx.msk $0xffff, v38;
	v33 =	vmov v45  }
0x1e1: {  	[tilespmem:v48+s24+$0x0] =	vst.idx.msk $0xffff, v47  }
0x1e2: {  	[tilespmem:v42+s24+$0x0] =	vst.idx.msk $0xffff, v46  }
0x1e3: {  	[tilespmem:v37+s24+$0x0] =	vst.idx.msk $0xffff, v35  }
0x1e4: {  	v35 =	vld [tilespmem:s11+$0x70]  }
0x1e5: {  	v36 =	vld [tilespmem:s11+$0x60]  }
0x1e6: {  	v37 =	vld [tilespmem:s11+$0x50]  }
0x1e7: {  	v39 =	vadd.s32 v0, v34;
	v38 =	vld [tilespmem:s11+$0x0]  }
0x1e8: {  	v41 =	vadd.s32 v1, v34;
	v40 =	vld [tilespmem:s11+$0x10]  }
0x1e9: {  	v43 =	vadd.s32 v2, v34;
	v42 =	vld [tilespmem:s11+$0x20]  }
0x1ea: {  	v45 =	vadd.s32 v3, v34;
	v44 =	vld [tilespmem:s11+$0x30]  }
0x1eb: {  	v47 =	vadd.s32 v4, v34;
	v46 =	vld [tilespmem:s11+$0x40]  }
0x1ec: {  	[tilespmem:v39+s24+$0x0] =	vst.idx.msk $0xffff, v38;
	v38 =	vadd.s32 v5, v34  }
0x1ed: {  	v39 =	vadd.s32 v6, v34;
	[tilespmem:v41+s24+$0x0] =	vst.idx.msk $0xffff, v40  }
0x1ee: {  	v40 =	vadd.s32 v7, v34;
	[tilespmem:v43+s24+$0x0] =	vst.idx.msk $0xffff, v42  }
0x1ef: {  	[tilespmem:v45+s24+$0x0] =	vst.idx.msk $0xffff, v44  }
0x1f0: {  	[tilespmem:v47+s24+$0x0] =	vst.idx.msk $0xffff, v46  }
0x1f1: {  	[tilespmem:v38+s24+$0x0] =	vst.idx.msk $0xffff, v37  }
0x1f2: {  	[tilespmem:v39+s24+$0x0] =	vst.idx.msk $0xffff, v36  }
0x1f3: {  	[tilespmem:v40+s24+$0x0] =	vst.idx.msk $0xffff, v35  }
0x1f4: {  	v35 =	vld [tilespmem:s11+$0xB0]  }
0x1f5: {  	v36 =	vld [tilespmem:s11+$0xA0]  }
0x1f6: {  	v37 =	vld [tilespmem:s11+$0x90]  }
0x1f7: {  	v39 =	vadd.s32 v8, v34;
	v38 =	vld [tilespmem:s11+$0x80]  }
0x1f8: {  	v41 =	vadd.s32 v9, v34;
	v40 =	vld [tilespmem:s11+$0xC0]  }
0x1f9: {  	v43 =	vadd.s32 v10, v34;
	v42 =	vld [tilespmem:s11+$0xD0]  }
0x1fa: {  	v45 =	vadd.s32 v11, v34;
	v44 =	vld [tilespmem:s11+$0xE0]  }
0x1fb: {  	v47 =	vadd.s32 v12, v34;
	v46 =	vld [tilespmem:s11+$0xF0]  }
0x1fc: {  	[tilespmem:v39+s24+$0x0] =	vst.idx.msk $0xffff, v38;
	v38 =	vadd.s32 v13, v34  }
0x1fd: {  	[tilespmem:v41+s24+$0x0] =	vst.idx.msk $0xffff, v37;
	v37 =	vadd.s32 v14, v34  }
0x1fe: {  	[tilespmem:v43+s24+$0x0] =	vst.idx.msk $0xffff, v36;
	v36 =	vadd.s32 v15, v34  }
0x1ff: {  	[tilespmem:v45+s24+$0x0] =	vst.idx.msk $0xffff, v35  }
0x200: {  	[tilespmem:v47+s24+$0x0] =	vst.idx.msk $0xffff, v40  }
0x201: {  	[tilespmem:v38+s24+$0x0] =	vst.idx.msk $0xffff, v42  }
0x202: {  	[tilespmem:v37+s24+$0x0] =	vst.idx.msk $0xffff, v44  }
0x203: {  	[tilespmem:v36+s24+$0x0] =	vst.idx.msk $0xffff, v46  }
0x204: {  	v35 =	vld [tilespmem:s11+$0x160]  }
0x205: {  	v36 =	vld [tilespmem:s11+$0x170]  }
0x206: {  	v37 =	vld [tilespmem:s11+$0x110]  }
0x207: {  	v39 =	vadd.s32 v16, v34;
	v38 =	vld [tilespmem:s11+$0x100]  }
0x208: {  	v41 =	vadd.s32 v17, v34;
	v40 =	vld [tilespmem:s11+$0x120]  }
0x209: {  	v43 =	vadd.s32 v18, v34;
	v42 =	vld [tilespmem:s11+$0x130]  }
0x20a: {  	v45 =	vadd.s32 v19, v34;
	v44 =	vld [tilespmem:s11+$0x140]  }
0x20b: {  	v47 =	vadd.s32 v20, v34;
	v46 =	vld [tilespmem:s11+$0x150]  }
0x20c: {  	[tilespmem:v39+s24+$0x0] =	vst.idx.msk $0xffff, v38;
	v38 =	vadd.s32 v21, v34  }
0x20d: {  	[tilespmem:v41+s24+$0x0] =	vst.idx.msk $0xffff, v37;
	v37 =	vadd.s32 v22, v34  }
0x20e: {  	v39 =	vadd.s32 v23, v34;
	[tilespmem:v43+s24+$0x0] =	vst.idx.msk $0xffff, v40  }
0x20f: {  	[tilespmem:v45+s24+$0x0] =	vst.idx.msk $0xffff, v42  }
0x210: {  	[tilespmem:v47+s24+$0x0] =	vst.idx.msk $0xffff, v44  }
0x211: {  	[tilespmem:v38+s24+$0x0] =	vst.idx.msk $0xffff, v46  }
0x212: {  	[tilespmem:v37+s24+$0x0] =	vst.idx.msk $0xffff, v35  }
0x213: {  	[tilespmem:v39+s24+$0x0] =	vst.idx.msk $0xffff, v36  }
0x214: {  	v35 =	vld [tilespmem:s11+$0x1F0]  }
.Ltmp10:
0x215: {  	v37 =	vld [tilespmem:s11+$0x190];
	(pc) =	sbr.rel @p2 .LBB2_14-.Ltmp10, $4  }
0x216: {  	v43 =	vadd.s32 v24, v34;
	v36 =	vld [tilespmem:s11+$0x1A0]  }
0x217: {  	v39 =	vadd.s32 v25, v34;
	v42 =	vld [tilespmem:s11+$0x180]  }
0x218: {  	v40 =	vadd.s32 v26, v34;
	v38 =	vld [tilespmem:s11+$0x1C0]  }
0x219: {  	v44 =	vadd.s32 v27, v32;
	v34 =	vadd.s32 $0x10, v34;
	v41 =	vld [tilespmem:s11+$0x1B0]  }
0x21a: {  	_ =	sdelay $0x2  }
0x21b: {  	v34 =	vld [tilespmem:s9+$0x1E0]  }
0x21c: {  	v45 =	vld [tilespmem:s9+$0x1D0];
	v46 =	vadd.s32 v29, v32;
	[tilespmem:v43+s24+$0x0] =	vst.idx.msk $0xffff, v42  }
0x21d: {  	v62 =	vadd.s32 v30, v32;
	[tilespmem:v39+s24+$0x0] =	vst.idx.msk $0xffff, v37  }
0x21e: {  	v63 =	vadd.s32 v31, v32;
	[tilespmem:v40+s24+$0x0] =	vst.idx.msk $0xffff, v36  }
0x21f: {  	[tilespmem:v44+s24+$0x0] =	vst.idx.msk $0xffff, v41  }
0x220: {  	[tilespmem:v33+s24+$0x0] =	vst.idx.msk $0xffff, v38  }
0x221: {  	[tilespmem:v46+s24+$0x0] =	vst.idx.msk $0xffff, v45  }
0x222: {  	[tilespmem:v62+s24+$0x0] =	vst.idx.msk $0xffff, v34  }
0x223: {  	[tilespmem:v63+s24+$0x0] =	vst.idx.msk $0xffff, v35  }
.LBB2_16:
.Ltmp11:
0x224: {  	(pc) =	sbr.rel @!p0 .LBB2_20-.Ltmp11, $1  }
0x225: {  	_ =	sdelay $0x3  }
0x226: {  	s9 =	simm.s32 $0xA400  }
0x227: {  	v33 =	vld [tilespmem:s9+$0x70]  }
0x228: {  	v32 =	vimm.s32 $0x200;
	v34 =	vld [tilespmem:s9+$0x60]  }
0x229: {  	v36 =	vld [tilespmem:s9+$0x0];
	v37 =	vadd.s32 v0, v32  }
0x22a: {  	v38 =	vld [tilespmem:s9+$0x10];
	v39 =	vadd.s32 v1, v32  }
0x22b: {  	v40 =	vld [tilespmem:s9+$0x20];
	v41 =	vadd.s32 v2, v32  }
0x22c: {  	v42 =	vld [tilespmem:s9+$0x30];
	v43 =	vadd.s32 v3, v32  }
0x22d: {  	v44 =	vld [tilespmem:s9+$0x40];
	v45 =	vadd.s32 v4, v32  }
0x22e: {  	v35 =	vld [tilespmem:s9+$0x50];
	v63 =	vadd.s32 v5, v32;
	[tilespmem:v37+s25+$0x0] =	vst.idx.msk $0xffff, v36  }
0x22f: {  	v46 =	vadd.s32 v6, v32;
	[tilespmem:v39+s25+$0x0] =	vst.idx.msk $0xffff, v38  }
0x230: {  	v47 =	vadd.s32 v7, v32;
	[tilespmem:v41+s25+$0x0] =	vst.idx.msk $0xffff, v40  }
0x231: {  	[tilespmem:v43+s25+$0x0] =	vst.idx.msk $0xffff, v42  }
0x232: {  	[tilespmem:v45+s25+$0x0] =	vst.idx.msk $0xffff, v44  }
0x233: {  	[tilespmem:v63+s25+$0x0] =	vst.idx.msk $0xffff, v35  }
0x234: {  	[tilespmem:v46+s25+$0x0] =	vst.idx.msk $0xffff, v34  }
0x235: {  	[tilespmem:v47+s25+$0x0] =	vst.idx.msk $0xffff, v33  }
0x236: {  	v33 =	vld [tilespmem:s9+$0xB0]  }
0x237: {  	v34 =	vld [tilespmem:s9+$0xA0]  }
0x238: {  	v48 =	vadd.s32 v8, v32;
	v36 =	vld [tilespmem:s9+$0x80]  }
0x239: {  	v49 =	vadd.s32 v9, v32;
	v35 =	vld [tilespmem:s9+$0x90]  }
0x23a: {  	v50 =	vadd.s32 v10, v32;
	v38 =	vld [tilespmem:s9+$0xC0]  }
0x23b: {  	v51 =	vadd.s32 v11, v32;
	v40 =	vld [tilespmem:s9+$0xD0]  }
0x23c: {  	v52 =	vadd.s32 v12, v32;
	v42 =	vld [tilespmem:s9+$0xE0]  }
0x23d: {  	v53 =	vadd.s32 v13, v32;
	v44 =	vld [tilespmem:s9+$0xF0];
	[tilespmem:v48+s25+$0x0] =	vst.idx.msk $0xffff, v36  }
0x23e: {  	v54 =	vadd.s32 v14, v32;
	[tilespmem:v49+s25+$0x0] =	vst.idx.msk $0xffff, v35  }
0x23f: {  	v55 =	vadd.s32 v15, v32;
	[tilespmem:v50+s25+$0x0] =	vst.idx.msk $0xffff, v34  }
0x240: {  	[tilespmem:v51+s25+$0x0] =	vst.idx.msk $0xffff, v33  }
0x241: {  	[tilespmem:v52+s25+$0x0] =	vst.idx.msk $0xffff, v38  }
0x242: {  	[tilespmem:v53+s25+$0x0] =	vst.idx.msk $0xffff, v40  }
0x243: {  	[tilespmem:v54+s25+$0x0] =	vst.idx.msk $0xffff, v42  }
0x244: {  	[tilespmem:v55+s25+$0x0] =	vst.idx.msk $0xffff, v44  }
0x245: {  	v33 =	vld [tilespmem:s9+$0x160]  }
0x246: {  	v34 =	vld [tilespmem:s9+$0x170]  }
0x247: {  	v56 =	vadd.s32 v16, v32;
	v36 =	vld [tilespmem:s9+$0x100]  }
0x248: {  	v57 =	vadd.s32 v17, v32;
	v35 =	vld [tilespmem:s9+$0x110]  }
0x249: {  	v58 =	vadd.s32 v18, v32;
	v38 =	vld [tilespmem:s9+$0x120]  }
0x24a: {  	v59 =	vadd.s32 v19, v32;
	v40 =	vld [tilespmem:s9+$0x130]  }
0x24b: {  	v60 =	vadd.s32 v20, v32;
	v42 =	vld [tilespmem:s9+$0x140]  }
0x24c: {  	v61 =	vadd.s32 v21, v32;
	v44 =	vld [tilespmem:s9+$0x150];
	[tilespmem:v56+s25+$0x0] =	vst.idx.msk $0xffff, v36  }
0x24d: {  	v62 =	vadd.s32 v22, v32;
	[tilespmem:v57+s25+$0x0] =	vst.idx.msk $0xffff, v35  }
0x24e: {  	v63 =	vadd.s32 v23, v32;
	[tilespmem:v58+s25+$0x0] =	vst.idx.msk $0xffff, v38  }
0x24f: {  	[tilespmem:v59+s25+$0x0] =	vst.idx.msk $0xffff, v40  }
0x250: {  	[tilespmem:v60+s25+$0x0] =	vst.idx.msk $0xffff, v42  }
0x251: {  	[tilespmem:v61+s25+$0x0] =	vst.idx.msk $0xffff, v44  }
0x252: {  	[tilespmem:v62+s25+$0x0] =	vst.idx.msk $0xffff, v33  }
0x253: {  	[tilespmem:v63+s25+$0x0] =	vst.idx.msk $0xffff, v34  }
0x254: {  	v35 =	vld [tilespmem:s9+$0x1F0]  }
0x255: {  	v37 =	vld [tilespmem:s9+$0x190]  }
0x256: {  	v36 =	vld [tilespmem:s9+$0x1A0]  }
0x257: {  	v43 =	vadd.s32 v24, v32;
	v42 =	vld [tilespmem:s9+$0x180]  }
0x258: {  	v39 =	vadd.s32 v25, v32;
	v40 =	vadd.s32 v26, v32;
	v38 =	vld [tilespmem:s9+$0x1C0]  }
0x259: {  	s10 =	simm.s32 $0x0;
	s11 =	simm.s32 $0xA400;
	v44 =	vadd.s32 v27, v32;
	v33 =	vadd.s32 v28, v32;
	v34 =	vadd.s32 $0x10, v32;
	v41 =	vld [tilespmem:s9+$0x1B0]  }
.LBB2_18:
0x25a: {  	v45 =	vadd.s32 v28, v34;
	s10 =	sadd.s32 $0x4, s10;
	v46 =	vld [tilespmem:s9+$0x1E0];
	s11 =	sadd.s32 $0x200, s11  }
0x25b: {  	v48 =	vadd.s32 v29, v32;
	p2 =	slt.u32 s10, $0x7C;
	v47 =	vld [tilespmem:s9+$0x1D0];
	s9 =	smov.u32 s11  }
0x25c: {  	[tilespmem:v43+s25+$0x0] =	vst.idx.msk $0xffff, v42;
	v42 =	vadd.s32 v30, v32  }
0x25d: {  	[tilespmem:v39+s25+$0x0] =	vst.idx.msk $0xffff, v37;
	v37 =	vadd.s32 v31, v32;
	v32 =	vmov v34  }
0x25e: {  	[tilespmem:v40+s25+$0x0] =	vst.idx.msk $0xffff, v36  }
0x25f: {  	[tilespmem:v44+s25+$0x0] =	vst.idx.msk $0xffff, v41  }
0x260: {  	[tilespmem:v33+s25+$0x0] =	vst.idx.msk $0xffff, v38;
	v33 =	vmov v45  }
0x261: {  	[tilespmem:v48+s25+$0x0] =	vst.idx.msk $0xffff, v47  }
0x262: {  	[tilespmem:v42+s25+$0x0] =	vst.idx.msk $0xffff, v46  }
0x263: {  	[tilespmem:v37+s25+$0x0] =	vst.idx.msk $0xffff, v35  }
0x264: {  	v35 =	vld [tilespmem:s11+$0x70]  }
0x265: {  	v36 =	vld [tilespmem:s11+$0x60]  }
0x266: {  	v37 =	vld [tilespmem:s11+$0x50]  }
0x267: {  	v39 =	vadd.s32 v0, v34;
	v38 =	vld [tilespmem:s11+$0x0]  }
0x268: {  	v41 =	vadd.s32 v1, v34;
	v40 =	vld [tilespmem:s11+$0x10]  }
0x269: {  	v43 =	vadd.s32 v2, v34;
	v42 =	vld [tilespmem:s11+$0x20]  }
0x26a: {  	v45 =	vadd.s32 v3, v34;
	v44 =	vld [tilespmem:s11+$0x30]  }
0x26b: {  	v47 =	vadd.s32 v4, v34;
	v46 =	vld [tilespmem:s11+$0x40]  }
0x26c: {  	[tilespmem:v39+s25+$0x0] =	vst.idx.msk $0xffff, v38;
	v38 =	vadd.s32 v5, v34  }
0x26d: {  	v39 =	vadd.s32 v6, v34;
	[tilespmem:v41+s25+$0x0] =	vst.idx.msk $0xffff, v40  }
0x26e: {  	v40 =	vadd.s32 v7, v34;
	[tilespmem:v43+s25+$0x0] =	vst.idx.msk $0xffff, v42  }
0x26f: {  	[tilespmem:v45+s25+$0x0] =	vst.idx.msk $0xffff, v44  }
0x270: {  	[tilespmem:v47+s25+$0x0] =	vst.idx.msk $0xffff, v46  }
0x271: {  	[tilespmem:v38+s25+$0x0] =	vst.idx.msk $0xffff, v37  }
0x272: {  	[tilespmem:v39+s25+$0x0] =	vst.idx.msk $0xffff, v36  }
0x273: {  	[tilespmem:v40+s25+$0x0] =	vst.idx.msk $0xffff, v35  }
0x274: {  	v35 =	vld [tilespmem:s11+$0xB0]  }
0x275: {  	v36 =	vld [tilespmem:s11+$0xA0]  }
0x276: {  	v37 =	vld [tilespmem:s11+$0x90]  }
0x277: {  	v39 =	vadd.s32 v8, v34;
	v38 =	vld [tilespmem:s11+$0x80]  }
0x278: {  	v41 =	vadd.s32 v9, v34;
	v40 =	vld [tilespmem:s11+$0xC0]  }
0x279: {  	v43 =	vadd.s32 v10, v34;
	v42 =	vld [tilespmem:s11+$0xD0]  }
0x27a: {  	v45 =	vadd.s32 v11, v34;
	v44 =	vld [tilespmem:s11+$0xE0]  }
0x27b: {  	v47 =	vadd.s32 v12, v34;
	v46 =	vld [tilespmem:s11+$0xF0]  }
0x27c: {  	[tilespmem:v39+s25+$0x0] =	vst.idx.msk $0xffff, v38;
	v38 =	vadd.s32 v13, v34  }
0x27d: {  	[tilespmem:v41+s25+$0x0] =	vst.idx.msk $0xffff, v37;
	v37 =	vadd.s32 v14, v34  }
0x27e: {  	[tilespmem:v43+s25+$0x0] =	vst.idx.msk $0xffff, v36;
	v36 =	vadd.s32 v15, v34  }
0x27f: {  	[tilespmem:v45+s25+$0x0] =	vst.idx.msk $0xffff, v35  }
0x280: {  	[tilespmem:v47+s25+$0x0] =	vst.idx.msk $0xffff, v40  }
0x281: {  	[tilespmem:v38+s25+$0x0] =	vst.idx.msk $0xffff, v42  }
0x282: {  	[tilespmem:v37+s25+$0x0] =	vst.idx.msk $0xffff, v44  }
0x283: {  	[tilespmem:v36+s25+$0x0] =	vst.idx.msk $0xffff, v46  }
0x284: {  	v35 =	vld [tilespmem:s11+$0x160]  }
0x285: {  	v36 =	vld [tilespmem:s11+$0x170]  }
0x286: {  	v37 =	vld [tilespmem:s11+$0x110]  }
0x287: {  	v39 =	vadd.s32 v16, v34;
	v38 =	vld [tilespmem:s11+$0x100]  }
0x288: {  	v41 =	vadd.s32 v17, v34;
	v40 =	vld [tilespmem:s11+$0x120]  }
0x289: {  	v43 =	vadd.s32 v18, v34;
	v42 =	vld [tilespmem:s11+$0x130]  }
0x28a: {  	v45 =	vadd.s32 v19, v34;
	v44 =	vld [tilespmem:s11+$0x140]  }
0x28b: {  	v47 =	vadd.s32 v20, v34;
	v46 =	vld [tilespmem:s11+$0x150]  }
0x28c: {  	[tilespmem:v39+s25+$0x0] =	vst.idx.msk $0xffff, v38;
	v38 =	vadd.s32 v21, v34  }
0x28d: {  	[tilespmem:v41+s25+$0x0] =	vst.idx.msk $0xffff, v37;
	v37 =	vadd.s32 v22, v34  }
0x28e: {  	v39 =	vadd.s32 v23, v34;
	[tilespmem:v43+s25+$0x0] =	vst.idx.msk $0xffff, v40  }
0x28f: {  	[tilespmem:v45+s25+$0x0] =	vst.idx.msk $0xffff, v42  }
0x290: {  	[tilespmem:v47+s25+$0x0] =	vst.idx.msk $0xffff, v44  }
0x291: {  	[tilespmem:v38+s25+$0x0] =	vst.idx.msk $0xffff, v46  }
0x292: {  	[tilespmem:v37+s25+$0x0] =	vst.idx.msk $0xffff, v35  }
0x293: {  	[tilespmem:v39+s25+$0x0] =	vst.idx.msk $0xffff, v36  }
0x294: {  	v35 =	vld [tilespmem:s11+$0x1F0]  }
.Ltmp12:
0x295: {  	v37 =	vld [tilespmem:s11+$0x190];
	(pc) =	sbr.rel @p2 .LBB2_18-.Ltmp12, $4  }
0x296: {  	v43 =	vadd.s32 v24, v34;
	v36 =	vld [tilespmem:s11+$0x1A0]  }
0x297: {  	v39 =	vadd.s32 v25, v34;
	v42 =	vld [tilespmem:s11+$0x180]  }
0x298: {  	v40 =	vadd.s32 v26, v34;
	v38 =	vld [tilespmem:s11+$0x1C0]  }
0x299: {  	v44 =	vadd.s32 v27, v32;
	v34 =	vadd.s32 $0x10, v34;
	v41 =	vld [tilespmem:s11+$0x1B0]  }
0x29a: {  	_ =	sdelay $0x2  }
0x29b: {  	v34 =	vld [tilespmem:s9+$0x1E0]  }
0x29c: {  	v45 =	vld [tilespmem:s9+$0x1D0];
	v46 =	vadd.s32 v29, v32;
	[tilespmem:v43+s25+$0x0] =	vst.idx.msk $0xffff, v42  }
0x29d: {  	v62 =	vadd.s32 v30, v32;
	[tilespmem:v39+s25+$0x0] =	vst.idx.msk $0xffff, v37  }
0x29e: {  	v63 =	vadd.s32 v31, v32;
	[tilespmem:v40+s25+$0x0] =	vst.idx.msk $0xffff, v36  }
0x29f: {  	[tilespmem:v44+s25+$0x0] =	vst.idx.msk $0xffff, v41  }
0x2a0: {  	[tilespmem:v33+s25+$0x0] =	vst.idx.msk $0xffff, v38  }
0x2a1: {  	[tilespmem:v46+s25+$0x0] =	vst.idx.msk $0xffff, v45  }
0x2a2: {  	[tilespmem:v62+s25+$0x0] =	vst.idx.msk $0xffff, v34  }
0x2a3: {  	[tilespmem:v63+s25+$0x0] =	vst.idx.msk $0xffff, v35  }
.LBB2_20:
0x2a4: {  	s9 =	sor.u32 @!p1 $0x200, s1;
	s10 =	simm.s32 @!p1 $0x80;
	s11 =	simm.s32 @!p1 $0xA400  }
0x2a5: {  	[tilespmem:s11], [sflag:$0x2] =	stream.indirect.gather @!p1 [hbm4b:s3+s10], $0x20, s9, s10, $0xb8;
	[tilespmem:$0x1E600] =	vst v63  }
0x2a6: {  	s9 =	sor.u32 @!p1 $0x280, s1;
	s11 =	simm.s32 @!p1 $0xB400  }
0x2a7: {  	[tilespmem:s11], [sflag:$0x2] =	stream.indirect.gather @!p1 [hbm4b:s3+s10], $0x20, s9, s10, $0xb8;
	[tilespmem:$0x1E600] =	vst v63  }
0x2a8: {  	s9 =	sor.u32 @!p1 $0x300, s1;
	s11 =	simm.s32 @!p1 $0xC400  }
0x2a9: {  	[tilespmem:s11], [sflag:$0x2] =	stream.indirect.gather @!p1 [hbm4b:s3+s10], $0x20, s9, s10, $0xb8;
	[tilespmem:$0x1E600] =	vst v63  }
0x2aa: {  	p2 =	sne.s32 @!p1 s31, $0x0;
	s1 =	sor.u32 @!p1 $0x380, s1;
	s9 =	simm.s32 @!p1 $0xD400  }
0x2ab: {  	[tilespmem:s9], [sflag:$0x2] =	stream.indirect.gather @!p1 [hbm4b:s3+s10], $0x20, s1, s10, $0xb8;
	[tilespmem:$0x1E600] =	vst v63  }
0x2ac: {  	p1 =	por p1, !p2  }
.Ltmp13:
0x2ad: {  	_ = 	snop;
	(pc) =	sbr.rel @!p1 .LBB2_23-.Ltmp13, $3  }
0x2ae: {  	_ =	sdelay $0x1  }
0x2af: {  	s9 =	sshll.u32 s30, $0xC  }
0x2b0: {  	s1 =	sadd.s32 s9, s4  }
0x2b1: {  	s9 =	sadd.s32 s9, s4;
	s10 =	simm.s32 $0xE400  }
0x2b2: {  	[hbm4b:s9+s2] =	stream.linear.scatter [tilespmem:s10], [sflag:$0x3], $0x400, $0x38;
	[tilespmem:$0x1E600] =	vst v63  }
0x2b3: {  	s10 =	simm.s32 $0x1020  }
.LBB2_22:
0x2b4: {  	p1 =	sne.s32 s10, $0x1F3E0  }
.Ltmp14:
0x2b5: {  	_ = 	snop;
	(pc) =	sbr.rel @p1 .LBB2_22-.Ltmp14, $4  }
0x2b6: {  	_ = 	snop  }
0x2b7: {  	s11 =	sshra.s32 s10, $0x2;
	s10 =	sadd.s32 $0x1020, s10  }
0x2b8: {  	s9 =	sadd.s32 $0x19000, s9;
	s11 =	sadd.s32 $0xE400, s11  }
0x2b9: {  	[hbm4b:s9+s2] =	stream.linear.scatter [tilespmem:s11], [sflag:$0x3], $0x400, $0x38;
	[tilespmem:$0x1E600] =	vst v63  }
.LBB2_23:
.Ltmp15:
0x2ba: {  	(pc) =	sbr.rel @!p0 .LBB2_26-.Ltmp15, $1  }
0x2bb: {  	_ =	sdelay $0x3  }
0x2bc: {  	s9 =	simm.s32 $0x16500  }
0x2bd: {  	[hbm4b:s1+s2] =	stream.linear.scatter [tilespmem:s9], [sflag:$0x4], $0x400, $0x38;
	[tilespmem:$0x1E600] =	vst v63  }
0x2be: {  	s9 =	simm.s32 $0x1020  }
.LBB2_25:
0x2bf: {  	p0 =	sne.s32 s9, $0x1F3E0  }
.Ltmp16:
0x2c0: {  	_ = 	snop;
	(pc) =	sbr.rel @p0 .LBB2_25-.Ltmp16, $4  }
0x2c1: {  	_ = 	snop  }
0x2c2: {  	s10 =	sshra.s32 s9, $0x2;
	s9 =	sadd.s32 $0x1020, s9  }
0x2c3: {  	s1 =	sadd.s32 $0x19000, s1;
	s10 =	sadd.s32 $0x16500, s10  }
0x2c4: {  	[hbm4b:s1+s2] =	stream.linear.scatter [tilespmem:s10], [sflag:$0x4], $0x400, $0x38;
	[tilespmem:$0x1E600] =	vst v63  }
.Ltmp17:
0x2c5: {  	_ = 	snop;
	(pc) =	sbr.rel .LBB2_26-.Ltmp17, $1  }
0x2c6: {  	_ =	sdelay $0x3  }
.LBB2_28:
0x2c7: {  	_ =	sfence.sel $0x180000  }
0x2c8: {  	[bflag:$0x0] =	sbarrier.arrive $0xFFFF  }
0x2c9: {  	_ =	strace $0x90000047  }
0x2ca: {  	s0 =	stileid.u32;
	[bflag:$0x2] =	sbarrier.arrive $0xFFFF  }
0x2cb: {  	p0 =	sne.s32 s0, $0x0;
	s0 =	rddreg [dreg:$0x2]  }
0x2cc: {  	s0 =	sadd.s32 @!p0 $0x100000, s0  }
0x2cd: {  	[sflag:s0] =	ssyncadd.tile.s32 @!p0 $0x1;
	_ =	shalt  }
.Lfunc_end2:
_tile_overlayer_lowered:
.L_overlay_start_2:
0x2ce: {  	(tag) =	ssettag $0x2  }
0x2cf: {  	s0 =	rddreg [dreg:$0x0];
	s2 =	stileid.u32  }
0x2d0: {  	s1 =	rddreg [dreg:$0x1];
	p0 =	sne.s32 s2, $0x0  }
0x2d1: {  	s3 =	rddreg [dreg:$0x2];
	[bflag:$0x3] =	sbarrier.arrive $0xFFFF;
	s2 =	simm.s32 @!p0 $0x1C05  }
0x2d2: {  	[timem:s3], [sflag:s2] =	dma.local @!p0 [hbm:s0], s1  }
0x2d3: {  	s0 =	simm.s32 @!p0 $0x5  }
0x2d4: {  	_ =	swait.ge @!p0 [sflag:s0], s1  }
0x2d5: {  	s1 =	ssub.s32 @!p0 $0x0, s1;
	[sflag:s0] =	ssyncset.done @!p0 $0x0  }
0x2d6: {  	[sflag:s0] =	ssyncadd.s32 @!p0 s1  }
0x2d7: {  	[bflag:$0x3] =	sbarrier.arrive $0xFFFF  }
0x2d8: {  	_ =	shalt  }

</sc_bundles>
